<compile_context>
chip_gen: v7x
topology: tpu7x:2x2x1
jax: 0.10.2.dev20260603
libtpu: 0.0.44.dev20260713+nightly
codegen_flags: <defaults>
</compile_context>

<pallas_src>
import functools

import jax
import jax.numpy as jnp
from jax import lax
from jax.experimental import pallas as pl
from jax.experimental.pallas import tpu as pltpu
from jax.experimental.pallas import tpu_sc as plsc

N = 10000
E = 320000
H = 128

NC = 2
NS = 16
NW = NC * NS
CH = 128
NCHUNK = 80
EPW = NCHUNK * CH
EPAD = NW * EPW
NPAD = 10240
ROWS_PT = NPAD // NS

_sc_mesh = plsc.VectorSubcoreMesh(core_axis_name="c", subcore_axis_name="s")


@functools.partial(
    pl.kernel,
    out_type=jax.ShapeDtypeStruct((NC, NPAD, H), jnp.float32),
    mesh=_sc_mesh,
    scratch_types=[
        pltpu.VMEM((NCHUNK // 8, 8, CH), jnp.int32),
        pltpu.VMEM((CH,), jnp.int32),
        pltpu.VMEM((CH,), jnp.int32),
        pltpu.VMEM((CH,), jnp.int32),
        pltpu.VMEM((CH,), jnp.int32),
        pltpu.VMEM((CH, H), jnp.float32),
        pltpu.VMEM((CH, H), jnp.float32),
        pltpu.VMEM_SHARED((NPAD, H), jnp.float32),
        pltpu.SemaphoreType.DMA,
        pltpu.SemaphoreType.DMA,
    ],
)
def _segsum(h_hbm, idx_hbm, zero_hbm, out_hbm,
            idx_v, src_a, dst_a, src_b, dst_b, rows_a, rows_b, acc_sh,
            sem_ga, sem_gb):
    c = lax.axis_index("c")
    s = lax.axis_index("s")
    wid = c * NS + s

    def unpack(i, src_ref, dst_ref):
        for k in range(CH // 16):
            v = idx_v[i // 8, i % 8, pl.ds(k * 16, 16)]
            src_ref[pl.ds(k * 16, 16)] = v & 0xFFFF
            dst_ref[pl.ds(k * 16, 16)] = lax.shift_right_logical(v, 16)

    r0 = s * ROWS_PT
    zdesc = pltpu.async_copy(zero_hbm.at[pl.ds(r0, ROWS_PT)],
                             acc_sh.at[pl.ds(r0, ROWS_PT)], sem_ga)
    pltpu.sync_copy(idx_hbm.at[:, wid], idx_v)
    unpack(0, src_a, dst_a)
    unpack(1, src_b, dst_b)
    zdesc.wait()
    plsc.subcore_barrier()
    pltpu.async_copy(h_hbm.at[src_a], rows_a, sem_ga)
    pltpu.async_copy(h_hbm.at[src_b], rows_b, sem_gb)

    def body(j, carry):
        i0 = 2 * j
        pltpu.make_async_copy(h_hbm.at[src_a], rows_a, sem_ga).wait()
        pltpu.sync_copy(rows_a, acc_sh.at[dst_a], add=True)
        unpack(i0 + 2, src_a, dst_a)
        pltpu.async_copy(h_hbm.at[src_a], rows_a, sem_ga)

        pltpu.make_async_copy(h_hbm.at[src_b], rows_b, sem_gb).wait()
        pltpu.sync_copy(rows_b, acc_sh.at[dst_b], add=True)
        unpack(i0 + 3, src_b, dst_b)
        pltpu.async_copy(h_hbm.at[src_b], rows_b, sem_gb)
        return carry

    lax.fori_loop(0, NCHUNK // 2 - 1, body, 0)
    pltpu.make_async_copy(h_hbm.at[src_a], rows_a, sem_ga).wait()
    pltpu.sync_copy(rows_a, acc_sh.at[dst_a], add=True)
    pltpu.make_async_copy(h_hbm.at[src_b], rows_b, sem_gb).wait()
    pltpu.sync_copy(rows_b, acc_sh.at[dst_b], add=True)

    plsc.subcore_barrier()
    pltpu.sync_copy(acc_sh.at[pl.ds(r0, ROWS_PT)],
                    out_hbm.at[c, pl.ds(r0, ROWS_PT)])


def _res_body(h_ref, Wr_ref, br_ref, out_ref):
    r = jnp.dot(h_ref[...], Wr_ref[...], preferred_element_type=jnp.float32)
    out_ref[...] = jnp.maximum(r + br_ref[...], 0.0)


_res = pl.pallas_call(
    _res_body,
    out_shape=jax.ShapeDtypeStruct((N, H), jnp.float32),
)


def _layer_body(aggp_ref, res_ref, W_ref, b_ref, g_ref, be_ref, out_ref):
    agg = aggp_ref[0, :N, :] + aggp_ref[1, :N, :]
    o = jnp.dot(agg, W_ref[...], preferred_element_type=jnp.float32)
    o = jnp.maximum(o + b_ref[...], 0.0)
    o = o + res_ref[...]
    mu = jnp.mean(o, axis=0, keepdims=True)
    var = jnp.mean((o - mu) ** 2, axis=0, keepdims=True)
    out_ref[...] = g_ref[...] * (o - mu) / jnp.sqrt(var + 1e-5) + be_ref[...]


_layer = pl.pallas_call(
    _layer_body,
    out_shape=jax.ShapeDtypeStruct((N, H), jnp.float32),
)


def _layer2_readout_body(aggp_ref, res_ref, W_ref, b_ref,
                         g_ref, be_ref, watt_ref, batt_ref, out_ref):
    agg = aggp_ref[0, :N, :] + aggp_ref[1, :N, :]
    o = jnp.dot(agg, W_ref[...], preferred_element_type=jnp.float32)
    o = jnp.maximum(o + b_ref[...], 0.0)
    o = o + res_ref[...]
    mu = jnp.mean(o, axis=0, keepdims=True)
    var = jnp.mean((o - mu) ** 2, axis=0, keepdims=True)
    h2 = g_ref[...] * (o - mu) / jnp.sqrt(var + 1e-5) + be_ref[...]
    s = jnp.sum(h2 * watt_ref[...], axis=1, keepdims=True) + batt_ref[...]
    w = jax.nn.sigmoid(s)
    out_ref[:, :H] = jnp.sum(w * h2, axis=0, keepdims=True)
    out_ref[:, H:] = jnp.max(h2, axis=0, keepdims=True)


_layer2_readout = pl.pallas_call(
    _layer2_readout_body,
    out_shape=jax.ShapeDtypeStruct((1, 2 * H), jnp.float32),
)


def kernel(x, edge_index, W1, b1, Wr1, br1, g1, be1,
           W2, b2, Wr2, br2, g2, be2, w_att, b_att):
    npad_e = EPAD - E
    ar = jnp.arange(npad_e, dtype=jnp.int32)
    pad_idx = ((ar * 37) % N | ((ar % (NPAD - N) + N) << 16)).reshape(-1, CH)
    ei = edge_index.reshape(2, E // CH, CH)
    idx = jnp.concatenate(
        [ei[0] | (ei[1] << 16), pad_idx], axis=0
    ).reshape(NCHUNK // 8, NW, 8, CH)
    zeros = jnp.zeros((NPAD, H), jnp.float32)

    aggp1 = _segsum(x, idx, zeros)
    res1 = _res(x, Wr1, br1.reshape(1, H))
    h1 = _layer(aggp1, res1, W1, b1.reshape(1, H),
                g1.reshape(1, H), be1.reshape(1, H))
    aggp2 = _segsum(h1, idx, zeros)
    res2 = _res(h1, Wr2, br2.reshape(1, H))
    out = _layer2_readout(aggp2, res2, W2, b2.reshape(1, H),
                          g2.reshape(1, H),
                          be2.reshape(1, H), w_att.reshape(1, H),
                          b_att.reshape(1, 1))
    return out

# --- scband reference (transcript-rebuilt; emitter-appended) ---
"""Pipeline reference for scband-gcn-9715216023825 (READ-ONLY COPY).

The authoritative reference and input builder live on the scoring server;
editing this copy changes nothing except your own understanding.
"""

import jax, jax.numpy as jnp
import numpy as np

N = 10000
E = 320000
D = 128
H = 128


def setup_inputs(seed: int = 0) -> dict:
    key = jax.random.key(seed)
    ks = jax.random.split(key, 20)
    inp = {}
    inp['x'] = jax.random.normal(ks[0], (N, D), dtype=jnp.float32)
    inp['edge_index'] = jax.random.randint(ks[1], (2, E), 0, N, dtype=jnp.int32)
    # Layer 1 params (GraphConv W/b, residual Linear, BatchNorm gamma/beta)
    inp['W1'] = jax.random.normal(ks[2], (D, H), dtype=jnp.float32) * 0.05
    inp['b1'] = jnp.zeros((H,), dtype=jnp.float32)
    inp['Wr1'] = jax.random.normal(ks[3], (D, H), dtype=jnp.float32) * 0.05
    inp['br1'] = jnp.zeros((H,), dtype=jnp.float32)
    inp['g1'] = jnp.ones((H,), dtype=jnp.float32)
    inp['be1'] = jnp.zeros((H,), dtype=jnp.float32)
    # Layer 2 params
    inp['W2'] = jax.random.normal(ks[4], (H, H), dtype=jnp.float32) * 0.05
    inp['b2'] = jnp.zeros((H,), dtype=jnp.float32)
    inp['Wr2'] = jax.random.normal(ks[5], (H, H), dtype=jnp.float32) * 0.05
    inp['br2'] = jnp.zeros((H,), dtype=jnp.float32)
    inp['g2'] = jnp.ones((H,), dtype=jnp.float32)
    inp['be2'] = jnp.zeros((H,), dtype=jnp.float32)
    # WeightedSumAndMax readout: atom weighting linear (H -> 1)
    inp['w_att'] = jax.random.normal(ks[6], (H, 1), dtype=jnp.float32) * 0.05
    inp['b_att'] = jnp.zeros((1,), dtype=jnp.float32)
    return inp


def _batchnorm(h, gamma, beta):
    mu = jnp.mean(h, axis=0)
    var = jnp.var(h, axis=0)
    return gamma * (h - mu) / jnp.sqrt(var + 1e-5) + beta


def reference(x, edge_index, W1, b1, Wr1, br1, g1, be1, W2, b2, Wr2, br2, g2, be2, w_att, b_att):
    src = edge_index[0]
    dst = edge_index[1]

    def gcn_layer(h, W, b, Wr, br, gamma, beta):
        # GraphConv norm='none': sum-aggregate messages (copy_u, sum) then linear
        agg = jax.ops.segment_sum(h[src], dst, num_segments=N)
        out = jax.nn.relu(agg @ W + b)
        # residual connection with activation
        res = jax.nn.relu(h @ Wr + br)
        out = out + res
        # dropout p=0 -> identity; batchnorm (training-mode batch stats)
        return _batchnorm(out, gamma, beta)

    h = gcn_layer(x, W1, b1, Wr1, br1, g1, be1)
    h = gcn_layer(h, W2, b2, Wr2, br2, g2, be2)
    # WeightedSumAndMax readout over the single graph
    w = jax.nn.sigmoid(h @ w_att + b_att)  # [N, 1]
    h_sum = jnp.sum(w * h, axis=0, keepdims=True)  # [1, H]
    h_max = jnp.max(h, axis=0, keepdims=True)      # [1, H]
    return jnp.concatenate([h_sum, h_max], axis=1)  # [1, 2H]

if __name__ == "__main__":
    import jax
    _d = setup_inputs()
    print(jax.jit(kernel)(*tuple(_d.values())))

</pallas_src>

<mosaic_0001>
#map = affine_map<(d0, d1) -> (0, 0)>
#map1 = affine_map<(d0, d1) -> (0, 0, 0, 0)>
#map2 = affine_map<(d0, d1) -> (0, 0, 0)>
module attributes {stable_mosaic.version = 14 : i64} {
  func.func @_segsum(%arg0: i32, %arg1: i32, %arg2: memref<10000x128xf32, #tpu.memory_space<hbm>>, %arg3: memref<10x32x8x128xi32, #tpu.memory_space<hbm>>, %arg4: memref<10240x128xf32, #tpu.memory_space<hbm>>, %arg5: memref<2x10240x128xf32, #tpu.memory_space<hbm>>, %arg6: memref<10x8x128xi32, #tpu.memory_space<vmem>>, %arg7: memref<128xi32, #tpu.memory_space<vmem>>, %arg8: memref<128xi32, #tpu.memory_space<vmem>>, %arg9: memref<128xi32, #tpu.memory_space<vmem>>, %arg10: memref<128xi32, #tpu.memory_space<vmem>>, %arg11: memref<128x128xf32, #tpu.memory_space<vmem>>, %arg12: memref<128x128xf32, #tpu.memory_space<vmem>>, %arg13: memref<10240x128xf32, #tpu.memory_space<vmem_shared>>, %arg14: memref<!tpu.dma_semaphore, #tpu.memory_space<semaphore_mem>>, %arg15: memref<!tpu.dma_semaphore, #tpu.memory_space<semaphore_mem>>) attributes {dimension_semantics = [#tpu.dimension_semantics<core_parallel>, #tpu.dimension_semantics<subcore_parallel>], iteration_bounds = array<i64: 2, 16>, scalar_prefetch = 0 : i64, scratch_operands = 10 : i64, tpu.core_type = #tpu.core_type<sc_vector_subcore>, window_params = [{transform_indices = #map}, {transform_indices = #map1}, {transform_indices = #map}, {transform_indices = #map2}]} {
    %mul3A = arith.constant 16 : i32
    %mul3A_0 = arith.muli %arg0, %mul3A : i32
    %add3A = arith.addi %mul3A_0, %arg1 : i32
    %mul3A_1 = arith.constant 640 : i32
    %mul3A_2 = arith.muli %arg1, %mul3A_1 : i32
    %dma_start3A = arith.constant 0 : i32
    %dma_start3A_3 = tpu.memref_slice %arg13[%mul3A_2, %dma_start3A] : memref<10240x128xf32, #tpu.memory_space<vmem_shared>> -> memref<640x128xf32, #tpu.memory_space<vmem_shared>>
    %dma_start3A_4 = arith.constant 0 : i32
    %dma_start3A_5 = tpu.memref_slice %arg4[%mul3A_2, %dma_start3A_4] : memref<10240x128xf32, #tpu.memory_space<hbm>> -> memref<640x128xf32, #tpu.memory_space<hbm>>
    tpu.enqueue_dma source(%dma_start3A_5 : memref<640x128xf32, #tpu.memory_space<hbm>>) target(%dma_start3A_3 : memref<640x128xf32, #tpu.memory_space<vmem_shared>>) target_semaphore(%arg14 : memref<!tpu.dma_semaphore, #tpu.memory_space<semaphore_mem>>)
    "tpu.region"() ({
      %run_scoped3A = tpu.sem_alloc : memref<!tpu.dma_semaphore, #tpu.memory_space<semaphore_mem>>
      %dma_start3A_359 = arith.constant 0 : i32
      %dma_start3A_360 = arith.constant 0 : i32
      %dma_start3A_361 = arith.constant 0 : i32
      %dma_start3A_362 = tpu.memref_slice %arg3[%dma_start3A_359, %add3A, %dma_start3A_360, %dma_start3A_361] : memref<10x32x8x128xi32, #tpu.memory_space<hbm>> -> memref<10x1x8x128xi32, #tpu.memory_space<hbm>>
      %dma_start3A_363 = tpu.memref_squeeze %dma_start3A_362 : memref<10x1x8x128xi32, #tpu.memory_space<hbm>> -> memref<10x8x128xi32, #tpu.memory_space<hbm>>
      %dma_start3A_364 = arith.constant 0 : i32
      %dma_start3A_365 = arith.constant 0 : i32
      %dma_start3A_366 = arith.constant 0 : i32
      %dma_start3A_367 = tpu.memref_slice %arg3[%dma_start3A_364, %add3A, %dma_start3A_365, %dma_start3A_366] : memref<10x32x8x128xi32, #tpu.memory_space<hbm>> -> memref<10x1x8x128xi32, #tpu.memory_space<hbm>>
      %dma_start3A_368 = tpu.memref_squeeze %dma_start3A_367 : memref<10x1x8x128xi32, #tpu.memory_space<hbm>> -> memref<10x8x128xi32, #tpu.memory_space<hbm>>
      tpu.enqueue_dma source(%dma_start3A_368 : memref<10x8x128xi32, #tpu.memory_space<hbm>>) target(%arg6 : memref<10x8x128xi32, #tpu.memory_space<vmem>>) target_semaphore(%run_scoped3A : memref<!tpu.dma_semaphore, #tpu.memory_space<semaphore_mem>>)
      %dma_wait3A_369 = arith.constant 0 : i32
      %dma_wait3A_370 = arith.constant 0 : i32
      %dma_wait3A_371 = arith.constant 0 : i32
      %dma_wait3A_372 = tpu.memref_slice %arg3[%dma_wait3A_369, %add3A, %dma_wait3A_370, %dma_wait3A_371] : memref<10x32x8x128xi32, #tpu.memory_space<hbm>> -> memref<10x1x8x128xi32, #tpu.memory_space<hbm>>
      %dma_wait3A_373 = tpu.memref_squeeze %dma_wait3A_372 : memref<10x1x8x128xi32, #tpu.memory_space<hbm>> -> memref<10x8x128xi32, #tpu.memory_space<hbm>>
      %dma_wait3A_374 = arith.constant 0 : i32
      %dma_wait3A_375 = arith.constant 0 : i32
      %dma_wait3A_376 = arith.constant 0 : i32
      %dma_wait3A_377 = tpu.memref_slice %arg3[%dma_wait3A_374, %add3A, %dma_wait3A_375, %dma_wait3A_376] : memref<10x32x8x128xi32, #tpu.memory_space<hbm>> -> memref<10x1x8x128xi32, #tpu.memory_space<hbm>>
      %dma_wait3A_378 = tpu.memref_squeeze %dma_wait3A_377 : memref<10x1x8x128xi32, #tpu.memory_space<hbm>> -> memref<10x8x128xi32, #tpu.memory_space<hbm>>
      tpu.wait_dma2 semaphore(%run_scoped3A : memref<!tpu.dma_semaphore, #tpu.memory_space<semaphore_mem>>) src(%dma_wait3A_378 : memref<10x8x128xi32, #tpu.memory_space<hbm>>) dst(%arg6 : memref<10x8x128xi32, #tpu.memory_space<vmem>>)
      tpu.yield
    }) : () -> ()
    %get3A = arith.constant 0 : i32
    %get3A_6 = arith.constant 0 : i32
    %get3A_7 = arith.index_cast %get3A : i32 to index
    %get3A_8 = arith.index_cast %get3A_6 : i32 to index
    %get3A_9 = arith.constant 0 : index
    %get3A_10 = tpu.vector_load %arg6[%get3A_7, %get3A_8, %get3A_9] {strides = array<i32>} : memref<10x8x128xi32, #tpu.memory_space<vmem>>, vector<1x1x16xi32>,
    %get3A_11 = vector.shape_cast %get3A_10 : vector<1x1x16xi32> to vector<16xi32>
    %and3A = arith.constant 65535 : i32
    %and3A_12 = vector.broadcast %and3A : i32 to vector<16xi32>
    %and3A_13 = arith.andi %get3A_11, %and3A_12 : vector<16xi32>
    %swap3A = arith.constant 0 : index
    %swap3A_14 = tpu.vector_load %arg7[%swap3A] {strides = array<i32>} : memref<128xi32, #tpu.memory_space<vmem>>, vector<16xi32>,
    %swap3A_15 = vector.shape_cast %swap3A_14 : vector<16xi32> to vector<16xi32>
    %swap3A_16 = vector.shape_cast %and3A_13 : vector<16xi32> to vector<16xi32>
    tpu.vector_store %arg7[%swap3A], %swap3A_16 {strides = array<i32>} : memref<128xi32, #tpu.memory_space<vmem>>, vector<16xi32>,
    %shift_right_logical3A = arith.constant 16 : i32
    %shift_right_logical3A_17 = vector.broadcast %shift_right_logical3A : i32 to vector<16xi32>
    %shift_right_logical3A_18 = arith.shrui %get3A_11, %shift_right_logical3A_17 : vector<16xi32>
    %swap3A_19 = arith.constant 0 : index
    %swap3A_20 = tpu.vector_load %arg8[%swap3A_19] {strides = array<i32>} : memref<128xi32, #tpu.memory_space<vmem>>, vector<16xi32>,
    %swap3A_21 = vector.shape_cast %swap3A_20 : vector<16xi32> to vector<16xi32>
    %swap3A_22 = vector.shape_cast %shift_right_logical3A_18 : vector<16xi32> to vector<16xi32>
    tpu.vector_store %arg8[%swap3A_19], %swap3A_22 {strides = array<i32>} : memref<128xi32, #tpu.memory_space<vmem>>, vector<16xi32>,
    %get3A_23 = arith.constant 0 : i32
    %get3A_24 = arith.constant 0 : i32
    %get3A_25 = arith.index_cast %get3A_23 : i32 to index
    %get3A_26 = arith.index_cast %get3A_24 : i32 to index
    %get3A_27 = arith.constant 16 : index
    %get3A_28 = tpu.vector_load %arg6[%get3A_25, %get3A_26, %get3A_27] {strides = array<i32>} : memref<10x8x128xi32, #tpu.memory_space<vmem>>, vector<1x1x16xi32>,
    %get3A_29 = vector.shape_cast %get3A_28 : vector<1x1x16xi32> to vector<16xi32>
    %and3A_30 = arith.constant 65535 : i32
    %and3A_31 = vector.broadcast %and3A_30 : i32 to vector<16xi32>
    %and3A_32 = arith.andi %get3A_29, %and3A_31 : vector<16xi32>
    %swap3A_33 = arith.constant 16 : index
    %swap3A_34 = tpu.vector_load %arg7[%swap3A_33] {strides = array<i32>} : memref<128xi32, #tpu.memory_space<vmem>>, vector<16xi32>,
    %swap3A_35 = vector.shape_cast %swap3A_34 : vector<16xi32> to vector<16xi32>
    %swap3A_36 = vector.shape_cast %and3A_32 : vector<16xi32> to vector<16xi32>
    tpu.vector_store %arg7[%swap3A_33], %swap3A_36 {strides = array<i32>} : memref<128xi32, #tpu.memory_space<vmem>>, vector<16xi32>,
    %shift_right_logical3A_37 = arith.constant 16 : i32
    %shift_right_logical3A_38 = vector.broadcast %shift_right_logical3A_37 : i32 to vector<16xi32>
    %shift_right_logical3A_39 = arith.shrui %get3A_29, %shift_right_logical3A_38 : vector<16xi32>
    %swap3A_40 = arith.constant 16 : index
    %swap3A_41 = tpu.vector_load %arg8[%swap3A_40] {strides = array<i32>} : memref<128xi32, #tpu.memory_space<vmem>>, vector<16xi32>,
    %swap3A_42 = vector.shape_cast %swap3A_41 : vector<16xi32> to vector<16xi32>
    %swap3A_43 = vector.shape_cast %shift_right_logical3A_39 : vector<16xi32> to vector<16xi32>
    tpu.vector_store %arg8[%swap3A_40], %swap3A_43 {strides = array<i32>} : memref<128xi32, #tpu.memory_space<vmem>>, vector<16xi32>,
    %get3A_44 = arith.constant 0 : i32
    %get3A_45 = arith.constant 0 : i32
    %get3A_46 = arith.index_cast %get3A_44 : i32 to index
    %get3A_47 = arith.index_cast %get3A_45 : i32 to index
    %get3A_48 = arith.constant 32 : index
    %get3A_49 = tpu.vector_load %arg6[%get3A_46, %get3A_47, %get3A_48] {strides = array<i32>} : memref<10x8x128xi32, #tpu.memory_space<vmem>>, vector<1x1x16xi32>,
    %get3A_50 = vector.shape_cast %get3A_49 : vector<1x1x16xi32> to vector<16xi32>
    %and3A_51 = arith.constant 65535 : i32
    %and3A_52 = vector.broadcast %and3A_51 : i32 to vector<16xi32>
    %and3A_53 = arith.andi %get3A_50, %and3A_52 : vector<16xi32>
    %swap3A_54 = arith.constant 32 : index
    %swap3A_55 = tpu.vector_load %arg7[%swap3A_54] {strides = array<i32>} : memref<128xi32, #tpu.memory_space<vmem>>, vector<16xi32>,
    %swap3A_56 = vector.shape_cast %swap3A_55 : vector<16xi32> to vector<16xi32>
    %swap3A_57 = vector.shape_cast %and3A_53 : vector<16xi32> to vector<16xi32>
    tpu.vector_store %arg7[%swap3A_54], %swap3A_57 {strides = array<i32>} : memref<128xi32, #tpu.memory_space<vmem>>, vector<16xi32>,
    %shift_right_logical3A_58 = arith.constant 16 : i32
    %shift_right_logical3A_59 = vector.broadcast %shift_right_logical3A_58 : i32 to vector<16xi32>
    %shift_right_logical3A_60 = arith.shrui %get3A_50, %shift_right_logical3A_59 : vector<16xi32>
    %swap3A_61 = arith.constant 32 : index
    %swap3A_62 = tpu.vector_load %arg8[%swap3A_61] {strides = array<i32>} : memref<128xi32, #tpu.memory_space<vmem>>, vector<16xi32>,
    %swap3A_63 = vector.shape_cast %swap3A_62 : vector<16xi32> to vector<16xi32>
    %swap3A_64 = vector.shape_cast %shift_right_logical3A_60 : vector<16xi32> to vector<16xi32>
    tpu.vector_store %arg8[%swap3A_61], %swap3A_64 {strides = array<i32>} : memref<128xi32, #tpu.memory_space<vmem>>, vector<16xi32>,
    %get3A_65 = arith.constant 0 : i32
    %get3A_66 = arith.constant 0 : i32
    %get3A_67 = arith.index_cast %get3A_65 : i32 to index
    %get3A_68 = arith.index_cast %get3A_66 : i32 to index
    %get3A_69 = arith.constant 48 : index
    %get3A_70 = tpu.vector_load %arg6[%get3A_67, %get3A_68, %get3A_69] {strides = array<i32>} : memref<10x8x128xi32, #tpu.memory_space<vmem>>, vector<1x1x16xi32>,
    %get3A_71 = vector.shape_cast %get3A_70 : vector<1x1x16xi32> to vector<16xi32>
    %and3A_72 = arith.constant 65535 : i32
    %and3A_73 = vector.broadcast %and3A_72 : i32 to vector<16xi32>
    %and3A_74 = arith.andi %get3A_71, %and3A_73 : vector<16xi32>
    %swap3A_75 = arith.constant 48 : index
    %swap3A_76 = tpu.vector_load %arg7[%swap3A_75] {strides = array<i32>} : memref<128xi32, #tpu.memory_space<vmem>>, vector<16xi32>,
    %swap3A_77 = vector.shape_cast %swap3A_76 : vector<16xi32> to vector<16xi32>
    %swap3A_78 = vector.shape_cast %and3A_74 : vector<16xi32> to vector<16xi32>
    tpu.vector_store %arg7[%swap3A_75], %swap3A_78 {strides = array<i32>} : memref<128xi32, #tpu.memory_space<vmem>>, vector<16xi32>,
    %shift_right_logical3A_79 = arith.constant 16 : i32
    %shift_right_logical3A_80 = vector.broadcast %shift_right_logical3A_79 : i32 to vector<16xi32>
    %shift_right_logical3A_81 = arith.shrui %get3A_71, %shift_right_logical3A_80 : vector<16xi32>
    %swap3A_82 = arith.constant 48 : index
    %swap3A_83 = tpu.vector_load %arg8[%swap3A_82] {strides = array<i32>} : memref<128xi32, #tpu.memory_space<vmem>>, vector<16xi32>,
    %swap3A_84 = vector.shape_cast %swap3A_83 : vector<16xi32> to vector<16xi32>
    %swap3A_85 = vector.shape_cast %shift_right_logical3A_81 : vector<16xi32> to vector<16xi32>
    tpu.vector_store %arg8[%swap3A_82], %swap3A_85 {strides = array<i32>} : memref<128xi32, #tpu.memory_space<vmem>>, vector<16xi32>,
    %get3A_86 = arith.constant 0 : i32
    %get3A_87 = arith.constant 0 : i32
    %get3A_88 = arith.index_cast %get3A_86 : i32 to index
    %get3A_89 = arith.index_cast %get3A_87 : i32 to index
    %get3A_90 = arith.constant 64 : index
    %get3A_91 = tpu.vector_load %arg6[%get3A_88, %get3A_89, %get3A_90] {strides = array<i32>} : memref<10x8x128xi32, #tpu.memory_space<vmem>>, vector<1x1x16xi32>,
    %get3A_92 = vector.shape_cast %get3A_91 : vector<1x1x16xi32> to vector<16xi32>
    %and3A_93 = arith.constant 65535 : i32
    %and3A_94 = vector.broadcast %and3A_93 : i32 to vector<16xi32>
    %and3A_95 = arith.andi %get3A_92, %and3A_94 : vector<16xi32>
    %swap3A_96 = arith.constant 64 : index
    %swap3A_97 = tpu.vector_load %arg7[%swap3A_96] {strides = array<i32>} : memref<128xi32, #tpu.memory_space<vmem>>, vector<16xi32>,
    %swap3A_98 = vector.shape_cast %swap3A_97 : vector<16xi32> to vector<16xi32>
    %swap3A_99 = vector.shape_cast %and3A_95 : vector<16xi32> to vector<16xi32>
    tpu.vector_store %arg7[%swap3A_96], %swap3A_99 {strides = array<i32>} : memref<128xi32, #tpu.memory_space<vmem>>, vector<16xi32>,
    %shift_right_logical3A_100 = arith.constant 16 : i32
    %shift_right_logical3A_101 = vector.broadcast %shift_right_logical3A_100 : i32 to vector<16xi32>
    %shift_right_logical3A_102 = arith.shrui %get3A_92, %shift_right_logical3A_101 : vector<16xi32>
    %swap3A_103 = arith.constant 64 : index
    %swap3A_104 = tpu.vector_load %arg8[%swap3A_103] {strides = array<i32>} : memref<128xi32, #tpu.memory_space<vmem>>, vector<16xi32>,
    %swap3A_105 = vector.shape_cast %swap3A_104 : vector<16xi32> to vector<16xi32>
    %swap3A_106 = vector.shape_cast %shift_right_logical3A_102 : vector<16xi32> to vector<16xi32>
    tpu.vector_store %arg8[%swap3A_103], %swap3A_106 {strides = array<i32>} : memref<128xi32, #tpu.memory_space<vmem>>, vector<16xi32>,
    %get3A_107 = arith.constant 0 : i32
    %get3A_108 = arith.constant 0 : i32
    %get3A_109 = arith.index_cast %get3A_107 : i32 to index
    %get3A_110 = arith.index_cast %get3A_108 : i32 to index
    %get3A_111 = arith.constant 80 : index
    %get3A_112 = tpu.vector_load %arg6[%get3A_109, %get3A_110, %get3A_111] {strides = array<i32>} : memref<10x8x128xi32, #tpu.memory_space<vmem>>, vector<1x1x16xi32>,
    %get3A_113 = vector.shape_cast %get3A_112 : vector<1x1x16xi32> to vector<16xi32>
    %and3A_114 = arith.constant 65535 : i32
    %and3A_115 = vector.broadcast %and3A_114 : i32 to vector<16xi32>
    %and3A_116 = arith.andi %get3A_113, %and3A_115 : vector<16xi32>
    %swap3A_117 = arith.constant 80 : index
    %swap3A_118 = tpu.vector_load %arg7[%swap3A_117] {strides = array<i32>} : memref<128xi32, #tpu.memory_space<vmem>>, vector<16xi32>,
    %swap3A_119 = vector.shape_cast %swap3A_118 : vector<16xi32> to vector<16xi32>
    %swap3A_120 = vector.shape_cast %and3A_116 : vector<16xi32> to vector<16xi32>
    tpu.vector_store %arg7[%swap3A_117], %swap3A_120 {strides = array<i32>} : memref<128xi32, #tpu.memory_space<vmem>>, vector<16xi32>,
    %shift_right_logical3A_121 = arith.constant 16 : i32
    %shift_right_logical3A_122 = vector.broadcast %shift_right_logical3A_121 : i32 to vector<16xi32>
    %shift_right_logical3A_123 = arith.shrui %get3A_113, %shift_right_logical3A_122 : vector<16xi32>
    %swap3A_124 = arith.constant 80 : index
    %swap3A_125 = tpu.vector_load %arg8[%swap3A_124] {strides = array<i32>} : memref<128xi32, #tpu.memory_space<vmem>>, vector<16xi32>,
    %swap3A_126 = vector.shape_cast %swap3A_125 : vector<16xi32> to vector<16xi32>
    %swap3A_127 = vector.shape_cast %shift_right_logical3A_123 : vector<16xi32> to vector<16xi32>
    tpu.vector_store %arg8[%swap3A_124], %swap3A_127 {strides = array<i32>} : memref<128xi32, #tpu.memory_space<vmem>>, vector<16xi32>,
    %get3A_128 = arith.constant 0 : i32
    %get3A_129 = arith.constant 0 : i32
    %get3A_130 = arith.index_cast %get3A_128 : i32 to index
    %get3A_131 = arith.index_cast %get3A_129 : i32 to index
    %get3A_132 = arith.constant 96 : index
    %get3A_133 = tpu.vector_load %arg6[%get3A_130, %get3A_131, %get3A_132] {strides = array<i32>} : memref<10x8x128xi32, #tpu.memory_space<vmem>>, vector<1x1x16xi32>,
    %get3A_134 = vector.shape_cast %get3A_133 : vector<1x1x16xi32> to vector<16xi32>
    %and3A_135 = arith.constant 65535 : i32
    %and3A_136 = vector.broadcast %and3A_135 : i32 to vector<16xi32>
    %and3A_137 = arith.andi %get3A_134, %and3A_136 : vector<16xi32>
    %swap3A_138 = arith.constant 96 : index
    %swap3A_139 = tpu.vector_load %arg7[%swap3A_138] {strides = array<i32>} : memref<128xi32, #tpu.memory_space<vmem>>, vector<16xi32>,
    %swap3A_140 = vector.shape_cast %swap3A_139 : vector<16xi32> to vector<16xi32>
    %swap3A_141 = vector.shape_cast %and3A_137 : vector<16xi32> to vector<16xi32>
    tpu.vector_store %arg7[%swap3A_138], %swap3A_141 {strides = array<i32>} : memref<128xi32, #tpu.memory_space<vmem>>, vector<16xi32>,
    %shift_right_logical3A_142 = arith.constant 16 : i32
    %shift_right_logical3A_143 = vector.broadcast %shift_right_logical3A_142 : i32 to vector<16xi32>
    %shift_right_logical3A_144 = arith.shrui %get3A_134, %shift_right_logical3A_143 : vector<16xi32>
    %swap3A_145 = arith.constant 96 : index
    %swap3A_146 = tpu.vector_load %arg8[%swap3A_145] {strides = array<i32>} : memref<128xi32, #tpu.memory_space<vmem>>, vector<16xi32>,
    %swap3A_147 = vector.shape_cast %swap3A_146 : vector<16xi32> to vector<16xi32>
    %swap3A_148 = vector.shape_cast %shift_right_logical3A_144 : vector<16xi32> to vector<16xi32>
    tpu.vector_store %arg8[%swap3A_145], %swap3A_148 {strides = array<i32>} : memref<128xi32, #tpu.memory_space<vmem>>, vector<16xi32>,
    %get3A_149 = arith.constant 0 : i32
    %get3A_150 = arith.constant 0 : i32
    %get3A_151 = arith.index_cast %get3A_149 : i32 to index
    %get3A_152 = arith.index_cast %get3A_150 : i32 to index
    %get3A_153 = arith.constant 112 : index
    %get3A_154 = tpu.vector_load %arg6[%get3A_151, %get3A_152, %get3A_153] {strides = array<i32>} : memref<10x8x128xi32, #tpu.memory_space<vmem>>, vector<1x1x16xi32>,
    %get3A_155 = vector.shape_cast %get3A_154 : vector<1x1x16xi32> to vector<16xi32>
    %and3A_156 = arith.constant 65535 : i32
    %and3A_157 = vector.broadcast %and3A_156 : i32 to vector<16xi32>
    %and3A_158 = arith.andi %get3A_155, %and3A_157 : vector<16xi32>
    %swap3A_159 = arith.constant 112 : index
    %swap3A_160 = tpu.vector_load %arg7[%swap3A_159] {strides = array<i32>} : memref<128xi32, #tpu.memory_space<vmem>>, vector<16xi32>,
    %swap3A_161 = vector.shape_cast %swap3A_160 : vector<16xi32> to vector<16xi32>
    %swap3A_162 = vector.shape_cast %and3A_158 : vector<16xi32> to vector<16xi32>
    tpu.vector_store %arg7[%swap3A_159], %swap3A_162 {strides = array<i32>} : memref<128xi32, #tpu.memory_space<vmem>>, vector<16xi32>,
    %shift_right_logical3A_163 = arith.constant 16 : i32
    %shift_right_logical3A_164 = vector.broadcast %shift_right_logical3A_163 : i32 to vector<16xi32>
    %shift_right_logical3A_165 = arith.shrui %get3A_155, %shift_right_logical3A_164 : vector<16xi32>
    %swap3A_166 = arith.constant 112 : index
    %swap3A_167 = tpu.vector_load %arg8[%swap3A_166] {strides = array<i32>} : memref<128xi32, #tpu.memory_space<vmem>>, vector<16xi32>,
    %swap3A_168 = vector.shape_cast %swap3A_167 : vector<16xi32> to vector<16xi32>
    %swap3A_169 = vector.shape_cast %shift_right_logical3A_165 : vector<16xi32> to vector<16xi32>
    tpu.vector_store %arg8[%swap3A_166], %swap3A_169 {strides = array<i32>} : memref<128xi32, #tpu.memory_space<vmem>>, vector<16xi32>,
    %get3A_170 = arith.constant 0 : i32
    %get3A_171 = arith.constant 1 : i32
    %get3A_172 = arith.index_cast %get3A_170 : i32 to index
    %get3A_173 = arith.index_cast %get3A_171 : i32 to index
    %get3A_174 = arith.constant 0 : index
    %get3A_175 = tpu.vector_load %arg6[%get3A_172, %get3A_173, %get3A_174] {strides = array<i32>} : memref<10x8x128xi32, #tpu.memory_space<vmem>>, vector<1x1x16xi32>,
    %get3A_176 = vector.shape_cast %get3A_175 : vector<1x1x16xi32> to vector<16xi32>
    %and3A_177 = arith.constant 65535 : i32
    %and3A_178 = vector.broadcast %and3A_177 : i32 to vector<16xi32>
    %and3A_179 = arith.andi %get3A_176, %and3A_178 : vector<16xi32>
    %swap3A_180 = arith.constant 0 : index
    %swap3A_181 = tpu.vector_load %arg9[%swap3A_180] {strides = array<i32>} : memref<128xi32, #tpu.memory_space<vmem>>, vector<16xi32>,
    %swap3A_182 = vector.shape_cast %swap3A_181 : vector<16xi32> to vector<16xi32>
    %swap3A_183 = vector.shape_cast %and3A_179 : vector<16xi32> to vector<16xi32>
    tpu.vector_store %arg9[%swap3A_180], %swap3A_183 {strides = array<i32>} : memref<128xi32, #tpu.memory_space<vmem>>, vector<16xi32>,
    %shift_right_logical3A_184 = arith.constant 16 : i32
    %shift_right_logical3A_185 = vector.broadcast %shift_right_logical3A_184 : i32 to vector<16xi32>
    %shift_right_logical3A_186 = arith.shrui %get3A_176, %shift_right_logical3A_185 : vector<16xi32>
    %swap3A_187 = arith.constant 0 : index
    %swap3A_188 = tpu.vector_load %arg10[%swap3A_187] {strides = array<i32>} : memref<128xi32, #tpu.memory_space<vmem>>, vector<16xi32>,
    %swap3A_189 = vector.shape_cast %swap3A_188 : vector<16xi32> to vector<16xi32>
    %swap3A_190 = vector.shape_cast %shift_right_logical3A_186 : vector<16xi32> to vector<16xi32>
    tpu.vector_store %arg10[%swap3A_187], %swap3A_190 {strides = array<i32>} : memref<128xi32, #tpu.memory_space<vmem>>, vector<16xi32>,
    %get3A_191 = arith.constant 0 : i32
    %get3A_192 = arith.constant 1 : i32
    %get3A_193 = arith.index_cast %get3A_191 : i32 to index
    %get3A_194 = arith.index_cast %get3A_192 : i32 to index
    %get3A_195 = arith.constant 16 : index
    %get3A_196 = tpu.vector_load %arg6[%get3A_193, %get3A_194, %get3A_195] {strides = array<i32>} : memref<10x8x128xi32, #tpu.memory_space<vmem>>, vector<1x1x16xi32>,
    %get3A_197 = vector.shape_cast %get3A_196 : vector<1x1x16xi32> to vector<16xi32>
    %and3A_198 = arith.constant 65535 : i32
    %and3A_199 = vector.broadcast %and3A_198 : i32 to vector<16xi32>
    %and3A_200 = arith.andi %get3A_197, %and3A_199 : vector<16xi32>
    %swap3A_201 = arith.constant 16 : index
    %swap3A_202 = tpu.vector_load %arg9[%swap3A_201] {strides = array<i32>} : memref<128xi32, #tpu.memory_space<vmem>>, vector<16xi32>,
    %swap3A_203 = vector.shape_cast %swap3A_202 : vector<16xi32> to vector<16xi32>
    %swap3A_204 = vector.shape_cast %and3A_200 : vector<16xi32> to vector<16xi32>
    tpu.vector_store %arg9[%swap3A_201], %swap3A_204 {strides = array<i32>} : memref<128xi32, #tpu.memory_space<vmem>>, vector<16xi32>,
    %shift_right_logical3A_205 = arith.constant 16 : i32
    %shift_right_logical3A_206 = vector.broadcast %shift_right_logical3A_205 : i32 to vector<16xi32>
    %shift_right_logical3A_207 = arith.shrui %get3A_197, %shift_right_logical3A_206 : vector<16xi32>
    %swap3A_208 = arith.constant 16 : index
    %swap3A_209 = tpu.vector_load %arg10[%swap3A_208] {strides = array<i32>} : memref<128xi32, #tpu.memory_space<vmem>>, vector<16xi32>,
    %swap3A_210 = vector.shape_cast %swap3A_209 : vector<16xi32> to vector<16xi32>
    %swap3A_211 = vector.shape_cast %shift_right_logical3A_207 : vector<16xi32> to vector<16xi32>
    tpu.vector_store %arg10[%swap3A_208], %swap3A_211 {strides = array<i32>} : memref<128xi32, #tpu.memory_space<vmem>>, vector<16xi32>,
    %get3A_212 = arith.constant 0 : i32
    %get3A_213 = arith.constant 1 : i32
    %get3A_214 = arith.index_cast %get3A_212 : i32 to index
    %get3A_215 = arith.index_cast %get3A_213 : i32 to index
    %get3A_216 = arith.constant 32 : index
    %get3A_217 = tpu.vector_load %arg6[%get3A_214, %get3A_215, %get3A_216] {strides = array<i32>} : memref<10x8x128xi32, #tpu.memory_space<vmem>>, vector<1x1x16xi32>,
    %get3A_218 = vector.shape_cast %get3A_217 : vector<1x1x16xi32> to vector<16xi32>
    %and3A_219 = arith.constant 65535 : i32
    %and3A_220 = vector.broadcast %and3A_219 : i32 to vector<16xi32>
    %and3A_221 = arith.andi %get3A_218, %and3A_220 : vector<16xi32>
    %swap3A_222 = arith.constant 32 : index
    %swap3A_223 = tpu.vector_load %arg9[%swap3A_222] {strides = array<i32>} : memref<128xi32, #tpu.memory_space<vmem>>, vector<16xi32>,
    %swap3A_224 = vector.shape_cast %swap3A_223 : vector<16xi32> to vector<16xi32>
    %swap3A_225 = vector.shape_cast %and3A_221 : vector<16xi32> to vector<16xi32>
    tpu.vector_store %arg9[%swap3A_222], %swap3A_225 {strides = array<i32>} : memref<128xi32, #tpu.memory_space<vmem>>, vector<16xi32>,
    %shift_right_logical3A_226 = arith.constant 16 : i32
    %shift_right_logical3A_227 = vector.broadcast %shift_right_logical3A_226 : i32 to vector<16xi32>
    %shift_right_logical3A_228 = arith.shrui %get3A_218, %shift_right_logical3A_227 : vector<16xi32>
    %swap3A_229 = arith.constant 32 : index
    %swap3A_230 = tpu.vector_load %arg10[%swap3A_229] {strides = array<i32>} : memref<128xi32, #tpu.memory_space<vmem>>, vector<16xi32>,
    %swap3A_231 = vector.shape_cast %swap3A_230 : vector<16xi32> to vector<16xi32>
    %swap3A_232 = vector.shape_cast %shift_right_logical3A_228 : vector<16xi32> to vector<16xi32>
    tpu.vector_store %arg10[%swap3A_229], %swap3A_232 {strides = array<i32>} : memref<128xi32, #tpu.memory_space<vmem>>, vector<16xi32>,
    %get3A_233 = arith.constant 0 : i32
    %get3A_234 = arith.constant 1 : i32
    %get3A_235 = arith.index_cast %get3A_233 : i32 to index
    %get3A_236 = arith.index_cast %get3A_234 : i32 to index
    %get3A_237 = arith.constant 48 : index
    %get3A_238 = tpu.vector_load %arg6[%get3A_235, %get3A_236, %get3A_237] {strides = array<i32>} : memref<10x8x128xi32, #tpu.memory_space<vmem>>, vector<1x1x16xi32>,
    %get3A_239 = vector.shape_cast %get3A_238 : vector<1x1x16xi32> to vector<16xi32>
    %and3A_240 = arith.constant 65535 : i32
    %and3A_241 = vector.broadcast %and3A_240 : i32 to vector<16xi32>
    %and3A_242 = arith.andi %get3A_239, %and3A_241 : vector<16xi32>
    %swap3A_243 = arith.constant 48 : index
    %swap3A_244 = tpu.vector_load %arg9[%swap3A_243] {strides = array<i32>} : memref<128xi32, #tpu.memory_space<vmem>>, vector<16xi32>,
    %swap3A_245 = vector.shape_cast %swap3A_244 : vector<16xi32> to vector<16xi32>
    %swap3A_246 = vector.shape_cast %and3A_242 : vector<16xi32> to vector<16xi32>
    tpu.vector_store %arg9[%swap3A_243], %swap3A_246 {strides = array<i32>} : memref<128xi32, #tpu.memory_space<vmem>>, vector<16xi32>,
    %shift_right_logical3A_247 = arith.constant 16 : i32
    %shift_right_logical3A_248 = vector.broadcast %shift_right_logical3A_247 : i32 to vector<16xi32>
    %shift_right_logical3A_249 = arith.shrui %get3A_239, %shift_right_logical3A_248 : vector<16xi32>
    %swap3A_250 = arith.constant 48 : index
    %swap3A_251 = tpu.vector_load %arg10[%swap3A_250] {strides = array<i32>} : memref<128xi32, #tpu.memory_space<vmem>>, vector<16xi32>,
    %swap3A_252 = vector.shape_cast %swap3A_251 : vector<16xi32> to vector<16xi32>
    %swap3A_253 = vector.shape_cast %shift_right_logical3A_249 : vector<16xi32> to vector<16xi32>
    tpu.vector_store %arg10[%swap3A_250], %swap3A_253 {strides = array<i32>} : memref<128xi32, #tpu.memory_space<vmem>>, vector<16xi32>,
    %get3A_254 = arith.constant 0 : i32
    %get3A_255 = arith.constant 1 : i32
    %get3A_256 = arith.index_cast %get3A_254 : i32 to index
    %get3A_257 = arith.index_cast %get3A_255 : i32 to index
    %get3A_258 = arith.constant 64 : index
    %get3A_259 = tpu.vector_load %arg6[%get3A_256, %get3A_257, %get3A_258] {strides = array<i32>} : memref<10x8x128xi32, #tpu.memory_space<vmem>>, vector<1x1x16xi32>,
    %get3A_260 = vector.shape_cast %get3A_259 : vector<1x1x16xi32> to vector<16xi32>
    %and3A_261 = arith.constant 65535 : i32
    %and3A_262 = vector.broadcast %and3A_261 : i32 to vector<16xi32>
    %and3A_263 = arith.andi %get3A_260, %and3A_262 : vector<16xi32>
    %swap3A_264 = arith.constant 64 : index
    %swap3A_265 = tpu.vector_load %arg9[%swap3A_264] {strides = array<i32>} : memref<128xi32, #tpu.memory_space<vmem>>, vector<16xi32>,
    %swap3A_266 = vector.shape_cast %swap3A_265 : vector<16xi32> to vector<16xi32>
    %swap3A_267 = vector.shape_cast %and3A_263 : vector<16xi32> to vector<16xi32>
    tpu.vector_store %arg9[%swap3A_264], %swap3A_267 {strides = array<i32>} : memref<128xi32, #tpu.memory_space<vmem>>, vector<16xi32>,
    %shift_right_logical3A_268 = arith.constant 16 : i32
    %shift_right_logical3A_269 = vector.broadcast %shift_right_logical3A_268 : i32 to vector<16xi32>
    %shift_right_logical3A_270 = arith.shrui %get3A_260, %shift_right_logical3A_269 : vector<16xi32>
    %swap3A_271 = arith.constant 64 : index
    %swap3A_272 = tpu.vector_load %arg10[%swap3A_271] {strides = array<i32>} : memref<128xi32, #tpu.memory_space<vmem>>, vector<16xi32>,
    %swap3A_273 = vector.shape_cast %swap3A_272 : vector<16xi32> to vector<16xi32>
    %swap3A_274 = vector.shape_cast %shift_right_logical3A_270 : vector<16xi32> to vector<16xi32>
    tpu.vector_store %arg10[%swap3A_271], %swap3A_274 {strides = array<i32>} : memref<128xi32, #tpu.memory_space<vmem>>, vector<16xi32>,
    %get3A_275 = arith.constant 0 : i32
    %get3A_276 = arith.constant 1 : i32
    %get3A_277 = arith.index_cast %get3A_275 : i32 to index
    %get3A_278 = arith.index_cast %get3A_276 : i32 to index
    %get3A_279 = arith.constant 80 : index
    %get3A_280 = tpu.vector_load %arg6[%get3A_277, %get3A_278, %get3A_279] {strides = array<i32>} : memref<10x8x128xi32, #tpu.memory_space<vmem>>, vector<1x1x16xi32>,
    %get3A_281 = vector.shape_cast %get3A_280 : vector<1x1x16xi32> to vector<16xi32>
    %and3A_282 = arith.constant 65535 : i32
    %and3A_283 = vector.broadcast %and3A_282 : i32 to vector<16xi32>
    %and3A_284 = arith.andi %get3A_281, %and3A_283 : vector<16xi32>
    %swap3A_285 = arith.constant 80 : index
    %swap3A_286 = tpu.vector_load %arg9[%swap3A_285] {strides = array<i32>} : memref<128xi32, #tpu.memory_space<vmem>>, vector<16xi32>,
    %swap3A_287 = vector.shape_cast %swap3A_286 : vector<16xi32> to vector<16xi32>
    %swap3A_288 = vector.shape_cast %and3A_284 : vector<16xi32> to vector<16xi32>
    tpu.vector_store %arg9[%swap3A_285], %swap3A_288 {strides = array<i32>} : memref<128xi32, #tpu.memory_space<vmem>>, vector<16xi32>,
    %shift_right_logical3A_289 = arith.constant 16 : i32
    %shift_right_logical3A_290 = vector.broadcast %shift_right_logical3A_289 : i32 to vector<16xi32>
    %shift_right_logical3A_291 = arith.shrui %get3A_281, %shift_right_logical3A_290 : vector<16xi32>
    %swap3A_292 = arith.constant 80 : index
    %swap3A_293 = tpu.vector_load %arg10[%swap3A_292] {strides = array<i32>} : memref<128xi32, #tpu.memory_space<vmem>>, vector<16xi32>,
    %swap3A_294 = vector.shape_cast %swap3A_293 : vector<16xi32> to vector<16xi32>
    %swap3A_295 = vector.shape_cast %shift_right_logical3A_291 : vector<16xi32> to vector<16xi32>
    tpu.vector_store %arg10[%swap3A_292], %swap3A_295 {strides = array<i32>} : memref<128xi32, #tpu.memory_space<vmem>>, vector<16xi32>,
    %get3A_296 = arith.constant 0 : i32
    %get3A_297 = arith.constant 1 : i32
    %get3A_298 = arith.index_cast %get3A_296 : i32 to index
    %get3A_299 = arith.index_cast %get3A_297 : i32 to index
    %get3A_300 = arith.constant 96 : index
    %get3A_301 = tpu.vector_load %arg6[%get3A_298, %get3A_299, %get3A_300] {strides = array<i32>} : memref<10x8x128xi32, #tpu.memory_space<vmem>>, vector<1x1x16xi32>,
    %get3A_302 = vector.shape_cast %get3A_301 : vector<1x1x16xi32> to vector<16xi32>
    %and3A_303 = arith.constant 65535 : i32
    %and3A_304 = vector.broadcast %and3A_303 : i32 to vector<16xi32>
    %and3A_305 = arith.andi %get3A_302, %and3A_304 : vector<16xi32>
    %swap3A_306 = arith.constant 96 : index
    %swap3A_307 = tpu.vector_load %arg9[%swap3A_306] {strides = array<i32>} : memref<128xi32, #tpu.memory_space<vmem>>, vector<16xi32>,
    %swap3A_308 = vector.shape_cast %swap3A_307 : vector<16xi32> to vector<16xi32>
    %swap3A_309 = vector.shape_cast %and3A_305 : vector<16xi32> to vector<16xi32>
    tpu.vector_store %arg9[%swap3A_306], %swap3A_309 {strides = array<i32>} : memref<128xi32, #tpu.memory_space<vmem>>, vector<16xi32>,
    %shift_right_logical3A_310 = arith.constant 16 : i32
    %shift_right_logical3A_311 = vector.broadcast %shift_right_logical3A_310 : i32 to vector<16xi32>
    %shift_right_logical3A_312 = arith.shrui %get3A_302, %shift_right_logical3A_311 : vector<16xi32>
    %swap3A_313 = arith.constant 96 : index
    %swap3A_314 = tpu.vector_load %arg10[%swap3A_313] {strides = array<i32>} : memref<128xi32, #tpu.memory_space<vmem>>, vector<16xi32>,
    %swap3A_315 = vector.shape_cast %swap3A_314 : vector<16xi32> to vector<16xi32>
    %swap3A_316 = vector.shape_cast %shift_right_logical3A_312 : vector<16xi32> to vector<16xi32>
    tpu.vector_store %arg10[%swap3A_313], %swap3A_316 {strides = array<i32>} : memref<128xi32, #tpu.memory_space<vmem>>, vector<16xi32>,
    %get3A_317 = arith.constant 0 : i32
    %get3A_318 = arith.constant 1 : i32
    %get3A_319 = arith.index_cast %get3A_317 : i32 to index
    %get3A_320 = arith.index_cast %get3A_318 : i32 to index
    %get3A_321 = arith.constant 112 : index
    %get3A_322 = tpu.vector_load %arg6[%get3A_319, %get3A_320, %get3A_321] {strides = array<i32>} : memref<10x8x128xi32, #tpu.memory_space<vmem>>, vector<1x1x16xi32>,
    %get3A_323 = vector.shape_cast %get3A_322 : vector<1x1x16xi32> to vector<16xi32>
    %and3A_324 = arith.constant 65535 : i32
    %and3A_325 = vector.broadcast %and3A_324 : i32 to vector<16xi32>
    %and3A_326 = arith.andi %get3A_323, %and3A_325 : vector<16xi32>
    %swap3A_327 = arith.constant 112 : index
    %swap3A_328 = tpu.vector_load %arg9[%swap3A_327] {strides = array<i32>} : memref<128xi32, #tpu.memory_space<vmem>>, vector<16xi32>,
    %swap3A_329 = vector.shape_cast %swap3A_328 : vector<16xi32> to vector<16xi32>
    %swap3A_330 = vector.shape_cast %and3A_326 : vector<16xi32> to vector<16xi32>
    tpu.vector_store %arg9[%swap3A_327], %swap3A_330 {strides = array<i32>} : memref<128xi32, #tpu.memory_space<vmem>>, vector<16xi32>,
    %shift_right_logical3A_331 = arith.constant 16 : i32
    %shift_right_logical3A_332 = vector.broadcast %shift_right_logical3A_331 : i32 to vector<16xi32>
    %shift_right_logical3A_333 = arith.shrui %get3A_323, %shift_right_logical3A_332 : vector<16xi32>
    %swap3A_334 = arith.constant 112 : index
    %swap3A_335 = tpu.vector_load %arg10[%swap3A_334] {strides = array<i32>} : memref<128xi32, #tpu.memory_space<vmem>>, vector<16xi32>,
    %swap3A_336 = vector.shape_cast %swap3A_335 : vector<16xi32> to vector<16xi32>
    %swap3A_337 = vector.shape_cast %shift_right_logical3A_333 : vector<16xi32> to vector<16xi32>
    tpu.vector_store %arg10[%swap3A_334], %swap3A_337 {strides = array<i32>} : memref<128xi32, #tpu.memory_space<vmem>>, vector<16xi32>,
    %dma_wait3A = arith.constant 0 : i32
    %dma_wait3A_338 = tpu.memref_slice %arg13[%mul3A_2, %dma_wait3A] : memref<10240x128xf32, #tpu.memory_space<vmem_shared>> -> memref<640x128xf32, #tpu.memory_space<vmem_shared>>
    %dma_wait3A_339 = arith.constant 0 : i32
    %dma_wait3A_340 = tpu.memref_slice %arg4[%mul3A_2, %dma_wait3A_339] : memref<10240x128xf32, #tpu.memory_space<hbm>> -> memref<640x128xf32, #tpu.memory_space<hbm>>
    tpu.wait_dma2 semaphore(%arg14 : memref<!tpu.dma_semaphore, #tpu.memory_space<semaphore_mem>>) src(%dma_wait3A_340 : memref<640x128xf32, #tpu.memory_space<hbm>>) dst(%dma_wait3A_338 : memref<640x128xf32, #tpu.memory_space<vmem_shared>>)
    %barrier3A = arith.constant 0 : index
    tpu.barrier barrier_id(%barrier3A)
    %dma_start3A_341 = arith.constant 0 : i32
    %dma_start3A_342 = arith.constant 0 : i32
    %dma_start3A_343 = tpu.memref_slice %arg2[%dma_start3A_341, %dma_start3A_342] : memref<10000x128xf32, #tpu.memory_space<hbm>> -> memref<10000x128xf32, #tpu.memory_space<hbm>>
    tpu.enqueue_indirect_dma source(%dma_start3A_343 : memref<10000x128xf32, #tpu.memory_space<hbm>>) target(%arg11 : memref<128x128xf32, #tpu.memory_space<vmem>>) offsets(%arg7 : memref<128xi32, #tpu.memory_space<vmem>>) semaphore(%arg14 : memref<!tpu.dma_semaphore, #tpu.memory_space<semaphore_mem>>)
    %dma_start3A_344 = arith.constant 0 : i32
    %dma_start3A_345 = arith.constant 0 : i32
    %dma_start3A_346 = tpu.memref_slice %arg2[%dma_start3A_344, %dma_start3A_345] : memref<10000x128xf32, #tpu.memory_space<hbm>> -> memref<10000x128xf32, #tpu.memory_space<hbm>>
    tpu.enqueue_indirect_dma source(%dma_start3A_346 : memref<10000x128xf32, #tpu.memory_space<hbm>>) target(%arg12 : memref<128x128xf32, #tpu.memory_space<vmem>>) offsets(%arg9 : memref<128xi32, #tpu.memory_space<vmem>>) semaphore(%arg15 : memref<!tpu.dma_semaphore, #tpu.memory_space<semaphore_mem>>)
    %scan3A = arith.constant 0 : i32
    %scan3A_347 = arith.constant 0 : i32
    %scan3A_348 = arith.constant 39 : i32
    %scan3A_349 = arith.addi %scan3A_347, %scan3A_348 : i32
    %scan3A_350 = arith.constant 1 : i32
    scf.for %scan3A_359 = %scan3A_347 to %scan3A_349 step %scan3A_350  : i32 {
      %mul3A_360 = arith.constant 2 : i32
      %mul3A_361 = arith.muli %mul3A_360, %scan3A_359 : i32
      %dma_wait3A_362 = arith.constant 0 : i32
      %dma_wait3A_363 = arith.constant 0 : i32
      %dma_wait3A_364 = tpu.memref_slice %arg2[%dma_wait3A_362, %dma_wait3A_363] : memref<10000x128xf32, #tpu.memory_space<hbm>> -> memref<10000x128xf32, #tpu.memory_space<hbm>>
      tpu.wait_indirect_dma semaphore(%arg14 : memref<!tpu.dma_semaphore, #tpu.memory_space<semaphore_mem>>) src(%dma_wait3A_364 : memref<10000x128xf32, #tpu.memory_space<hbm>>) dst(%arg11 : memref<128x128xf32, #tpu.memory_space<vmem>>)
      "tpu.region"() ({
        %run_scoped3A = tpu.sem_alloc : memref<!tpu.dma_semaphore, #tpu.memory_space<semaphore_mem>>
        %dma_start3A_1313 = arith.constant 0 : i32
        %dma_start3A_1314 = arith.constant 0 : i32
        %dma_start3A_1315 = tpu.memref_slice %arg13[%dma_start3A_1313, %dma_start3A_1314] : memref<10240x128xf32, #tpu.memory_space<vmem_shared>> -> memref<10240x128xf32, #tpu.memory_space<vmem_shared>>
        tpu.enqueue_indirect_dma source(%arg11 : memref<128x128xf32, #tpu.memory_space<vmem>>) target(%dma_start3A_1315 : memref<10240x128xf32, #tpu.memory_space<vmem_shared>>) offsets(%arg8 : memref<128xi32, #tpu.memory_space<vmem>>) semaphore(%run_scoped3A : memref<!tpu.dma_semaphore, #tpu.memory_space<semaphore_mem>>) {add = true}
        %dma_wait3A_1316 = arith.constant 0 : i32
        %dma_wait3A_1317 = arith.constant 0 : i32
        %dma_wait3A_1318 = tpu.memref_slice %arg13[%dma_wait3A_1316, %dma_wait3A_1317] : memref<10240x128xf32, #tpu.memory_space<vmem_shared>> -> memref<10240x128xf32, #tpu.memory_space<vmem_shared>>
        tpu.wait_indirect_dma semaphore(%run_scoped3A : memref<!tpu.dma_semaphore, #tpu.memory_space<semaphore_mem>>) src(%arg11 : memref<128x128xf32, #tpu.memory_space<vmem>>) dst(%dma_wait3A_1318 : memref<10240x128xf32, #tpu.memory_space<vmem_shared>>)
        tpu.yield
      }) : () -> ()
      %add3A_365 = arith.constant 2 : i32
      %add3A_366 = arith.addi %mul3A_361, %add3A_365 : i32
      %jit3A = arith.constant 8 : i32
      %div3A = arith.divsi %add3A_366, %jit3A : i32
      %sign3A = arith.constant 0 : i32
      %sign3A_367 = arith.cmpi sgt, %add3A_366, %sign3A : i32
      %sign3A_368 = arith.extui %sign3A_367 : i1 to i32
      %sign3A_369 = arith.constant 0 : i32
      %sign3A_370 = arith.cmpi slt, %add3A_366, %sign3A_369 : i32
      %sign3A_371 = arith.extui %sign3A_370 : i1 to i32
      %sign3A_372 = arith.subi %sign3A_368, %sign3A_371 : i32
      %sign3A_373 = arith.constant 0 : i32
      %sign3A_374 = arith.cmpi sgt, %jit3A, %sign3A_373 : i32
      %sign3A_375 = arith.extui %sign3A_374 : i1 to i32
      %sign3A_376 = arith.constant 0 : i32
      %sign3A_377 = arith.cmpi slt, %jit3A, %sign3A_376 : i32
      %sign3A_378 = arith.extui %sign3A_377 : i1 to i32
      %sign3A_379 = arith.subi %sign3A_375, %sign3A_378 : i32
      %ne3A = arith.cmpi ne, %sign3A_372, %sign3A_379 : i32
      %rem3A = arith.remsi %add3A_366, %jit3A : i32
      %ne3A_380 = arith.constant 0 : i32
      %ne3A_381 = arith.cmpi ne, %rem3A, %ne3A_380 : i32
      %and3A_382 = arith.andi %ne3A, %ne3A_381 : i1
      %sub3A = arith.constant 1 : i32
      %sub3A_383 = arith.subi %div3A, %sub3A : i32
      %select_n3A = arith.select %and3A_382, %sub3A_383, %div3A : i32
      %jit3A_384 = arith.constant 8 : i32
      %eq3A = arith.constant 0 : i32
      %eq3A_385 = arith.cmpi eq, %jit3A_384, %eq3A : i32
      %jit3A_386 = arith.constant 1 : i32
      %select_n3A_387 = arith.select %eq3A_385, %jit3A_386, %jit3A_384 : i32
      %rem3A_388 = arith.remsi %add3A_366, %select_n3A_387 : i32
      %ne3A_389 = arith.constant 0 : i32
      %ne3A_390 = arith.cmpi ne, %rem3A_388, %ne3A_389 : i32
      %lt3A = arith.constant 0 : i32
      %lt3A_391 = arith.cmpi slt, %rem3A_388, %lt3A : i32
      %lt3A_392 = arith.constant 0 : i32
      %lt3A_393 = arith.cmpi slt, %select_n3A_387, %lt3A_392 : i32
      %ne3A_394 = arith.xori %lt3A_391, %lt3A_393 : i1
      %and3A_395 = arith.andi %ne3A_394, %ne3A_390 : i1
      %add3A_396 = arith.addi %rem3A_388, %select_n3A_387 : i32
      %select_n3A_397 = arith.select %and3A_395, %add3A_396, %rem3A_388 : i32
      %get3A_398 = arith.index_cast %select_n3A : i32 to index
      %get3A_399 = arith.index_cast %select_n3A_397 : i32 to index
      %get3A_400 = arith.constant 0 : index
      %get3A_401 = tpu.vector_load %arg6[%get3A_398, %get3A_399, %get3A_400] {strides = array<i32>} : memref<10x8x128xi32, #tpu.memory_space<vmem>>, vector<1x1x16xi32>,
      %get3A_402 = vector.shape_cast %get3A_401 : vector<1x1x16xi32> to vector<16xi32>
      %and3A_403 = arith.constant 65535 : i32
      %and3A_404 = vector.broadcast %and3A_403 : i32 to vector<16xi32>
      %and3A_405 = arith.andi %get3A_402, %and3A_404 : vector<16xi32>
      %swap3A_406 = arith.constant 0 : index
      %swap3A_407 = tpu.vector_load %arg7[%swap3A_406] {strides = array<i32>} : memref<128xi32, #tpu.memory_space<vmem>>, vector<16xi32>,
      %swap3A_408 = vector.shape_cast %swap3A_407 : vector<16xi32> to vector<16xi32>
      %swap3A_409 = vector.shape_cast %and3A_405 : vector<16xi32> to vector<16xi32>
      tpu.vector_store %arg7[%swap3A_406], %swap3A_409 {strides = array<i32>} : memref<128xi32, #tpu.memory_space<vmem>>, vector<16xi32>,
      %shift_right_logical3A_410 = arith.constant 16 : i32
      %shift_right_logical3A_411 = vector.broadcast %shift_right_logical3A_410 : i32 to vector<16xi32>
      %shift_right_logical3A_412 = arith.shrui %get3A_402, %shift_right_logical3A_411 : vector<16xi32>
      %swap3A_413 = arith.constant 0 : index
      %swap3A_414 = tpu.vector_load %arg8[%swap3A_413] {strides = array<i32>} : memref<128xi32, #tpu.memory_space<vmem>>, vector<16xi32>,
      %swap3A_415 = vector.shape_cast %swap3A_414 : vector<16xi32> to vector<16xi32>
      %swap3A_416 = vector.shape_cast %shift_right_logical3A_412 : vector<16xi32> to vector<16xi32>
      tpu.vector_store %arg8[%swap3A_413], %swap3A_416 {strides = array<i32>} : memref<128xi32, #tpu.memory_space<vmem>>, vector<16xi32>,
      %jit3A_417 = arith.constant 8 : i32
      %div3A_418 = arith.divsi %add3A_366, %jit3A_417 : i32
      %sign3A_419 = arith.constant 0 : i32
      %sign3A_420 = arith.cmpi sgt, %add3A_366, %sign3A_419 : i32
      %sign3A_421 = arith.extui %sign3A_420 : i1 to i32
      %sign3A_422 = arith.constant 0 : i32
      %sign3A_423 = arith.cmpi slt, %add3A_366, %sign3A_422 : i32
      %sign3A_424 = arith.extui %sign3A_423 : i1 to i32
      %sign3A_425 = arith.subi %sign3A_421, %sign3A_424 : i32
      %sign3A_426 = arith.constant 0 : i32
      %sign3A_427 = arith.cmpi sgt, %jit3A_417, %sign3A_426 : i32
      %sign3A_428 = arith.extui %sign3A_427 : i1 to i32
      %sign3A_429 = arith.constant 0 : i32
      %sign3A_430 = arith.cmpi slt, %jit3A_417, %sign3A_429 : i32
      %sign3A_431 = arith.extui %sign3A_430 : i1 to i32
      %sign3A_432 = arith.subi %sign3A_428, %sign3A_431 : i32
      %ne3A_433 = arith.cmpi ne, %sign3A_425, %sign3A_432 : i32
      %rem3A_434 = arith.remsi %add3A_366, %jit3A_417 : i32
      %ne3A_435 = arith.constant 0 : i32
      %ne3A_436 = arith.cmpi ne, %rem3A_434, %ne3A_435 : i32
      %and3A_437 = arith.andi %ne3A_433, %ne3A_436 : i1
      %sub3A_438 = arith.constant 1 : i32
      %sub3A_439 = arith.subi %div3A_418, %sub3A_438 : i32
      %select_n3A_440 = arith.select %and3A_437, %sub3A_439, %div3A_418 : i32
      %jit3A_441 = arith.constant 8 : i32
      %eq3A_442 = arith.constant 0 : i32
      %eq3A_443 = arith.cmpi eq, %jit3A_441, %eq3A_442 : i32
      %jit3A_444 = arith.constant 1 : i32
      %select_n3A_445 = arith.select %eq3A_443, %jit3A_444, %jit3A_441 : i32
      %rem3A_446 = arith.remsi %add3A_366, %select_n3A_445 : i32
      %ne3A_447 = arith.constant 0 : i32
      %ne3A_448 = arith.cmpi ne, %rem3A_446, %ne3A_447 : i32
      %lt3A_449 = arith.constant 0 : i32
      %lt3A_450 = arith.cmpi slt, %rem3A_446, %lt3A_449 : i32
      %lt3A_451 = arith.constant 0 : i32
      %lt3A_452 = arith.cmpi slt, %select_n3A_445, %lt3A_451 : i32
      %ne3A_453 = arith.xori %lt3A_450, %lt3A_452 : i1
      %and3A_454 = arith.andi %ne3A_453, %ne3A_448 : i1
      %add3A_455 = arith.addi %rem3A_446, %select_n3A_445 : i32
      %select_n3A_456 = arith.select %and3A_454, %add3A_455, %rem3A_446 : i32
      %get3A_457 = arith.index_cast %select_n3A_440 : i32 to index
      %get3A_458 = arith.index_cast %select_n3A_456 : i32 to index
      %get3A_459 = arith.constant 16 : index
      %get3A_460 = tpu.vector_load %arg6[%get3A_457, %get3A_458, %get3A_459] {strides = array<i32>} : memref<10x8x128xi32, #tpu.memory_space<vmem>>, vector<1x1x16xi32>,
      %get3A_461 = vector.shape_cast %get3A_460 : vector<1x1x16xi32> to vector<16xi32>
      %and3A_462 = arith.constant 65535 : i32
      %and3A_463 = vector.broadcast %and3A_462 : i32 to vector<16xi32>
      %and3A_464 = arith.andi %get3A_461, %and3A_463 : vector<16xi32>
      %swap3A_465 = arith.constant 16 : index
      %swap3A_466 = tpu.vector_load %arg7[%swap3A_465] {strides = array<i32>} : memref<128xi32, #tpu.memory_space<vmem>>, vector<16xi32>,
      %swap3A_467 = vector.shape_cast %swap3A_466 : vector<16xi32> to vector<16xi32>
      %swap3A_468 = vector.shape_cast %and3A_464 : vector<16xi32> to vector<16xi32>
      tpu.vector_store %arg7[%swap3A_465], %swap3A_468 {strides = array<i32>} : memref<128xi32, #tpu.memory_space<vmem>>, vector<16xi32>,
      %shift_right_logical3A_469 = arith.constant 16 : i32
      %shift_right_logical3A_470 = vector.broadcast %shift_right_logical3A_469 : i32 to vector<16xi32>
      %shift_right_logical3A_471 = arith.shrui %get3A_461, %shift_right_logical3A_470 : vector<16xi32>
      %swap3A_472 = arith.constant 16 : index
      %swap3A_473 = tpu.vector_load %arg8[%swap3A_472] {strides = array<i32>} : memref<128xi32, #tpu.memory_space<vmem>>, vector<16xi32>,
      %swap3A_474 = vector.shape_cast %swap3A_473 : vector<16xi32> to vector<16xi32>
      %swap3A_475 = vector.shape_cast %shift_right_logical3A_471 : vector<16xi32> to vector<16xi32>
      tpu.vector_store %arg8[%swap3A_472], %swap3A_475 {strides = array<i32>} : memref<128xi32, #tpu.memory_space<vmem>>, vector<16xi32>,
      %jit3A_476 = arith.constant 8 : i32
      %div3A_477 = arith.divsi %add3A_366, %jit3A_476 : i32
      %sign3A_478 = arith.constant 0 : i32
      %sign3A_479 = arith.cmpi sgt, %add3A_366, %sign3A_478 : i32
      %sign3A_480 = arith.extui %sign3A_479 : i1 to i32
      %sign3A_481 = arith.constant 0 : i32
      %sign3A_482 = arith.cmpi slt, %add3A_366, %sign3A_481 : i32
      %sign3A_483 = arith.extui %sign3A_482 : i1 to i32
      %sign3A_484 = arith.subi %sign3A_480, %sign3A_483 : i32
      %sign3A_485 = arith.constant 0 : i32
      %sign3A_486 = arith.cmpi sgt, %jit3A_476, %sign3A_485 : i32
      %sign3A_487 = arith.extui %sign3A_486 : i1 to i32
      %sign3A_488 = arith.constant 0 : i32
      %sign3A_489 = arith.cmpi slt, %jit3A_476, %sign3A_488 : i32
      %sign3A_490 = arith.extui %sign3A_489 : i1 to i32
      %sign3A_491 = arith.subi %sign3A_487, %sign3A_490 : i32
      %ne3A_492 = arith.cmpi ne, %sign3A_484, %sign3A_491 : i32
      %rem3A_493 = arith.remsi %add3A_366, %jit3A_476 : i32
      %ne3A_494 = arith.constant 0 : i32
      %ne3A_495 = arith.cmpi ne, %rem3A_493, %ne3A_494 : i32
      %and3A_496 = arith.andi %ne3A_492, %ne3A_495 : i1
      %sub3A_497 = arith.constant 1 : i32
      %sub3A_498 = arith.subi %div3A_477, %sub3A_497 : i32
      %select_n3A_499 = arith.select %and3A_496, %sub3A_498, %div3A_477 : i32
      %jit3A_500 = arith.constant 8 : i32
      %eq3A_501 = arith.constant 0 : i32
      %eq3A_502 = arith.cmpi eq, %jit3A_500, %eq3A_501 : i32
      %jit3A_503 = arith.constant 1 : i32
      %select_n3A_504 = arith.select %eq3A_502, %jit3A_503, %jit3A_500 : i32
      %rem3A_505 = arith.remsi %add3A_366, %select_n3A_504 : i32
      %ne3A_506 = arith.constant 0 : i32
      %ne3A_507 = arith.cmpi ne, %rem3A_505, %ne3A_506 : i32
      %lt3A_508 = arith.constant 0 : i32
      %lt3A_509 = arith.cmpi slt, %rem3A_505, %lt3A_508 : i32
      %lt3A_510 = arith.constant 0 : i32
      %lt3A_511 = arith.cmpi slt, %select_n3A_504, %lt3A_510 : i32
      %ne3A_512 = arith.xori %lt3A_509, %lt3A_511 : i1
      %and3A_513 = arith.andi %ne3A_512, %ne3A_507 : i1
      %add3A_514 = arith.addi %rem3A_505, %select_n3A_504 : i32
      %select_n3A_515 = arith.select %and3A_513, %add3A_514, %rem3A_505 : i32
      %get3A_516 = arith.index_cast %select_n3A_499 : i32 to index
      %get3A_517 = arith.index_cast %select_n3A_515 : i32 to index
      %get3A_518 = arith.constant 32 : index
      %get3A_519 = tpu.vector_load %arg6[%get3A_516, %get3A_517, %get3A_518] {strides = array<i32>} : memref<10x8x128xi32, #tpu.memory_space<vmem>>, vector<1x1x16xi32>,
      %get3A_520 = vector.shape_cast %get3A_519 : vector<1x1x16xi32> to vector<16xi32>
      %and3A_521 = arith.constant 65535 : i32
      %and3A_522 = vector.broadcast %and3A_521 : i32 to vector<16xi32>
      %and3A_523 = arith.andi %get3A_520, %and3A_522 : vector<16xi32>
      %swap3A_524 = arith.constant 32 : index
      %swap3A_525 = tpu.vector_load %arg7[%swap3A_524] {strides = array<i32>} : memref<128xi32, #tpu.memory_space<vmem>>, vector<16xi32>,
      %swap3A_526 = vector.shape_cast %swap3A_525 : vector<16xi32> to vector<16xi32>
      %swap3A_527 = vector.shape_cast %and3A_523 : vector<16xi32> to vector<16xi32>
      tpu.vector_store %arg7[%swap3A_524], %swap3A_527 {strides = array<i32>} : memref<128xi32, #tpu.memory_space<vmem>>, vector<16xi32>,
      %shift_right_logical3A_528 = arith.constant 16 : i32
      %shift_right_logical3A_529 = vector.broadcast %shift_right_logical3A_528 : i32 to vector<16xi32>
      %shift_right_logical3A_530 = arith.shrui %get3A_520, %shift_right_logical3A_529 : vector<16xi32>
      %swap3A_531 = arith.constant 32 : index
      %swap3A_532 = tpu.vector_load %arg8[%swap3A_531] {strides = array<i32>} : memref<128xi32, #tpu.memory_space<vmem>>, vector<16xi32>,
      %swap3A_533 = vector.shape_cast %swap3A_532 : vector<16xi32> to vector<16xi32>
      %swap3A_534 = vector.shape_cast %shift_right_logical3A_530 : vector<16xi32> to vector<16xi32>
      tpu.vector_store %arg8[%swap3A_531], %swap3A_534 {strides = array<i32>} : memref<128xi32, #tpu.memory_space<vmem>>, vector<16xi32>,
      %jit3A_535 = arith.constant 8 : i32
      %div3A_536 = arith.divsi %add3A_366, %jit3A_535 : i32
      %sign3A_537 = arith.constant 0 : i32
      %sign3A_538 = arith.cmpi sgt, %add3A_366, %sign3A_537 : i32
      %sign3A_539 = arith.extui %sign3A_538 : i1 to i32
      %sign3A_540 = arith.constant 0 : i32
      %sign3A_541 = arith.cmpi slt, %add3A_366, %sign3A_540 : i32
      %sign3A_542 = arith.extui %sign3A_541 : i1 to i32
      %sign3A_543 = arith.subi %sign3A_539, %sign3A_542 : i32
      %sign3A_544 = arith.constant 0 : i32
      %sign3A_545 = arith.cmpi sgt, %jit3A_535, %sign3A_544 : i32
      %sign3A_546 = arith.extui %sign3A_545 : i1 to i32
      %sign3A_547 = arith.constant 0 : i32
      %sign3A_548 = arith.cmpi slt, %jit3A_535, %sign3A_547 : i32
      %sign3A_549 = arith.extui %sign3A_548 : i1 to i32
      %sign3A_550 = arith.subi %sign3A_546, %sign3A_549 : i32
      %ne3A_551 = arith.cmpi ne, %sign3A_543, %sign3A_550 : i32
      %rem3A_552 = arith.remsi %add3A_366, %jit3A_535 : i32
      %ne3A_553 = arith.constant 0 : i32
      %ne3A_554 = arith.cmpi ne, %rem3A_552, %ne3A_553 : i32
      %and3A_555 = arith.andi %ne3A_551, %ne3A_554 : i1
      %sub3A_556 = arith.constant 1 : i32
      %sub3A_557 = arith.subi %div3A_536, %sub3A_556 : i32
      %select_n3A_558 = arith.select %and3A_555, %sub3A_557, %div3A_536 : i32
      %jit3A_559 = arith.constant 8 : i32
      %eq3A_560 = arith.constant 0 : i32
      %eq3A_561 = arith.cmpi eq, %jit3A_559, %eq3A_560 : i32
      %jit3A_562 = arith.constant 1 : i32
      %select_n3A_563 = arith.select %eq3A_561, %jit3A_562, %jit3A_559 : i32
      %rem3A_564 = arith.remsi %add3A_366, %select_n3A_563 : i32
      %ne3A_565 = arith.constant 0 : i32
      %ne3A_566 = arith.cmpi ne, %rem3A_564, %ne3A_565 : i32
      %lt3A_567 = arith.constant 0 : i32
      %lt3A_568 = arith.cmpi slt, %rem3A_564, %lt3A_567 : i32
      %lt3A_569 = arith.constant 0 : i32
      %lt3A_570 = arith.cmpi slt, %select_n3A_563, %lt3A_569 : i32
      %ne3A_571 = arith.xori %lt3A_568, %lt3A_570 : i1
      %and3A_572 = arith.andi %ne3A_571, %ne3A_566 : i1
      %add3A_573 = arith.addi %rem3A_564, %select_n3A_563 : i32
      %select_n3A_574 = arith.select %and3A_572, %add3A_573, %rem3A_564 : i32
      %get3A_575 = arith.index_cast %select_n3A_558 : i32 to index
      %get3A_576 = arith.index_cast %select_n3A_574 : i32 to index
      %get3A_577 = arith.constant 48 : index
      %get3A_578 = tpu.vector_load %arg6[%get3A_575, %get3A_576, %get3A_577] {strides = array<i32>} : memref<10x8x128xi32, #tpu.memory_space<vmem>>, vector<1x1x16xi32>,
      %get3A_579 = vector.shape_cast %get3A_578 : vector<1x1x16xi32> to vector<16xi32>
      %and3A_580 = arith.constant 65535 : i32
      %and3A_581 = vector.broadcast %and3A_580 : i32 to vector<16xi32>
      %and3A_582 = arith.andi %get3A_579, %and3A_581 : vector<16xi32>
      %swap3A_583 = arith.constant 48 : index
      %swap3A_584 = tpu.vector_load %arg7[%swap3A_583] {strides = array<i32>} : memref<128xi32, #tpu.memory_space<vmem>>, vector<16xi32>,
      %swap3A_585 = vector.shape_cast %swap3A_584 : vector<16xi32> to vector<16xi32>
      %swap3A_586 = vector.shape_cast %and3A_582 : vector<16xi32> to vector<16xi32>
      tpu.vector_store %arg7[%swap3A_583], %swap3A_586 {strides = array<i32>} : memref<128xi32, #tpu.memory_space<vmem>>, vector<16xi32>,
      %shift_right_logical3A_587 = arith.constant 16 : i32
      %shift_right_logical3A_588 = vector.broadcast %shift_right_logical3A_587 : i32 to vector<16xi32>
      %shift_right_logical3A_589 = arith.shrui %get3A_579, %shift_right_logical3A_588 : vector<16xi32>
      %swap3A_590 = arith.constant 48 : index
      %swap3A_591 = tpu.vector_load %arg8[%swap3A_590] {strides = array<i32>} : memref<128xi32, #tpu.memory_space<vmem>>, vector<16xi32>,
      %swap3A_592 = vector.shape_cast %swap3A_591 : vector<16xi32> to vector<16xi32>
      %swap3A_593 = vector.shape_cast %shift_right_logical3A_589 : vector<16xi32> to vector<16xi32>
      tpu.vector_store %arg8[%swap3A_590], %swap3A_593 {strides = array<i32>} : memref<128xi32, #tpu.memory_space<vmem>>, vector<16xi32>,
      %jit3A_594 = arith.constant 8 : i32
      %div3A_595 = arith.divsi %add3A_366, %jit3A_594 : i32
      %sign3A_596 = arith.constant 0 : i32
      %sign3A_597 = arith.cmpi sgt, %add3A_366, %sign3A_596 : i32
      %sign3A_598 = arith.extui %sign3A_597 : i1 to i32
      %sign3A_599 = arith.constant 0 : i32
      %sign3A_600 = arith.cmpi slt, %add3A_366, %sign3A_599 : i32
      %sign3A_601 = arith.extui %sign3A_600 : i1 to i32
      %sign3A_602 = arith.subi %sign3A_598, %sign3A_601 : i32
      %sign3A_603 = arith.constant 0 : i32
      %sign3A_604 = arith.cmpi sgt, %jit3A_594, %sign3A_603 : i32
      %sign3A_605 = arith.extui %sign3A_604 : i1 to i32
      %sign3A_606 = arith.constant 0 : i32
      %sign3A_607 = arith.cmpi slt, %jit3A_594, %sign3A_606 : i32
      %sign3A_608 = arith.extui %sign3A_607 : i1 to i32
      %sign3A_609 = arith.subi %sign3A_605, %sign3A_608 : i32
      %ne3A_610 = arith.cmpi ne, %sign3A_602, %sign3A_609 : i32
      %rem3A_611 = arith.remsi %add3A_366, %jit3A_594 : i32
      %ne3A_612 = arith.constant 0 : i32
      %ne3A_613 = arith.cmpi ne, %rem3A_611, %ne3A_612 : i32
      %and3A_614 = arith.andi %ne3A_610, %ne3A_613 : i1
      %sub3A_615 = arith.constant 1 : i32
      %sub3A_616 = arith.subi %div3A_595, %sub3A_615 : i32
      %select_n3A_617 = arith.select %and3A_614, %sub3A_616, %div3A_595 : i32
      %jit3A_618 = arith.constant 8 : i32
      %eq3A_619 = arith.constant 0 : i32
      %eq3A_620 = arith.cmpi eq, %jit3A_618, %eq3A_619 : i32
      %jit3A_621 = arith.constant 1 : i32
      %select_n3A_622 = arith.select %eq3A_620, %jit3A_621, %jit3A_618 : i32
      %rem3A_623 = arith.remsi %add3A_366, %select_n3A_622 : i32
      %ne3A_624 = arith.constant 0 : i32
      %ne3A_625 = arith.cmpi ne, %rem3A_623, %ne3A_624 : i32
      %lt3A_626 = arith.constant 0 : i32
      %lt3A_627 = arith.cmpi slt, %rem3A_623, %lt3A_626 : i32
      %lt3A_628 = arith.constant 0 : i32
      %lt3A_629 = arith.cmpi slt, %select_n3A_622, %lt3A_628 : i32
      %ne3A_630 = arith.xori %lt3A_627, %lt3A_629 : i1
      %and3A_631 = arith.andi %ne3A_630, %ne3A_625 : i1
      %add3A_632 = arith.addi %rem3A_623, %select_n3A_622 : i32
      %select_n3A_633 = arith.select %and3A_631, %add3A_632, %rem3A_623 : i32
      %get3A_634 = arith.index_cast %select_n3A_617 : i32 to index
      %get3A_635 = arith.index_cast %select_n3A_633 : i32 to index
      %get3A_636 = arith.constant 64 : index
      %get3A_637 = tpu.vector_load %arg6[%get3A_634, %get3A_635, %get3A_636] {strides = array<i32>} : memref<10x8x128xi32, #tpu.memory_space<vmem>>, vector<1x1x16xi32>,
      %get3A_638 = vector.shape_cast %get3A_637 : vector<1x1x16xi32> to vector<16xi32>
      %and3A_639 = arith.constant 65535 : i32
      %and3A_640 = vector.broadcast %and3A_639 : i32 to vector<16xi32>
      %and3A_641 = arith.andi %get3A_638, %and3A_640 : vector<16xi32>
      %swap3A_642 = arith.constant 64 : index
      %swap3A_643 = tpu.vector_load %arg7[%swap3A_642] {strides = array<i32>} : memref<128xi32, #tpu.memory_space<vmem>>, vector<16xi32>,
      %swap3A_644 = vector.shape_cast %swap3A_643 : vector<16xi32> to vector<16xi32>
      %swap3A_645 = vector.shape_cast %and3A_641 : vector<16xi32> to vector<16xi32>
      tpu.vector_store %arg7[%swap3A_642], %swap3A_645 {strides = array<i32>} : memref<128xi32, #tpu.memory_space<vmem>>, vector<16xi32>,
      %shift_right_logical3A_646 = arith.constant 16 : i32
      %shift_right_logical3A_647 = vector.broadcast %shift_right_logical3A_646 : i32 to vector<16xi32>
      %shift_right_logical3A_648 = arith.shrui %get3A_638, %shift_right_logical3A_647 : vector<16xi32>
      %swap3A_649 = arith.constant 64 : index
      %swap3A_650 = tpu.vector_load %arg8[%swap3A_649] {strides = array<i32>} : memref<128xi32, #tpu.memory_space<vmem>>, vector<16xi32>,
      %swap3A_651 = vector.shape_cast %swap3A_650 : vector<16xi32> to vector<16xi32>
      %swap3A_652 = vector.shape_cast %shift_right_logical3A_648 : vector<16xi32> to vector<16xi32>
      tpu.vector_store %arg8[%swap3A_649], %swap3A_652 {strides = array<i32>} : memref<128xi32, #tpu.memory_space<vmem>>, vector<16xi32>,
      %jit3A_653 = arith.constant 8 : i32
      %div3A_654 = arith.divsi %add3A_366, %jit3A_653 : i32
      %sign3A_655 = arith.constant 0 : i32
      %sign3A_656 = arith.cmpi sgt, %add3A_366, %sign3A_655 : i32
      %sign3A_657 = arith.extui %sign3A_656 : i1 to i32
      %sign3A_658 = arith.constant 0 : i32
      %sign3A_659 = arith.cmpi slt, %add3A_366, %sign3A_658 : i32
      %sign3A_660 = arith.extui %sign3A_659 : i1 to i32
      %sign3A_661 = arith.subi %sign3A_657, %sign3A_660 : i32
      %sign3A_662 = arith.constant 0 : i32
      %sign3A_663 = arith.cmpi sgt, %jit3A_653, %sign3A_662 : i32
      %sign3A_664 = arith.extui %sign3A_663 : i1 to i32
      %sign3A_665 = arith.constant 0 : i32
      %sign3A_666 = arith.cmpi slt, %jit3A_653, %sign3A_665 : i32
      %sign3A_667 = arith.extui %sign3A_666 : i1 to i32
      %sign3A_668 = arith.subi %sign3A_664, %sign3A_667 : i32
      %ne3A_669 = arith.cmpi ne, %sign3A_661, %sign3A_668 : i32
      %rem3A_670 = arith.remsi %add3A_366, %jit3A_653 : i32
      %ne3A_671 = arith.constant 0 : i32
      %ne3A_672 = arith.cmpi ne, %rem3A_670, %ne3A_671 : i32
      %and3A_673 = arith.andi %ne3A_669, %ne3A_672 : i1
      %sub3A_674 = arith.constant 1 : i32
      %sub3A_675 = arith.subi %div3A_654, %sub3A_674 : i32
      %select_n3A_676 = arith.select %and3A_673, %sub3A_675, %div3A_654 : i32
      %jit3A_677 = arith.constant 8 : i32
      %eq3A_678 = arith.constant 0 : i32
      %eq3A_679 = arith.cmpi eq, %jit3A_677, %eq3A_678 : i32
      %jit3A_680 = arith.constant 1 : i32
      %select_n3A_681 = arith.select %eq3A_679, %jit3A_680, %jit3A_677 : i32
      %rem3A_682 = arith.remsi %add3A_366, %select_n3A_681 : i32
      %ne3A_683 = arith.constant 0 : i32
      %ne3A_684 = arith.cmpi ne, %rem3A_682, %ne3A_683 : i32
      %lt3A_685 = arith.constant 0 : i32
      %lt3A_686 = arith.cmpi slt, %rem3A_682, %lt3A_685 : i32
      %lt3A_687 = arith.constant 0 : i32
      %lt3A_688 = arith.cmpi slt, %select_n3A_681, %lt3A_687 : i32
      %ne3A_689 = arith.xori %lt3A_686, %lt3A_688 : i1
      %and3A_690 = arith.andi %ne3A_689, %ne3A_684 : i1
      %add3A_691 = arith.addi %rem3A_682, %select_n3A_681 : i32
      %select_n3A_692 = arith.select %and3A_690, %add3A_691, %rem3A_682 : i32
      %get3A_693 = arith.index_cast %select_n3A_676 : i32 to index
      %get3A_694 = arith.index_cast %select_n3A_692 : i32 to index
      %get3A_695 = arith.constant 80 : index
      %get3A_696 = tpu.vector_load %arg6[%get3A_693, %get3A_694, %get3A_695] {strides = array<i32>} : memref<10x8x128xi32, #tpu.memory_space<vmem>>, vector<1x1x16xi32>,
      %get3A_697 = vector.shape_cast %get3A_696 : vector<1x1x16xi32> to vector<16xi32>
      %and3A_698 = arith.constant 65535 : i32
      %and3A_699 = vector.broadcast %and3A_698 : i32 to vector<16xi32>
      %and3A_700 = arith.andi %get3A_697, %and3A_699 : vector<16xi32>
      %swap3A_701 = arith.constant 80 : index
      %swap3A_702 = tpu.vector_load %arg7[%swap3A_701] {strides = array<i32>} : memref<128xi32, #tpu.memory_space<vmem>>, vector<16xi32>,
      %swap3A_703 = vector.shape_cast %swap3A_702 : vector<16xi32> to vector<16xi32>
      %swap3A_704 = vector.shape_cast %and3A_700 : vector<16xi32> to vector<16xi32>
      tpu.vector_store %arg7[%swap3A_701], %swap3A_704 {strides = array<i32>} : memref<128xi32, #tpu.memory_space<vmem>>, vector<16xi32>,
      %shift_right_logical3A_705 = arith.constant 16 : i32
      %shift_right_logical3A_706 = vector.broadcast %shift_right_logical3A_705 : i32 to vector<16xi32>
      %shift_right_logical3A_707 = arith.shrui %get3A_697, %shift_right_logical3A_706 : vector<16xi32>
      %swap3A_708 = arith.constant 80 : index
      %swap3A_709 = tpu.vector_load %arg8[%swap3A_708] {strides = array<i32>} : memref<128xi32, #tpu.memory_space<vmem>>, vector<16xi32>,
      %swap3A_710 = vector.shape_cast %swap3A_709 : vector<16xi32> to vector<16xi32>
      %swap3A_711 = vector.shape_cast %shift_right_logical3A_707 : vector<16xi32> to vector<16xi32>
      tpu.vector_store %arg8[%swap3A_708], %swap3A_711 {strides = array<i32>} : memref<128xi32, #tpu.memory_space<vmem>>, vector<16xi32>,
      %jit3A_712 = arith.constant 8 : i32
      %div3A_713 = arith.divsi %add3A_366, %jit3A_712 : i32
      %sign3A_714 = arith.constant 0 : i32
      %sign3A_715 = arith.cmpi sgt, %add3A_366, %sign3A_714 : i32
      %sign3A_716 = arith.extui %sign3A_715 : i1 to i32
      %sign3A_717 = arith.constant 0 : i32
      %sign3A_718 = arith.cmpi slt, %add3A_366, %sign3A_717 : i32
      %sign3A_719 = arith.extui %sign3A_718 : i1 to i32
      %sign3A_720 = arith.subi %sign3A_716, %sign3A_719 : i32
      %sign3A_721 = arith.constant 0 : i32
      %sign3A_722 = arith.cmpi sgt, %jit3A_712, %sign3A_721 : i32
      %sign3A_723 = arith.extui %sign3A_722 : i1 to i32
      %sign3A_724 = arith.constant 0 : i32
      %sign3A_725 = arith.cmpi slt, %jit3A_712, %sign3A_724 : i32
      %sign3A_726 = arith.extui %sign3A_725 : i1 to i32
      %sign3A_727 = arith.subi %sign3A_723, %sign3A_726 : i32
      %ne3A_728 = arith.cmpi ne, %sign3A_720, %sign3A_727 : i32
      %rem3A_729 = arith.remsi %add3A_366, %jit3A_712 : i32
      %ne3A_730 = arith.constant 0 : i32
      %ne3A_731 = arith.cmpi ne, %rem3A_729, %ne3A_730 : i32
      %and3A_732 = arith.andi %ne3A_728, %ne3A_731 : i1
      %sub3A_733 = arith.constant 1 : i32
      %sub3A_734 = arith.subi %div3A_713, %sub3A_733 : i32
      %select_n3A_735 = arith.select %and3A_732, %sub3A_734, %div3A_713 : i32
      %jit3A_736 = arith.constant 8 : i32
      %eq3A_737 = arith.constant 0 : i32
      %eq3A_738 = arith.cmpi eq, %jit3A_736, %eq3A_737 : i32
      %jit3A_739 = arith.constant 1 : i32
      %select_n3A_740 = arith.select %eq3A_738, %jit3A_739, %jit3A_736 : i32
      %rem3A_741 = arith.remsi %add3A_366, %select_n3A_740 : i32
      %ne3A_742 = arith.constant 0 : i32
      %ne3A_743 = arith.cmpi ne, %rem3A_741, %ne3A_742 : i32
      %lt3A_744 = arith.constant 0 : i32
      %lt3A_745 = arith.cmpi slt, %rem3A_741, %lt3A_744 : i32
      %lt3A_746 = arith.constant 0 : i32
      %lt3A_747 = arith.cmpi slt, %select_n3A_740, %lt3A_746 : i32
      %ne3A_748 = arith.xori %lt3A_745, %lt3A_747 : i1
      %and3A_749 = arith.andi %ne3A_748, %ne3A_743 : i1
      %add3A_750 = arith.addi %rem3A_741, %select_n3A_740 : i32
      %select_n3A_751 = arith.select %and3A_749, %add3A_750, %rem3A_741 : i32
      %get3A_752 = arith.index_cast %select_n3A_735 : i32 to index
      %get3A_753 = arith.index_cast %select_n3A_751 : i32 to index
      %get3A_754 = arith.constant 96 : index
      %get3A_755 = tpu.vector_load %arg6[%get3A_752, %get3A_753, %get3A_754] {strides = array<i32>} : memref<10x8x128xi32, #tpu.memory_space<vmem>>, vector<1x1x16xi32>,
      %get3A_756 = vector.shape_cast %get3A_755 : vector<1x1x16xi32> to vector<16xi32>
      %and3A_757 = arith.constant 65535 : i32
      %and3A_758 = vector.broadcast %and3A_757 : i32 to vector<16xi32>
      %and3A_759 = arith.andi %get3A_756, %and3A_758 : vector<16xi32>
      %swap3A_760 = arith.constant 96 : index
      %swap3A_761 = tpu.vector_load %arg7[%swap3A_760] {strides = array<i32>} : memref<128xi32, #tpu.memory_space<vmem>>, vector<16xi32>,
      %swap3A_762 = vector.shape_cast %swap3A_761 : vector<16xi32> to vector<16xi32>
      %swap3A_763 = vector.shape_cast %and3A_759 : vector<16xi32> to vector<16xi32>
      tpu.vector_store %arg7[%swap3A_760], %swap3A_763 {strides = array<i32>} : memref<128xi32, #tpu.memory_space<vmem>>, vector<16xi32>,
      %shift_right_logical3A_764 = arith.constant 16 : i32
      %shift_right_logical3A_765 = vector.broadcast %shift_right_logical3A_764 : i32 to vector<16xi32>
      %shift_right_logical3A_766 = arith.shrui %get3A_756, %shift_right_logical3A_765 : vector<16xi32>
      %swap3A_767 = arith.constant 96 : index
      %swap3A_768 = tpu.vector_load %arg8[%swap3A_767] {strides = array<i32>} : memref<128xi32, #tpu.memory_space<vmem>>, vector<16xi32>,
      %swap3A_769 = vector.shape_cast %swap3A_768 : vector<16xi32> to vector<16xi32>
      %swap3A_770 = vector.shape_cast %shift_right_logical3A_766 : vector<16xi32> to vector<16xi32>
      tpu.vector_store %arg8[%swap3A_767], %swap3A_770 {strides = array<i32>} : memref<128xi32, #tpu.memory_space<vmem>>, vector<16xi32>,
      %jit3A_771 = arith.constant 8 : i32
      %div3A_772 = arith.divsi %add3A_366, %jit3A_771 : i32
      %sign3A_773 = arith.constant 0 : i32
      %sign3A_774 = arith.cmpi sgt, %add3A_366, %sign3A_773 : i32
      %sign3A_775 = arith.extui %sign3A_774 : i1 to i32
      %sign3A_776 = arith.constant 0 : i32
      %sign3A_777 = arith.cmpi slt, %add3A_366, %sign3A_776 : i32
      %sign3A_778 = arith.extui %sign3A_777 : i1 to i32
      %sign3A_779 = arith.subi %sign3A_775, %sign3A_778 : i32
      %sign3A_780 = arith.constant 0 : i32
      %sign3A_781 = arith.cmpi sgt, %jit3A_771, %sign3A_780 : i32
      %sign3A_782 = arith.extui %sign3A_781 : i1 to i32
      %sign3A_783 = arith.constant 0 : i32
      %sign3A_784 = arith.cmpi slt, %jit3A_771, %sign3A_783 : i32
      %sign3A_785 = arith.extui %sign3A_784 : i1 to i32
      %sign3A_786 = arith.subi %sign3A_782, %sign3A_785 : i32
      %ne3A_787 = arith.cmpi ne, %sign3A_779, %sign3A_786 : i32
      %rem3A_788 = arith.remsi %add3A_366, %jit3A_771 : i32
      %ne3A_789 = arith.constant 0 : i32
      %ne3A_790 = arith.cmpi ne, %rem3A_788, %ne3A_789 : i32
      %and3A_791 = arith.andi %ne3A_787, %ne3A_790 : i1
      %sub3A_792 = arith.constant 1 : i32
      %sub3A_793 = arith.subi %div3A_772, %sub3A_792 : i32
      %select_n3A_794 = arith.select %and3A_791, %sub3A_793, %div3A_772 : i32
      %jit3A_795 = arith.constant 8 : i32
      %eq3A_796 = arith.constant 0 : i32
      %eq3A_797 = arith.cmpi eq, %jit3A_795, %eq3A_796 : i32
      %jit3A_798 = arith.constant 1 : i32
      %select_n3A_799 = arith.select %eq3A_797, %jit3A_798, %jit3A_795 : i32
      %rem3A_800 = arith.remsi %add3A_366, %select_n3A_799 : i32
      %ne3A_801 = arith.constant 0 : i32
      %ne3A_802 = arith.cmpi ne, %rem3A_800, %ne3A_801 : i32
      %lt3A_803 = arith.constant 0 : i32
      %lt3A_804 = arith.cmpi slt, %rem3A_800, %lt3A_803 : i32
      %lt3A_805 = arith.constant 0 : i32
      %lt3A_806 = arith.cmpi slt, %select_n3A_799, %lt3A_805 : i32
      %ne3A_807 = arith.xori %lt3A_804, %lt3A_806 : i1
      %and3A_808 = arith.andi %ne3A_807, %ne3A_802 : i1
      %add3A_809 = arith.addi %rem3A_800, %select_n3A_799 : i32
      %select_n3A_810 = arith.select %and3A_808, %add3A_809, %rem3A_800 : i32
      %get3A_811 = arith.index_cast %select_n3A_794 : i32 to index
      %get3A_812 = arith.index_cast %select_n3A_810 : i32 to index
      %get3A_813 = arith.constant 112 : index
      %get3A_814 = tpu.vector_load %arg6[%get3A_811, %get3A_812, %get3A_813] {strides = array<i32>} : memref<10x8x128xi32, #tpu.memory_space<vmem>>, vector<1x1x16xi32>,
      %get3A_815 = vector.shape_cast %get3A_814 : vector<1x1x16xi32> to vector<16xi32>
      %and3A_816 = arith.constant 65535 : i32
      %and3A_817 = vector.broadcast %and3A_816 : i32 to vector<16xi32>
      %and3A_818 = arith.andi %get3A_815, %and3A_817 : vector<16xi32>
      %swap3A_819 = arith.constant 112 : index
      %swap3A_820 = tpu.vector_load %arg7[%swap3A_819] {strides = array<i32>} : memref<128xi32, #tpu.memory_space<vmem>>, vector<16xi32>,
      %swap3A_821 = vector.shape_cast %swap3A_820 : vector<16xi32> to vector<16xi32>
      %swap3A_822 = vector.shape_cast %and3A_818 : vector<16xi32> to vector<16xi32>
      tpu.vector_store %arg7[%swap3A_819], %swap3A_822 {strides = array<i32>} : memref<128xi32, #tpu.memory_space<vmem>>, vector<16xi32>,
      %shift_right_logical3A_823 = arith.constant 16 : i32
      %shift_right_logical3A_824 = vector.broadcast %shift_right_logical3A_823 : i32 to vector<16xi32>
      %shift_right_logical3A_825 = arith.shrui %get3A_815, %shift_right_logical3A_824 : vector<16xi32>
      %swap3A_826 = arith.constant 112 : index
      %swap3A_827 = tpu.vector_load %arg8[%swap3A_826] {strides = array<i32>} : memref<128xi32, #tpu.memory_space<vmem>>, vector<16xi32>,
      %swap3A_828 = vector.shape_cast %swap3A_827 : vector<16xi32> to vector<16xi32>
      %swap3A_829 = vector.shape_cast %shift_right_logical3A_825 : vector<16xi32> to vector<16xi32>
      tpu.vector_store %arg8[%swap3A_826], %swap3A_829 {strides = array<i32>} : memref<128xi32, #tpu.memory_space<vmem>>, vector<16xi32>,
      %dma_start3A_830 = arith.constant 0 : i32
      %dma_start3A_831 = arith.constant 0 : i32
      %dma_start3A_832 = tpu.memref_slice %arg2[%dma_start3A_830, %dma_start3A_831] : memref<10000x128xf32, #tpu.memory_space<hbm>> -> memref<10000x128xf32, #tpu.memory_space<hbm>>
      tpu.enqueue_indirect_dma source(%dma_start3A_832 : memref<10000x128xf32, #tpu.memory_space<hbm>>) target(%arg11 : memref<128x128xf32, #tpu.memory_space<vmem>>) offsets(%arg7 : memref<128xi32, #tpu.memory_space<vmem>>) semaphore(%arg14 : memref<!tpu.dma_semaphore, #tpu.memory_space<semaphore_mem>>)
      %dma_wait3A_833 = arith.constant 0 : i32
      %dma_wait3A_834 = arith.constant 0 : i32
      %dma_wait3A_835 = tpu.memref_slice %arg2[%dma_wait3A_833, %dma_wait3A_834] : memref<10000x128xf32, #tpu.memory_space<hbm>> -> memref<10000x128xf32, #tpu.memory_space<hbm>>
      tpu.wait_indirect_dma semaphore(%arg15 : memref<!tpu.dma_semaphore, #tpu.memory_space<semaphore_mem>>) src(%dma_wait3A_835 : memref<10000x128xf32, #tpu.memory_space<hbm>>) dst(%arg12 : memref<128x128xf32, #tpu.memory_space<vmem>>)
      "tpu.region"() ({
        %run_scoped3A = tpu.sem_alloc : memref<!tpu.dma_semaphore, #tpu.memory_space<semaphore_mem>>
        %dma_start3A_1313 = arith.constant 0 : i32
        %dma_start3A_1314 = arith.constant 0 : i32
        %dma_start3A_1315 = tpu.memref_slice %arg13[%dma_start3A_1313, %dma_start3A_1314] : memref<10240x128xf32, #tpu.memory_space<vmem_shared>> -> memref<10240x128xf32, #tpu.memory_space<vmem_shared>>
        tpu.enqueue_indirect_dma source(%arg12 : memref<128x128xf32, #tpu.memory_space<vmem>>) target(%dma_start3A_1315 : memref<10240x128xf32, #tpu.memory_space<vmem_shared>>) offsets(%arg10 : memref<128xi32, #tpu.memory_space<vmem>>) semaphore(%run_scoped3A : memref<!tpu.dma_semaphore, #tpu.memory_space<semaphore_mem>>) {add = true}
        %dma_wait3A_1316 = arith.constant 0 : i32
        %dma_wait3A_1317 = arith.constant 0 : i32
        %dma_wait3A_1318 = tpu.memref_slice %arg13[%dma_wait3A_1316, %dma_wait3A_1317] : memref<10240x128xf32, #tpu.memory_space<vmem_shared>> -> memref<10240x128xf32, #tpu.memory_space<vmem_shared>>
        tpu.wait_indirect_dma semaphore(%run_scoped3A : memref<!tpu.dma_semaphore, #tpu.memory_space<semaphore_mem>>) src(%arg12 : memref<128x128xf32, #tpu.memory_space<vmem>>) dst(%dma_wait3A_1318 : memref<10240x128xf32, #tpu.memory_space<vmem_shared>>)
        tpu.yield
      }) : () -> ()
      %add3A_836 = arith.constant 3 : i32
      %add3A_837 = arith.addi %mul3A_361, %add3A_836 : i32
      %jit3A_838 = arith.constant 8 : i32
      %div3A_839 = arith.divsi %add3A_837, %jit3A_838 : i32
      %sign3A_840 = arith.constant 0 : i32
      %sign3A_841 = arith.cmpi sgt, %add3A_837, %sign3A_840 : i32
      %sign3A_842 = arith.extui %sign3A_841 : i1 to i32
      %sign3A_843 = arith.constant 0 : i32
      %sign3A_844 = arith.cmpi slt, %add3A_837, %sign3A_843 : i32
      %sign3A_845 = arith.extui %sign3A_844 : i1 to i32
      %sign3A_846 = arith.subi %sign3A_842, %sign3A_845 : i32
      %sign3A_847 = arith.constant 0 : i32
      %sign3A_848 = arith.cmpi sgt, %jit3A_838, %sign3A_847 : i32
      %sign3A_849 = arith.extui %sign3A_848 : i1 to i32
      %sign3A_850 = arith.constant 0 : i32
      %sign3A_851 = arith.cmpi slt, %jit3A_838, %sign3A_850 : i32
      %sign3A_852 = arith.extui %sign3A_851 : i1 to i32
      %sign3A_853 = arith.subi %sign3A_849, %sign3A_852 : i32
      %ne3A_854 = arith.cmpi ne, %sign3A_846, %sign3A_853 : i32
      %rem3A_855 = arith.remsi %add3A_837, %jit3A_838 : i32
      %ne3A_856 = arith.constant 0 : i32
      %ne3A_857 = arith.cmpi ne, %rem3A_855, %ne3A_856 : i32
      %and3A_858 = arith.andi %ne3A_854, %ne3A_857 : i1
      %sub3A_859 = arith.constant 1 : i32
      %sub3A_860 = arith.subi %div3A_839, %sub3A_859 : i32
      %select_n3A_861 = arith.select %and3A_858, %sub3A_860, %div3A_839 : i32
      %jit3A_862 = arith.constant 8 : i32
      %eq3A_863 = arith.constant 0 : i32
      %eq3A_864 = arith.cmpi eq, %jit3A_862, %eq3A_863 : i32
      %jit3A_865 = arith.constant 1 : i32
      %select_n3A_866 = arith.select %eq3A_864, %jit3A_865, %jit3A_862 : i32
      %rem3A_867 = arith.remsi %add3A_837, %select_n3A_866 : i32
      %ne3A_868 = arith.constant 0 : i32
      %ne3A_869 = arith.cmpi ne, %rem3A_867, %ne3A_868 : i32
      %lt3A_870 = arith.constant 0 : i32
      %lt3A_871 = arith.cmpi slt, %rem3A_867, %lt3A_870 : i32
      %lt3A_872 = arith.constant 0 : i32
      %lt3A_873 = arith.cmpi slt, %select_n3A_866, %lt3A_872 : i32
      %ne3A_874 = arith.xori %lt3A_871, %lt3A_873 : i1
      %and3A_875 = arith.andi %ne3A_874, %ne3A_869 : i1
      %add3A_876 = arith.addi %rem3A_867, %select_n3A_866 : i32
      %select_n3A_877 = arith.select %and3A_875, %add3A_876, %rem3A_867 : i32
      %get3A_878 = arith.index_cast %select_n3A_861 : i32 to index
      %get3A_879 = arith.index_cast %select_n3A_877 : i32 to index
      %get3A_880 = arith.constant 0 : index
      %get3A_881 = tpu.vector_load %arg6[%get3A_878, %get3A_879, %get3A_880] {strides = array<i32>} : memref<10x8x128xi32, #tpu.memory_space<vmem>>, vector<1x1x16xi32>,
      %get3A_882 = vector.shape_cast %get3A_881 : vector<1x1x16xi32> to vector<16xi32>
      %and3A_883 = arith.constant 65535 : i32
      %and3A_884 = vector.broadcast %and3A_883 : i32 to vector<16xi32>
      %and3A_885 = arith.andi %get3A_882, %and3A_884 : vector<16xi32>
      %swap3A_886 = arith.constant 0 : index
      %swap3A_887 = tpu.vector_load %arg9[%swap3A_886] {strides = array<i32>} : memref<128xi32, #tpu.memory_space<vmem>>, vector<16xi32>,
      %swap3A_888 = vector.shape_cast %swap3A_887 : vector<16xi32> to vector<16xi32>
      %swap3A_889 = vector.shape_cast %and3A_885 : vector<16xi32> to vector<16xi32>
      tpu.vector_store %arg9[%swap3A_886], %swap3A_889 {strides = array<i32>} : memref<128xi32, #tpu.memory_space<vmem>>, vector<16xi32>,
      %shift_right_logical3A_890 = arith.constant 16 : i32
      %shift_right_logical3A_891 = vector.broadcast %shift_right_logical3A_890 : i32 to vector<16xi32>
      %shift_right_logical3A_892 = arith.shrui %get3A_882, %shift_right_logical3A_891 : vector<16xi32>
      %swap3A_893 = arith.constant 0 : index
      %swap3A_894 = tpu.vector_load %arg10[%swap3A_893] {strides = array<i32>} : memref<128xi32, #tpu.memory_space<vmem>>, vector<16xi32>,
      %swap3A_895 = vector.shape_cast %swap3A_894 : vector<16xi32> to vector<16xi32>
      %swap3A_896 = vector.shape_cast %shift_right_logical3A_892 : vector<16xi32> to vector<16xi32>
      tpu.vector_store %arg10[%swap3A_893], %swap3A_896 {strides = array<i32>} : memref<128xi32, #tpu.memory_space<vmem>>, vector<16xi32>,
      %jit3A_897 = arith.constant 8 : i32
      %div3A_898 = arith.divsi %add3A_837, %jit3A_897 : i32
      %sign3A_899 = arith.constant 0 : i32
      %sign3A_900 = arith.cmpi sgt, %add3A_837, %sign3A_899 : i32
      %sign3A_901 = arith.extui %sign3A_900 : i1 to i32
      %sign3A_902 = arith.constant 0 : i32
      %sign3A_903 = arith.cmpi slt, %add3A_837, %sign3A_902 : i32
      %sign3A_904 = arith.extui %sign3A_903 : i1 to i32
      %sign3A_905 = arith.subi %sign3A_901, %sign3A_904 : i32
      %sign3A_906 = arith.constant 0 : i32
      %sign3A_907 = arith.cmpi sgt, %jit3A_897, %sign3A_906 : i32
      %sign3A_908 = arith.extui %sign3A_907 : i1 to i32
      %sign3A_909 = arith.constant 0 : i32
      %sign3A_910 = arith.cmpi slt, %jit3A_897, %sign3A_909 : i32
      %sign3A_911 = arith.extui %sign3A_910 : i1 to i32
      %sign3A_912 = arith.subi %sign3A_908, %sign3A_911 : i32
      %ne3A_913 = arith.cmpi ne, %sign3A_905, %sign3A_912 : i32
      %rem3A_914 = arith.remsi %add3A_837, %jit3A_897 : i32
      %ne3A_915 = arith.constant 0 : i32
      %ne3A_916 = arith.cmpi ne, %rem3A_914, %ne3A_915 : i32
      %and3A_917 = arith.andi %ne3A_913, %ne3A_916 : i1
      %sub3A_918 = arith.constant 1 : i32
      %sub3A_919 = arith.subi %div3A_898, %sub3A_918 : i32
      %select_n3A_920 = arith.select %and3A_917, %sub3A_919, %div3A_898 : i32
      %jit3A_921 = arith.constant 8 : i32
      %eq3A_922 = arith.constant 0 : i32
      %eq3A_923 = arith.cmpi eq, %jit3A_921, %eq3A_922 : i32
      %jit3A_924 = arith.constant 1 : i32
      %select_n3A_925 = arith.select %eq3A_923, %jit3A_924, %jit3A_921 : i32
      %rem3A_926 = arith.remsi %add3A_837, %select_n3A_925 : i32
      %ne3A_927 = arith.constant 0 : i32
      %ne3A_928 = arith.cmpi ne, %rem3A_926, %ne3A_927 : i32
      %lt3A_929 = arith.constant 0 : i32
      %lt3A_930 = arith.cmpi slt, %rem3A_926, %lt3A_929 : i32
      %lt3A_931 = arith.constant 0 : i32
      %lt3A_932 = arith.cmpi slt, %select_n3A_925, %lt3A_931 : i32
      %ne3A_933 = arith.xori %lt3A_930, %lt3A_932 : i1
      %and3A_934 = arith.andi %ne3A_933, %ne3A_928 : i1
      %add3A_935 = arith.addi %rem3A_926, %select_n3A_925 : i32
      %select_n3A_936 = arith.select %and3A_934, %add3A_935, %rem3A_926 : i32
      %get3A_937 = arith.index_cast %select_n3A_920 : i32 to index
      %get3A_938 = arith.index_cast %select_n3A_936 : i32 to index
      %get3A_939 = arith.constant 16 : index
      %get3A_940 = tpu.vector_load %arg6[%get3A_937, %get3A_938, %get3A_939] {strides = array<i32>} : memref<10x8x128xi32, #tpu.memory_space<vmem>>, vector<1x1x16xi32>,
      %get3A_941 = vector.shape_cast %get3A_940 : vector<1x1x16xi32> to vector<16xi32>
      %and3A_942 = arith.constant 65535 : i32
      %and3A_943 = vector.broadcast %and3A_942 : i32 to vector<16xi32>
      %and3A_944 = arith.andi %get3A_941, %and3A_943 : vector<16xi32>
      %swap3A_945 = arith.constant 16 : index
      %swap3A_946 = tpu.vector_load %arg9[%swap3A_945] {strides = array<i32>} : memref<128xi32, #tpu.memory_space<vmem>>, vector<16xi32>,
      %swap3A_947 = vector.shape_cast %swap3A_946 : vector<16xi32> to vector<16xi32>
      %swap3A_948 = vector.shape_cast %and3A_944 : vector<16xi32> to vector<16xi32>
      tpu.vector_store %arg9[%swap3A_945], %swap3A_948 {strides = array<i32>} : memref<128xi32, #tpu.memory_space<vmem>>, vector<16xi32>,
      %shift_right_logical3A_949 = arith.constant 16 : i32
      %shift_right_logical3A_950 = vector.broadcast %shift_right_logical3A_949 : i32 to vector<16xi32>
      %shift_right_logical3A_951 = arith.shrui %get3A_941, %shift_right_logical3A_950 : vector<16xi32>
      %swap3A_952 = arith.constant 16 : index
      %swap3A_953 = tpu.vector_load %arg10[%swap3A_952] {strides = array<i32>} : memref<128xi32, #tpu.memory_space<vmem>>, vector<16xi32>,
      %swap3A_954 = vector.shape_cast %swap3A_953 : vector<16xi32> to vector<16xi32>
      %swap3A_955 = vector.shape_cast %shift_right_logical3A_951 : vector<16xi32> to vector<16xi32>
      tpu.vector_store %arg10[%swap3A_952], %swap3A_955 {strides = array<i32>} : memref<128xi32, #tpu.memory_space<vmem>>, vector<16xi32>,
      %jit3A_956 = arith.constant 8 : i32
      %div3A_957 = arith.divsi %add3A_837, %jit3A_956 : i32
      %sign3A_958 = arith.constant 0 : i32
      %sign3A_959 = arith.cmpi sgt, %add3A_837, %sign3A_958 : i32
      %sign3A_960 = arith.extui %sign3A_959 : i1 to i32
      %sign3A_961 = arith.constant 0 : i32
      %sign3A_962 = arith.cmpi slt, %add3A_837, %sign3A_961 : i32
      %sign3A_963 = arith.extui %sign3A_962 : i1 to i32
      %sign3A_964 = arith.subi %sign3A_960, %sign3A_963 : i32
      %sign3A_965 = arith.constant 0 : i32
      %sign3A_966 = arith.cmpi sgt, %jit3A_956, %sign3A_965 : i32
      %sign3A_967 = arith.extui %sign3A_966 : i1 to i32
      %sign3A_968 = arith.constant 0 : i32
      %sign3A_969 = arith.cmpi slt, %jit3A_956, %sign3A_968 : i32
      %sign3A_970 = arith.extui %sign3A_969 : i1 to i32
      %sign3A_971 = arith.subi %sign3A_967, %sign3A_970 : i32
      %ne3A_972 = arith.cmpi ne, %sign3A_964, %sign3A_971 : i32
      %rem3A_973 = arith.remsi %add3A_837, %jit3A_956 : i32
      %ne3A_974 = arith.constant 0 : i32
      %ne3A_975 = arith.cmpi ne, %rem3A_973, %ne3A_974 : i32
      %and3A_976 = arith.andi %ne3A_972, %ne3A_975 : i1
      %sub3A_977 = arith.constant 1 : i32
      %sub3A_978 = arith.subi %div3A_957, %sub3A_977 : i32
      %select_n3A_979 = arith.select %and3A_976, %sub3A_978, %div3A_957 : i32
      %jit3A_980 = arith.constant 8 : i32
      %eq3A_981 = arith.constant 0 : i32
      %eq3A_982 = arith.cmpi eq, %jit3A_980, %eq3A_981 : i32
      %jit3A_983 = arith.constant 1 : i32
      %select_n3A_984 = arith.select %eq3A_982, %jit3A_983, %jit3A_980 : i32
      %rem3A_985 = arith.remsi %add3A_837, %select_n3A_984 : i32
      %ne3A_986 = arith.constant 0 : i32
      %ne3A_987 = arith.cmpi ne, %rem3A_985, %ne3A_986 : i32
      %lt3A_988 = arith.constant 0 : i32
      %lt3A_989 = arith.cmpi slt, %rem3A_985, %lt3A_988 : i32
      %lt3A_990 = arith.constant 0 : i32
      %lt3A_991 = arith.cmpi slt, %select_n3A_984, %lt3A_990 : i32
      %ne3A_992 = arith.xori %lt3A_989, %lt3A_991 : i1
      %and3A_993 = arith.andi %ne3A_992, %ne3A_987 : i1
      %add3A_994 = arith.addi %rem3A_985, %select_n3A_984 : i32
      %select_n3A_995 = arith.select %and3A_993, %add3A_994, %rem3A_985 : i32
      %get3A_996 = arith.index_cast %select_n3A_979 : i32 to index
      %get3A_997 = arith.index_cast %select_n3A_995 : i32 to index
      %get3A_998 = arith.constant 32 : index
      %get3A_999 = tpu.vector_load %arg6[%get3A_996, %get3A_997, %get3A_998] {strides = array<i32>} : memref<10x8x128xi32, #tpu.memory_space<vmem>>, vector<1x1x16xi32>,
      %get3A_1000 = vector.shape_cast %get3A_999 : vector<1x1x16xi32> to vector<16xi32>
      %and3A_1001 = arith.constant 65535 : i32
      %and3A_1002 = vector.broadcast %and3A_1001 : i32 to vector<16xi32>
      %and3A_1003 = arith.andi %get3A_1000, %and3A_1002 : vector<16xi32>
      %swap3A_1004 = arith.constant 32 : index
      %swap3A_1005 = tpu.vector_load %arg9[%swap3A_1004] {strides = array<i32>} : memref<128xi32, #tpu.memory_space<vmem>>, vector<16xi32>,
      %swap3A_1006 = vector.shape_cast %swap3A_1005 : vector<16xi32> to vector<16xi32>
      %swap3A_1007 = vector.shape_cast %and3A_1003 : vector<16xi32> to vector<16xi32>
      tpu.vector_store %arg9[%swap3A_1004], %swap3A_1007 {strides = array<i32>} : memref<128xi32, #tpu.memory_space<vmem>>, vector<16xi32>,
      %shift_right_logical3A_1008 = arith.constant 16 : i32
      %shift_right_logical3A_1009 = vector.broadcast %shift_right_logical3A_1008 : i32 to vector<16xi32>
      %shift_right_logical3A_1010 = arith.shrui %get3A_1000, %shift_right_logical3A_1009 : vector<16xi32>
      %swap3A_1011 = arith.constant 32 : index
      %swap3A_1012 = tpu.vector_load %arg10[%swap3A_1011] {strides = array<i32>} : memref<128xi32, #tpu.memory_space<vmem>>, vector<16xi32>,
      %swap3A_1013 = vector.shape_cast %swap3A_1012 : vector<16xi32> to vector<16xi32>
      %swap3A_1014 = vector.shape_cast %shift_right_logical3A_1010 : vector<16xi32> to vector<16xi32>
      tpu.vector_store %arg10[%swap3A_1011], %swap3A_1014 {strides = array<i32>} : memref<128xi32, #tpu.memory_space<vmem>>, vector<16xi32>,
      %jit3A_1015 = arith.constant 8 : i32
      %div3A_1016 = arith.divsi %add3A_837, %jit3A_1015 : i32
      %sign3A_1017 = arith.constant 0 : i32
      %sign3A_1018 = arith.cmpi sgt, %add3A_837, %sign3A_1017 : i32
      %sign3A_1019 = arith.extui %sign3A_1018 : i1 to i32
      %sign3A_1020 = arith.constant 0 : i32
      %sign3A_1021 = arith.cmpi slt, %add3A_837, %sign3A_1020 : i32
      %sign3A_1022 = arith.extui %sign3A_1021 : i1 to i32
      %sign3A_1023 = arith.subi %sign3A_1019, %sign3A_1022 : i32
      %sign3A_1024 = arith.constant 0 : i32
      %sign3A_1025 = arith.cmpi sgt, %jit3A_1015, %sign3A_1024 : i32
      %sign3A_1026 = arith.extui %sign3A_1025 : i1 to i32
      %sign3A_1027 = arith.constant 0 : i32
      %sign3A_1028 = arith.cmpi slt, %jit3A_1015, %sign3A_1027 : i32
      %sign3A_1029 = arith.extui %sign3A_1028 : i1 to i32
      %sign3A_1030 = arith.subi %sign3A_1026, %sign3A_1029 : i32
      %ne3A_1031 = arith.cmpi ne, %sign3A_1023, %sign3A_1030 : i32
      %rem3A_1032 = arith.remsi %add3A_837, %jit3A_1015 : i32
      %ne3A_1033 = arith.constant 0 : i32
      %ne3A_1034 = arith.cmpi ne, %rem3A_1032, %ne3A_1033 : i32
      %and3A_1035 = arith.andi %ne3A_1031, %ne3A_1034 : i1
      %sub3A_1036 = arith.constant 1 : i32
      %sub3A_1037 = arith.subi %div3A_1016, %sub3A_1036 : i32
      %select_n3A_1038 = arith.select %and3A_1035, %sub3A_1037, %div3A_1016 : i32
      %jit3A_1039 = arith.constant 8 : i32
      %eq3A_1040 = arith.constant 0 : i32
      %eq3A_1041 = arith.cmpi eq, %jit3A_1039, %eq3A_1040 : i32
      %jit3A_1042 = arith.constant 1 : i32
      %select_n3A_1043 = arith.select %eq3A_1041, %jit3A_1042, %jit3A_1039 : i32
      %rem3A_1044 = arith.remsi %add3A_837, %select_n3A_1043 : i32
      %ne3A_1045 = arith.constant 0 : i32
      %ne3A_1046 = arith.cmpi ne, %rem3A_1044, %ne3A_1045 : i32
      %lt3A_1047 = arith.constant 0 : i32
      %lt3A_1048 = arith.cmpi slt, %rem3A_1044, %lt3A_1047 : i32
      %lt3A_1049 = arith.constant 0 : i32
      %lt3A_1050 = arith.cmpi slt, %select_n3A_1043, %lt3A_1049 : i32
      %ne3A_1051 = arith.xori %lt3A_1048, %lt3A_1050 : i1
      %and3A_1052 = arith.andi %ne3A_1051, %ne3A_1046 : i1
      %add3A_1053 = arith.addi %rem3A_1044, %select_n3A_1043 : i32
      %select_n3A_1054 = arith.select %and3A_1052, %add3A_1053, %rem3A_1044 : i32
      %get3A_1055 = arith.index_cast %select_n3A_1038 : i32 to index
      %get3A_1056 = arith.index_cast %select_n3A_1054 : i32 to index
      %get3A_1057 = arith.constant 48 : index
      %get3A_1058 = tpu.vector_load %arg6[%get3A_1055, %get3A_1056, %get3A_1057] {strides = array<i32>} : memref<10x8x128xi32, #tpu.memory_space<vmem>>, vector<1x1x16xi32>,
      %get3A_1059 = vector.shape_cast %get3A_1058 : vector<1x1x16xi32> to vector<16xi32>
      %and3A_1060 = arith.constant 65535 : i32
      %and3A_1061 = vector.broadcast %and3A_1060 : i32 to vector<16xi32>
      %and3A_1062 = arith.andi %get3A_1059, %and3A_1061 : vector<16xi32>
      %swap3A_1063 = arith.constant 48 : index
      %swap3A_1064 = tpu.vector_load %arg9[%swap3A_1063] {strides = array<i32>} : memref<128xi32, #tpu.memory_space<vmem>>, vector<16xi32>,
      %swap3A_1065 = vector.shape_cast %swap3A_1064 : vector<16xi32> to vector<16xi32>
      %swap3A_1066 = vector.shape_cast %and3A_1062 : vector<16xi32> to vector<16xi32>
      tpu.vector_store %arg9[%swap3A_1063], %swap3A_1066 {strides = array<i32>} : memref<128xi32, #tpu.memory_space<vmem>>, vector<16xi32>,
      %shift_right_logical3A_1067 = arith.constant 16 : i32
      %shift_right_logical3A_1068 = vector.broadcast %shift_right_logical3A_1067 : i32 to vector<16xi32>
      %shift_right_logical3A_1069 = arith.shrui %get3A_1059, %shift_right_logical3A_1068 : vector<16xi32>
      %swap3A_1070 = arith.constant 48 : index
      %swap3A_1071 = tpu.vector_load %arg10[%swap3A_1070] {strides = array<i32>} : memref<128xi32, #tpu.memory_space<vmem>>, vector<16xi32>,
      %swap3A_1072 = vector.shape_cast %swap3A_1071 : vector<16xi32> to vector<16xi32>
      %swap3A_1073 = vector.shape_cast %shift_right_logical3A_1069 : vector<16xi32> to vector<16xi32>
      tpu.vector_store %arg10[%swap3A_1070], %swap3A_1073 {strides = array<i32>} : memref<128xi32, #tpu.memory_space<vmem>>, vector<16xi32>,
      %jit3A_1074 = arith.constant 8 : i32
      %div3A_1075 = arith.divsi %add3A_837, %jit3A_1074 : i32
      %sign3A_1076 = arith.constant 0 : i32
      %sign3A_1077 = arith.cmpi sgt, %add3A_837, %sign3A_1076 : i32
      %sign3A_1078 = arith.extui %sign3A_1077 : i1 to i32
      %sign3A_1079 = arith.constant 0 : i32
      %sign3A_1080 = arith.cmpi slt, %add3A_837, %sign3A_1079 : i32
      %sign3A_1081 = arith.extui %sign3A_1080 : i1 to i32
      %sign3A_1082 = arith.subi %sign3A_1078, %sign3A_1081 : i32
      %sign3A_1083 = arith.constant 0 : i32
      %sign3A_1084 = arith.cmpi sgt, %jit3A_1074, %sign3A_1083 : i32
      %sign3A_1085 = arith.extui %sign3A_1084 : i1 to i32
      %sign3A_1086 = arith.constant 0 : i32
      %sign3A_1087 = arith.cmpi slt, %jit3A_1074, %sign3A_1086 : i32
      %sign3A_1088 = arith.extui %sign3A_1087 : i1 to i32
      %sign3A_1089 = arith.subi %sign3A_1085, %sign3A_1088 : i32
      %ne3A_1090 = arith.cmpi ne, %sign3A_1082, %sign3A_1089 : i32
      %rem3A_1091 = arith.remsi %add3A_837, %jit3A_1074 : i32
      %ne3A_1092 = arith.constant 0 : i32
      %ne3A_1093 = arith.cmpi ne, %rem3A_1091, %ne3A_1092 : i32
      %and3A_1094 = arith.andi %ne3A_1090, %ne3A_1093 : i1
      %sub3A_1095 = arith.constant 1 : i32
      %sub3A_1096 = arith.subi %div3A_1075, %sub3A_1095 : i32
      %select_n3A_1097 = arith.select %and3A_1094, %sub3A_1096, %div3A_1075 : i32
      %jit3A_1098 = arith.constant 8 : i32
      %eq3A_1099 = arith.constant 0 : i32
      %eq3A_1100 = arith.cmpi eq, %jit3A_1098, %eq3A_1099 : i32
      %jit3A_1101 = arith.constant 1 : i32
      %select_n3A_1102 = arith.select %eq3A_1100, %jit3A_1101, %jit3A_1098 : i32
      %rem3A_1103 = arith.remsi %add3A_837, %select_n3A_1102 : i32
      %ne3A_1104 = arith.constant 0 : i32
      %ne3A_1105 = arith.cmpi ne, %rem3A_1103, %ne3A_1104 : i32
      %lt3A_1106 = arith.constant 0 : i32
      %lt3A_1107 = arith.cmpi slt, %rem3A_1103, %lt3A_1106 : i32
      %lt3A_1108 = arith.constant 0 : i32
      %lt3A_1109 = arith.cmpi slt, %select_n3A_1102, %lt3A_1108 : i32
      %ne3A_1110 = arith.xori %lt3A_1107, %lt3A_1109 : i1
      %and3A_1111 = arith.andi %ne3A_1110, %ne3A_1105 : i1
      %add3A_1112 = arith.addi %rem3A_1103, %select_n3A_1102 : i32
      %select_n3A_1113 = arith.select %and3A_1111, %add3A_1112, %rem3A_1103 : i32
      %get3A_1114 = arith.index_cast %select_n3A_1097 : i32 to index
      %get3A_1115 = arith.index_cast %select_n3A_1113 : i32 to index
      %get3A_1116 = arith.constant 64 : index
      %get3A_1117 = tpu.vector_load %arg6[%get3A_1114, %get3A_1115, %get3A_1116] {strides = array<i32>} : memref<10x8x128xi32, #tpu.memory_space<vmem>>, vector<1x1x16xi32>,
      %get3A_1118 = vector.shape_cast %get3A_1117 : vector<1x1x16xi32> to vector<16xi32>
      %and3A_1119 = arith.constant 65535 : i32
      %and3A_1120 = vector.broadcast %and3A_1119 : i32 to vector<16xi32>
      %and3A_1121 = arith.andi %get3A_1118, %and3A_1120 : vector<16xi32>
      %swap3A_1122 = arith.constant 64 : index
      %swap3A_1123 = tpu.vector_load %arg9[%swap3A_1122] {strides = array<i32>} : memref<128xi32, #tpu.memory_space<vmem>>, vector<16xi32>,
      %swap3A_1124 = vector.shape_cast %swap3A_1123 : vector<16xi32> to vector<16xi32>
      %swap3A_1125 = vector.shape_cast %and3A_1121 : vector<16xi32> to vector<16xi32>
      tpu.vector_store %arg9[%swap3A_1122], %swap3A_1125 {strides = array<i32>} : memref<128xi32, #tpu.memory_space<vmem>>, vector<16xi32>,
      %shift_right_logical3A_1126 = arith.constant 16 : i32
      %shift_right_logical3A_1127 = vector.broadcast %shift_right_logical3A_1126 : i32 to vector<16xi32>
      %shift_right_logical3A_1128 = arith.shrui %get3A_1118, %shift_right_logical3A_1127 : vector<16xi32>
      %swap3A_1129 = arith.constant 64 : index
      %swap3A_1130 = tpu.vector_load %arg10[%swap3A_1129] {strides = array<i32>} : memref<128xi32, #tpu.memory_space<vmem>>, vector<16xi32>,
      %swap3A_1131 = vector.shape_cast %swap3A_1130 : vector<16xi32> to vector<16xi32>
      %swap3A_1132 = vector.shape_cast %shift_right_logical3A_1128 : vector<16xi32> to vector<16xi32>
      tpu.vector_store %arg10[%swap3A_1129], %swap3A_1132 {strides = array<i32>} : memref<128xi32, #tpu.memory_space<vmem>>, vector<16xi32>,
      %jit3A_1133 = arith.constant 8 : i32
      %div3A_1134 = arith.divsi %add3A_837, %jit3A_1133 : i32
      %sign3A_1135 = arith.constant 0 : i32
      %sign3A_1136 = arith.cmpi sgt, %add3A_837, %sign3A_1135 : i32
      %sign3A_1137 = arith.extui %sign3A_1136 : i1 to i32
      %sign3A_1138 = arith.constant 0 : i32
      %sign3A_1139 = arith.cmpi slt, %add3A_837, %sign3A_1138 : i32
      %sign3A_1140 = arith.extui %sign3A_1139 : i1 to i32
      %sign3A_1141 = arith.subi %sign3A_1137, %sign3A_1140 : i32
      %sign3A_1142 = arith.constant 0 : i32
      %sign3A_1143 = arith.cmpi sgt, %jit3A_1133, %sign3A_1142 : i32
      %sign3A_1144 = arith.extui %sign3A_1143 : i1 to i32
      %sign3A_1145 = arith.constant 0 : i32
      %sign3A_1146 = arith.cmpi slt, %jit3A_1133, %sign3A_1145 : i32
      %sign3A_1147 = arith.extui %sign3A_1146 : i1 to i32
      %sign3A_1148 = arith.subi %sign3A_1144, %sign3A_1147 : i32
      %ne3A_1149 = arith.cmpi ne, %sign3A_1141, %sign3A_1148 : i32
      %rem3A_1150 = arith.remsi %add3A_837, %jit3A_1133 : i32
      %ne3A_1151 = arith.constant 0 : i32
      %ne3A_1152 = arith.cmpi ne, %rem3A_1150, %ne3A_1151 : i32
      %and3A_1153 = arith.andi %ne3A_1149, %ne3A_1152 : i1
      %sub3A_1154 = arith.constant 1 : i32
      %sub3A_1155 = arith.subi %div3A_1134, %sub3A_1154 : i32
      %select_n3A_1156 = arith.select %and3A_1153, %sub3A_1155, %div3A_1134 : i32
      %jit3A_1157 = arith.constant 8 : i32
      %eq3A_1158 = arith.constant 0 : i32
      %eq3A_1159 = arith.cmpi eq, %jit3A_1157, %eq3A_1158 : i32
      %jit3A_1160 = arith.constant 1 : i32
      %select_n3A_1161 = arith.select %eq3A_1159, %jit3A_1160, %jit3A_1157 : i32
      %rem3A_1162 = arith.remsi %add3A_837, %select_n3A_1161 : i32
      %ne3A_1163 = arith.constant 0 : i32
      %ne3A_1164 = arith.cmpi ne, %rem3A_1162, %ne3A_1163 : i32
      %lt3A_1165 = arith.constant 0 : i32
      %lt3A_1166 = arith.cmpi slt, %rem3A_1162, %lt3A_1165 : i32
      %lt3A_1167 = arith.constant 0 : i32
      %lt3A_1168 = arith.cmpi slt, %select_n3A_1161, %lt3A_1167 : i32
      %ne3A_1169 = arith.xori %lt3A_1166, %lt3A_1168 : i1
      %and3A_1170 = arith.andi %ne3A_1169, %ne3A_1164 : i1
      %add3A_1171 = arith.addi %rem3A_1162, %select_n3A_1161 : i32
      %select_n3A_1172 = arith.select %and3A_1170, %add3A_1171, %rem3A_1162 : i32
      %get3A_1173 = arith.index_cast %select_n3A_1156 : i32 to index
      %get3A_1174 = arith.index_cast %select_n3A_1172 : i32 to index
      %get3A_1175 = arith.constant 80 : index
      %get3A_1176 = tpu.vector_load %arg6[%get3A_1173, %get3A_1174, %get3A_1175] {strides = array<i32>} : memref<10x8x128xi32, #tpu.memory_space<vmem>>, vector<1x1x16xi32>,
      %get3A_1177 = vector.shape_cast %get3A_1176 : vector<1x1x16xi32> to vector<16xi32>
      %and3A_1178 = arith.constant 65535 : i32
      %and3A_1179 = vector.broadcast %and3A_1178 : i32 to vector<16xi32>
      %and3A_1180 = arith.andi %get3A_1177, %and3A_1179 : vector<16xi32>
      %swap3A_1181 = arith.constant 80 : index
      %swap3A_1182 = tpu.vector_load %arg9[%swap3A_1181] {strides = array<i32>} : memref<128xi32, #tpu.memory_space<vmem>>, vector<16xi32>,
      %swap3A_1183 = vector.shape_cast %swap3A_1182 : vector<16xi32> to vector<16xi32>
      %swap3A_1184 = vector.shape_cast %and3A_1180 : vector<16xi32> to vector<16xi32>
      tpu.vector_store %arg9[%swap3A_1181], %swap3A_1184 {strides = array<i32>} : memref<128xi32, #tpu.memory_space<vmem>>, vector<16xi32>,
      %shift_right_logical3A_1185 = arith.constant 16 : i32
      %shift_right_logical3A_1186 = vector.broadcast %shift_right_logical3A_1185 : i32 to vector<16xi32>
      %shift_right_logical3A_1187 = arith.shrui %get3A_1177, %shift_right_logical3A_1186 : vector<16xi32>
      %swap3A_1188 = arith.constant 80 : index
      %swap3A_1189 = tpu.vector_load %arg10[%swap3A_1188] {strides = array<i32>} : memref<128xi32, #tpu.memory_space<vmem>>, vector<16xi32>,
      %swap3A_1190 = vector.shape_cast %swap3A_1189 : vector<16xi32> to vector<16xi32>
      %swap3A_1191 = vector.shape_cast %shift_right_logical3A_1187 : vector<16xi32> to vector<16xi32>
      tpu.vector_store %arg10[%swap3A_1188], %swap3A_1191 {strides = array<i32>} : memref<128xi32, #tpu.memory_space<vmem>>, vector<16xi32>,
      %jit3A_1192 = arith.constant 8 : i32
      %div3A_1193 = arith.divsi %add3A_837, %jit3A_1192 : i32
      %sign3A_1194 = arith.constant 0 : i32
      %sign3A_1195 = arith.cmpi sgt, %add3A_837, %sign3A_1194 : i32
      %sign3A_1196 = arith.extui %sign3A_1195 : i1 to i32
      %sign3A_1197 = arith.constant 0 : i32
      %sign3A_1198 = arith.cmpi slt, %add3A_837, %sign3A_1197 : i32
      %sign3A_1199 = arith.extui %sign3A_1198 : i1 to i32
      %sign3A_1200 = arith.subi %sign3A_1196, %sign3A_1199 : i32
      %sign3A_1201 = arith.constant 0 : i32
      %sign3A_1202 = arith.cmpi sgt, %jit3A_1192, %sign3A_1201 : i32
      %sign3A_1203 = arith.extui %sign3A_1202 : i1 to i32
      %sign3A_1204 = arith.constant 0 : i32
      %sign3A_1205 = arith.cmpi slt, %jit3A_1192, %sign3A_1204 : i32
      %sign3A_1206 = arith.extui %sign3A_1205 : i1 to i32
      %sign3A_1207 = arith.subi %sign3A_1203, %sign3A_1206 : i32
      %ne3A_1208 = arith.cmpi ne, %sign3A_1200, %sign3A_1207 : i32
      %rem3A_1209 = arith.remsi %add3A_837, %jit3A_1192 : i32
      %ne3A_1210 = arith.constant 0 : i32
      %ne3A_1211 = arith.cmpi ne, %rem3A_1209, %ne3A_1210 : i32
      %and3A_1212 = arith.andi %ne3A_1208, %ne3A_1211 : i1
      %sub3A_1213 = arith.constant 1 : i32
      %sub3A_1214 = arith.subi %div3A_1193, %sub3A_1213 : i32
      %select_n3A_1215 = arith.select %and3A_1212, %sub3A_1214, %div3A_1193 : i32
      %jit3A_1216 = arith.constant 8 : i32
      %eq3A_1217 = arith.constant 0 : i32
      %eq3A_1218 = arith.cmpi eq, %jit3A_1216, %eq3A_1217 : i32
      %jit3A_1219 = arith.constant 1 : i32
      %select_n3A_1220 = arith.select %eq3A_1218, %jit3A_1219, %jit3A_1216 : i32
      %rem3A_1221 = arith.remsi %add3A_837, %select_n3A_1220 : i32
      %ne3A_1222 = arith.constant 0 : i32
      %ne3A_1223 = arith.cmpi ne, %rem3A_1221, %ne3A_1222 : i32
      %lt3A_1224 = arith.constant 0 : i32
      %lt3A_1225 = arith.cmpi slt, %rem3A_1221, %lt3A_1224 : i32
      %lt3A_1226 = arith.constant 0 : i32
      %lt3A_1227 = arith.cmpi slt, %select_n3A_1220, %lt3A_1226 : i32
      %ne3A_1228 = arith.xori %lt3A_1225, %lt3A_1227 : i1
      %and3A_1229 = arith.andi %ne3A_1228, %ne3A_1223 : i1
      %add3A_1230 = arith.addi %rem3A_1221, %select_n3A_1220 : i32
      %select_n3A_1231 = arith.select %and3A_1229, %add3A_1230, %rem3A_1221 : i32
      %get3A_1232 = arith.index_cast %select_n3A_1215 : i32 to index
      %get3A_1233 = arith.index_cast %select_n3A_1231 : i32 to index
      %get3A_1234 = arith.constant 96 : index
      %get3A_1235 = tpu.vector_load %arg6[%get3A_1232, %get3A_1233, %get3A_1234] {strides = array<i32>} : memref<10x8x128xi32, #tpu.memory_space<vmem>>, vector<1x1x16xi32>,
      %get3A_1236 = vector.shape_cast %get3A_1235 : vector<1x1x16xi32> to vector<16xi32>
      %and3A_1237 = arith.constant 65535 : i32
      %and3A_1238 = vector.broadcast %and3A_1237 : i32 to vector<16xi32>
      %and3A_1239 = arith.andi %get3A_1236, %and3A_1238 : vector<16xi32>
      %swap3A_1240 = arith.constant 96 : index
      %swap3A_1241 = tpu.vector_load %arg9[%swap3A_1240] {strides = array<i32>} : memref<128xi32, #tpu.memory_space<vmem>>, vector<16xi32>,
      %swap3A_1242 = vector.shape_cast %swap3A_1241 : vector<16xi32> to vector<16xi32>
      %swap3A_1243 = vector.shape_cast %and3A_1239 : vector<16xi32> to vector<16xi32>
      tpu.vector_store %arg9[%swap3A_1240], %swap3A_1243 {strides = array<i32>} : memref<128xi32, #tpu.memory_space<vmem>>, vector<16xi32>,
      %shift_right_logical3A_1244 = arith.constant 16 : i32
      %shift_right_logical3A_1245 = vector.broadcast %shift_right_logical3A_1244 : i32 to vector<16xi32>
      %shift_right_logical3A_1246 = arith.shrui %get3A_1236, %shift_right_logical3A_1245 : vector<16xi32>
      %swap3A_1247 = arith.constant 96 : index
      %swap3A_1248 = tpu.vector_load %arg10[%swap3A_1247] {strides = array<i32>} : memref<128xi32, #tpu.memory_space<vmem>>, vector<16xi32>,
      %swap3A_1249 = vector.shape_cast %swap3A_1248 : vector<16xi32> to vector<16xi32>
      %swap3A_1250 = vector.shape_cast %shift_right_logical3A_1246 : vector<16xi32> to vector<16xi32>
      tpu.vector_store %arg10[%swap3A_1247], %swap3A_1250 {strides = array<i32>} : memref<128xi32, #tpu.memory_space<vmem>>, vector<16xi32>,
      %jit3A_1251 = arith.constant 8 : i32
      %div3A_1252 = arith.divsi %add3A_837, %jit3A_1251 : i32
      %sign3A_1253 = arith.constant 0 : i32
      %sign3A_1254 = arith.cmpi sgt, %add3A_837, %sign3A_1253 : i32
      %sign3A_1255 = arith.extui %sign3A_1254 : i1 to i32
      %sign3A_1256 = arith.constant 0 : i32
      %sign3A_1257 = arith.cmpi slt, %add3A_837, %sign3A_1256 : i32
      %sign3A_1258 = arith.extui %sign3A_1257 : i1 to i32
      %sign3A_1259 = arith.subi %sign3A_1255, %sign3A_1258 : i32
      %sign3A_1260 = arith.constant 0 : i32
      %sign3A_1261 = arith.cmpi sgt, %jit3A_1251, %sign3A_1260 : i32
      %sign3A_1262 = arith.extui %sign3A_1261 : i1 to i32
      %sign3A_1263 = arith.constant 0 : i32
      %sign3A_1264 = arith.cmpi slt, %jit3A_1251, %sign3A_1263 : i32
      %sign3A_1265 = arith.extui %sign3A_1264 : i1 to i32
      %sign3A_1266 = arith.subi %sign3A_1262, %sign3A_1265 : i32
      %ne3A_1267 = arith.cmpi ne, %sign3A_1259, %sign3A_1266 : i32
      %rem3A_1268 = arith.remsi %add3A_837, %jit3A_1251 : i32
      %ne3A_1269 = arith.constant 0 : i32
      %ne3A_1270 = arith.cmpi ne, %rem3A_1268, %ne3A_1269 : i32
      %and3A_1271 = arith.andi %ne3A_1267, %ne3A_1270 : i1
      %sub3A_1272 = arith.constant 1 : i32
      %sub3A_1273 = arith.subi %div3A_1252, %sub3A_1272 : i32
      %select_n3A_1274 = arith.select %and3A_1271, %sub3A_1273, %div3A_1252 : i32
      %jit3A_1275 = arith.constant 8 : i32
      %eq3A_1276 = arith.constant 0 : i32
      %eq3A_1277 = arith.cmpi eq, %jit3A_1275, %eq3A_1276 : i32
      %jit3A_1278 = arith.constant 1 : i32
      %select_n3A_1279 = arith.select %eq3A_1277, %jit3A_1278, %jit3A_1275 : i32
      %rem3A_1280 = arith.remsi %add3A_837, %select_n3A_1279 : i32
      %ne3A_1281 = arith.constant 0 : i32
      %ne3A_1282 = arith.cmpi ne, %rem3A_1280, %ne3A_1281 : i32
      %lt3A_1283 = arith.constant 0 : i32
      %lt3A_1284 = arith.cmpi slt, %rem3A_1280, %lt3A_1283 : i32
      %lt3A_1285 = arith.constant 0 : i32
      %lt3A_1286 = arith.cmpi slt, %select_n3A_1279, %lt3A_1285 : i32
      %ne3A_1287 = arith.xori %lt3A_1284, %lt3A_1286 : i1
      %and3A_1288 = arith.andi %ne3A_1287, %ne3A_1282 : i1
      %add3A_1289 = arith.addi %rem3A_1280, %select_n3A_1279 : i32
      %select_n3A_1290 = arith.select %and3A_1288, %add3A_1289, %rem3A_1280 : i32
      %get3A_1291 = arith.index_cast %select_n3A_1274 : i32 to index
      %get3A_1292 = arith.index_cast %select_n3A_1290 : i32 to index
      %get3A_1293 = arith.constant 112 : index
      %get3A_1294 = tpu.vector_load %arg6[%get3A_1291, %get3A_1292, %get3A_1293] {strides = array<i32>} : memref<10x8x128xi32, #tpu.memory_space<vmem>>, vector<1x1x16xi32>,
      %get3A_1295 = vector.shape_cast %get3A_1294 : vector<1x1x16xi32> to vector<16xi32>
      %and3A_1296 = arith.constant 65535 : i32
      %and3A_1297 = vector.broadcast %and3A_1296 : i32 to vector<16xi32>
      %and3A_1298 = arith.andi %get3A_1295, %and3A_1297 : vector<16xi32>
      %swap3A_1299 = arith.constant 112 : index
      %swap3A_1300 = tpu.vector_load %arg9[%swap3A_1299] {strides = array<i32>} : memref<128xi32, #tpu.memory_space<vmem>>, vector<16xi32>,
      %swap3A_1301 = vector.shape_cast %swap3A_1300 : vector<16xi32> to vector<16xi32>
      %swap3A_1302 = vector.shape_cast %and3A_1298 : vector<16xi32> to vector<16xi32>
      tpu.vector_store %arg9[%swap3A_1299], %swap3A_1302 {strides = array<i32>} : memref<128xi32, #tpu.memory_space<vmem>>, vector<16xi32>,
      %shift_right_logical3A_1303 = arith.constant 16 : i32
      %shift_right_logical3A_1304 = vector.broadcast %shift_right_logical3A_1303 : i32 to vector<16xi32>
      %shift_right_logical3A_1305 = arith.shrui %get3A_1295, %shift_right_logical3A_1304 : vector<16xi32>
      %swap3A_1306 = arith.constant 112 : index
      %swap3A_1307 = tpu.vector_load %arg10[%swap3A_1306] {strides = array<i32>} : memref<128xi32, #tpu.memory_space<vmem>>, vector<16xi32>,
      %swap3A_1308 = vector.shape_cast %swap3A_1307 : vector<16xi32> to vector<16xi32>
      %swap3A_1309 = vector.shape_cast %shift_right_logical3A_1305 : vector<16xi32> to vector<16xi32>
      tpu.vector_store %arg10[%swap3A_1306], %swap3A_1309 {strides = array<i32>} : memref<128xi32, #tpu.memory_space<vmem>>, vector<16xi32>,
      %dma_start3A_1310 = arith.constant 0 : i32
      %dma_start3A_1311 = arith.constant 0 : i32
      %dma_start3A_1312 = tpu.memref_slice %arg2[%dma_start3A_1310, %dma_start3A_1311] : memref<10000x128xf32, #tpu.memory_space<hbm>> -> memref<10000x128xf32, #tpu.memory_space<hbm>>
      tpu.enqueue_indirect_dma source(%dma_start3A_1312 : memref<10000x128xf32, #tpu.memory_space<hbm>>) target(%arg12 : memref<128x128xf32, #tpu.memory_space<vmem>>) offsets(%arg9 : memref<128xi32, #tpu.memory_space<vmem>>) semaphore(%arg15 : memref<!tpu.dma_semaphore, #tpu.memory_space<semaphore_mem>>)
    }
    %scan3A_351 = arith.constant 39 : i32
    %dma_wait3A_352 = arith.constant 0 : i32
    %dma_wait3A_353 = arith.constant 0 : i32
    %dma_wait3A_354 = tpu.memref_slice %arg2[%dma_wait3A_352, %dma_wait3A_353] : memref<10000x128xf32, #tpu.memory_space<hbm>> -> memref<10000x128xf32, #tpu.memory_space<hbm>>
    tpu.wait_indirect_dma semaphore(%arg14 : memref<!tpu.dma_semaphore, #tpu.memory_space<semaphore_mem>>) src(%dma_wait3A_354 : memref<10000x128xf32, #tpu.memory_space<hbm>>) dst(%arg11 : memref<128x128xf32, #tpu.memory_space<vmem>>)
    "tpu.region"() ({
      %run_scoped3A = tpu.sem_alloc : memref<!tpu.dma_semaphore, #tpu.memory_space<semaphore_mem>>
      %dma_start3A_359 = arith.constant 0 : i32
      %dma_start3A_360 = arith.constant 0 : i32
      %dma_start3A_361 = tpu.memref_slice %arg13[%dma_start3A_359, %dma_start3A_360] : memref<10240x128xf32, #tpu.memory_space<vmem_shared>> -> memref<10240x128xf32, #tpu.memory_space<vmem_shared>>
      tpu.enqueue_indirect_dma source(%arg11 : memref<128x128xf32, #tpu.memory_space<vmem>>) target(%dma_start3A_361 : memref<10240x128xf32, #tpu.memory_space<vmem_shared>>) offsets(%arg8 : memref<128xi32, #tpu.memory_space<vmem>>) semaphore(%run_scoped3A : memref<!tpu.dma_semaphore, #tpu.memory_space<semaphore_mem>>) {add = true}
      %dma_wait3A_362 = arith.constant 0 : i32
      %dma_wait3A_363 = arith.constant 0 : i32
      %dma_wait3A_364 = tpu.memref_slice %arg13[%dma_wait3A_362, %dma_wait3A_363] : memref<10240x128xf32, #tpu.memory_space<vmem_shared>> -> memref<10240x128xf32, #tpu.memory_space<vmem_shared>>
      tpu.wait_indirect_dma semaphore(%run_scoped3A : memref<!tpu.dma_semaphore, #tpu.memory_space<semaphore_mem>>) src(%arg11 : memref<128x128xf32, #tpu.memory_space<vmem>>) dst(%dma_wait3A_364 : memref<10240x128xf32, #tpu.memory_space<vmem_shared>>)
      tpu.yield
    }) : () -> ()
    %dma_wait3A_355 = arith.constant 0 : i32
    %dma_wait3A_356 = arith.constant 0 : i32
    %dma_wait3A_357 = tpu.memref_slice %arg2[%dma_wait3A_355, %dma_wait3A_356] : memref<10000x128xf32, #tpu.memory_space<hbm>> -> memref<10000x128xf32, #tpu.memory_space<hbm>>
    tpu.wait_indirect_dma semaphore(%arg15 : memref<!tpu.dma_semaphore, #tpu.memory_space<semaphore_mem>>) src(%dma_wait3A_357 : memref<10000x128xf32, #tpu.memory_space<hbm>>) dst(%arg12 : memref<128x128xf32, #tpu.memory_space<vmem>>)
    "tpu.region"() ({
      %run_scoped3A = tpu.sem_alloc : memref<!tpu.dma_semaphore, #tpu.memory_space<semaphore_mem>>
      %dma_start3A_359 = arith.constant 0 : i32
      %dma_start3A_360 = arith.constant 0 : i32
      %dma_start3A_361 = tpu.memref_slice %arg13[%dma_start3A_359, %dma_start3A_360] : memref<10240x128xf32, #tpu.memory_space<vmem_shared>> -> memref<10240x128xf32, #tpu.memory_space<vmem_shared>>
      tpu.enqueue_indirect_dma source(%arg12 : memref<128x128xf32, #tpu.memory_space<vmem>>) target(%dma_start3A_361 : memref<10240x128xf32, #tpu.memory_space<vmem_shared>>) offsets(%arg10 : memref<128xi32, #tpu.memory_space<vmem>>) semaphore(%run_scoped3A : memref<!tpu.dma_semaphore, #tpu.memory_space<semaphore_mem>>) {add = true}
      %dma_wait3A_362 = arith.constant 0 : i32
      %dma_wait3A_363 = arith.constant 0 : i32
      %dma_wait3A_364 = tpu.memref_slice %arg13[%dma_wait3A_362, %dma_wait3A_363] : memref<10240x128xf32, #tpu.memory_space<vmem_shared>> -> memref<10240x128xf32, #tpu.memory_space<vmem_shared>>
      tpu.wait_indirect_dma semaphore(%run_scoped3A : memref<!tpu.dma_semaphore, #tpu.memory_space<semaphore_mem>>) src(%arg12 : memref<128x128xf32, #tpu.memory_space<vmem>>) dst(%dma_wait3A_364 : memref<10240x128xf32, #tpu.memory_space<vmem_shared>>)
      tpu.yield
    }) : () -> ()
    %barrier3A_358 = arith.constant 0 : index
    tpu.barrier barrier_id(%barrier3A_358)
    "tpu.region"() ({
      %run_scoped3A = tpu.sem_alloc : memref<!tpu.dma_semaphore, #tpu.memory_space<semaphore_mem>>
      %dma_start3A_359 = arith.constant 0 : i32
      %dma_start3A_360 = tpu.memref_slice %arg5[%arg0, %mul3A_2, %dma_start3A_359] : memref<2x10240x128xf32, #tpu.memory_space<hbm>> -> memref<1x640x128xf32, #tpu.memory_space<hbm>>
      %dma_start3A_361 = tpu.memref_squeeze %dma_start3A_360 : memref<1x640x128xf32, #tpu.memory_space<hbm>> -> memref<640x128xf32, #tpu.memory_space<hbm>>
      %dma_start3A_362 = arith.constant 0 : i32
      %dma_start3A_363 = tpu.memref_slice %arg13[%mul3A_2, %dma_start3A_362] : memref<10240x128xf32, #tpu.memory_space<vmem_shared>> -> memref<640x128xf32, #tpu.memory_space<vmem_shared>>
      tpu.enqueue_dma source(%dma_start3A_363 : memref<640x128xf32, #tpu.memory_space<vmem_shared>>) target(%dma_start3A_361 : memref<640x128xf32, #tpu.memory_space<hbm>>) target_semaphore(%run_scoped3A : memref<!tpu.dma_semaphore, #tpu.memory_space<semaphore_mem>>)
      %dma_wait3A_364 = arith.constant 0 : i32
      %dma_wait3A_365 = tpu.memref_slice %arg5[%arg0, %mul3A_2, %dma_wait3A_364] : memref<2x10240x128xf32, #tpu.memory_space<hbm>> -> memref<1x640x128xf32, #tpu.memory_space<hbm>>
      %dma_wait3A_366 = tpu.memref_squeeze %dma_wait3A_365 : memref<1x640x128xf32, #tpu.memory_space<hbm>> -> memref<640x128xf32, #tpu.memory_space<hbm>>
      %dma_wait3A_367 = arith.constant 0 : i32
      %dma_wait3A_368 = tpu.memref_slice %arg13[%mul3A_2, %dma_wait3A_367] : memref<10240x128xf32, #tpu.memory_space<vmem_shared>> -> memref<640x128xf32, #tpu.memory_space<vmem_shared>>
      tpu.wait_dma2 semaphore(%run_scoped3A : memref<!tpu.dma_semaphore, #tpu.memory_space<semaphore_mem>>) src(%dma_wait3A_368 : memref<640x128xf32, #tpu.memory_space<vmem_shared>>) dst(%dma_wait3A_366 : memref<640x128xf32, #tpu.memory_space<hbm>>)
      tpu.yield
    }) : () -> ()
    return
  }
}

#map = affine_map<(d0, d1) -> (0, 0)>
#map1 = affine_map<(d0, d1) -> (0, 0, 0, 0)>
#map2 = affine_map<(d0, d1) -> (0, 0, 0)>
module attributes {stable_mosaic.version = 14 : i64} {
  func.func @_segsum(%arg0: i32, %arg1: i32, %arg2: memref<10000x128xf32, #tpu.memory_space<hbm>>, %arg3: memref<10x32x8x128xi32, #tpu.memory_space<hbm>>, %arg4: memref<10240x128xf32, #tpu.memory_space<hbm>>, %arg5: memref<2x10240x128xf32, #tpu.memory_space<hbm>>, %arg6: memref<10x8x128xi32, #tpu.memory_space<vmem>>, %arg7: memref<128xi32, #tpu.memory_space<vmem>>, %arg8: memref<128xi32, #tpu.memory_space<vmem>>, %arg9: memref<128xi32, #tpu.memory_space<vmem>>, %arg10: memref<128xi32, #tpu.memory_space<vmem>>, %arg11: memref<128x128xf32, #tpu.memory_space<vmem>>, %arg12: memref<128x128xf32, #tpu.memory_space<vmem>>, %arg13: memref<10240x128xf32, #tpu.memory_space<vmem_shared>>, %arg14: memref<!tpu.dma_semaphore, #tpu.memory_space<semaphore_mem>>, %arg15: memref<!tpu.dma_semaphore, #tpu.memory_space<semaphore_mem>>) attributes {dimension_semantics = [#tpu.dimension_semantics<core_parallel>, #tpu.dimension_semantics<subcore_parallel>], iteration_bounds = array<i64: 2, 16>, scalar_prefetch = 0 : i64, scratch_operands = 10 : i64, tpu.core_type = #tpu.core_type<sc_vector_subcore>, window_params = [{transform_indices = #map}, {transform_indices = #map1}, {transform_indices = #map}, {transform_indices = #map2}]} {
    %mul3A = arith.constant 16 : i32
    %mul3A_0 = arith.muli %arg0, %mul3A : i32
    %add3A = arith.addi %mul3A_0, %arg1 : i32
    %mul3A_1 = arith.constant 640 : i32
    %mul3A_2 = arith.muli %arg1, %mul3A_1 : i32
    %dma_start3A = arith.constant 0 : i32
    %dma_start3A_3 = tpu.memref_slice %arg13[%mul3A_2, %dma_start3A] : memref<10240x128xf32, #tpu.memory_space<vmem_shared>> -> memref<640x128xf32, #tpu.memory_space<vmem_shared>>
    %dma_start3A_4 = arith.constant 0 : i32
    %dma_start3A_5 = tpu.memref_slice %arg4[%mul3A_2, %dma_start3A_4] : memref<10240x128xf32, #tpu.memory_space<hbm>> -> memref<640x128xf32, #tpu.memory_space<hbm>>
    tpu.enqueue_dma source(%dma_start3A_5 : memref<640x128xf32, #tpu.memory_space<hbm>>) target(%dma_start3A_3 : memref<640x128xf32, #tpu.memory_space<vmem_shared>>) target_semaphore(%arg14 : memref<!tpu.dma_semaphore, #tpu.memory_space<semaphore_mem>>)
    "tpu.region"() ({
      %run_scoped3A = tpu.sem_alloc : memref<!tpu.dma_semaphore, #tpu.memory_space<semaphore_mem>>
      %dma_start3A_359 = arith.constant 0 : i32
      %dma_start3A_360 = arith.constant 0 : i32
      %dma_start3A_361 = arith.constant 0 : i32
      %dma_start3A_362 = tpu.memref_slice %arg3[%dma_start3A_359, %add3A, %dma_start3A_360, %dma_start3A_361] : memref<10x32x8x128xi32, #tpu.memory_space<hbm>> -> memref<10x1x8x128xi32, #tpu.memory_space<hbm>>
      %dma_start3A_363 = tpu.memref_squeeze %dma_start3A_362 : memref<10x1x8x128xi32, #tpu.memory_space<hbm>> -> memref<10x8x128xi32, #tpu.memory_space<hbm>>
      %dma_start3A_364 = arith.constant 0 : i32
      %dma_start3A_365 = arith.constant 0 : i32
      %dma_start3A_366 = arith.constant 0 : i32
      %dma_start3A_367 = tpu.memref_slice %arg3[%dma_start3A_364, %add3A, %dma_start3A_365, %dma_start3A_366] : memref<10x32x8x128xi32, #tpu.memory_space<hbm>> -> memref<10x1x8x128xi32, #tpu.memory_space<hbm>>
      %dma_start3A_368 = tpu.memref_squeeze %dma_start3A_367 : memref<10x1x8x128xi32, #tpu.memory_space<hbm>> -> memref<10x8x128xi32, #tpu.memory_space<hbm>>
      tpu.enqueue_dma source(%dma_start3A_368 : memref<10x8x128xi32, #tpu.memory_space<hbm>>) target(%arg6 : memref<10x8x128xi32, #tpu.memory_space<vmem>>) target_semaphore(%run_scoped3A : memref<!tpu.dma_semaphore, #tpu.memory_space<semaphore_mem>>)
      %dma_wait3A_369 = arith.constant 0 : i32
      %dma_wait3A_370 = arith.constant 0 : i32
      %dma_wait3A_371 = arith.constant 0 : i32
      %dma_wait3A_372 = tpu.memref_slice %arg3[%dma_wait3A_369, %add3A, %dma_wait3A_370, %dma_wait3A_371] : memref<10x32x8x128xi32, #tpu.memory_space<hbm>> -> memref<10x1x8x128xi32, #tpu.memory_space<hbm>>
      %dma_wait3A_373 = tpu.memref_squeeze %dma_wait3A_372 : memref<10x1x8x128xi32, #tpu.memory_space<hbm>> -> memref<10x8x128xi32, #tpu.memory_space<hbm>>
      %dma_wait3A_374 = arith.constant 0 : i32
      %dma_wait3A_375 = arith.constant 0 : i32
      %dma_wait3A_376 = arith.constant 0 : i32
      %dma_wait3A_377 = tpu.memref_slice %arg3[%dma_wait3A_374, %add3A, %dma_wait3A_375, %dma_wait3A_376] : memref<10x32x8x128xi32, #tpu.memory_space<hbm>> -> memref<10x1x8x128xi32, #tpu.memory_space<hbm>>
      %dma_wait3A_378 = tpu.memref_squeeze %dma_wait3A_377 : memref<10x1x8x128xi32, #tpu.memory_space<hbm>> -> memref<10x8x128xi32, #tpu.memory_space<hbm>>
      tpu.wait_dma2 semaphore(%run_scoped3A : memref<!tpu.dma_semaphore, #tpu.memory_space<semaphore_mem>>) src(%dma_wait3A_378 : memref<10x8x128xi32, #tpu.memory_space<hbm>>) dst(%arg6 : memref<10x8x128xi32, #tpu.memory_space<vmem>>)
      tpu.yield
    }) : () -> ()
    %get3A = arith.constant 0 : i32
    %get3A_6 = arith.constant 0 : i32
    %get3A_7 = arith.index_cast %get3A : i32 to index
    %get3A_8 = arith.index_cast %get3A_6 : i32 to index
    %get3A_9 = arith.constant 0 : index
    %get3A_10 = tpu.vector_load %arg6[%get3A_7, %get3A_8, %get3A_9] {strides = array<i32>} : memref<10x8x128xi32, #tpu.memory_space<vmem>>, vector<1x1x16xi32>,
    %get3A_11 = vector.shape_cast %get3A_10 : vector<1x1x16xi32> to vector<16xi32>
    %and3A = arith.constant 65535 : i32
    %and3A_12 = vector.broadcast %and3A : i32 to vector<16xi32>
    %and3A_13 = arith.andi %get3A_11, %and3A_12 : vector<16xi32>
    %swap3A = arith.constant 0 : index
    %swap3A_14 = tpu.vector_load %arg7[%swap3A] {strides = array<i32>} : memref<128xi32, #tpu.memory_space<vmem>>, vector<16xi32>,
    %swap3A_15 = vector.shape_cast %swap3A_14 : vector<16xi32> to vector<16xi32>
    %swap3A_16 = vector.shape_cast %and3A_13 : vector<16xi32> to vector<16xi32>
    tpu.vector_store %arg7[%swap3A], %swap3A_16 {strides = array<i32>} : memref<128xi32, #tpu.memory_space<vmem>>, vector<16xi32>,
    %shift_right_logical3A = arith.constant 16 : i32
    %shift_right_logical3A_17 = vector.broadcast %shift_right_logical3A : i32 to vector<16xi32>
    %shift_right_logical3A_18 = arith.shrui %get3A_11, %shift_right_logical3A_17 : vector<16xi32>
    %swap3A_19 = arith.constant 0 : index
    %swap3A_20 = tpu.vector_load %arg8[%swap3A_19] {strides = array<i32>} : memref<128xi32, #tpu.memory_space<vmem>>, vector<16xi32>,
    %swap3A_21 = vector.shape_cast %swap3A_20 : vector<16xi32> to vector<16xi32>
    %swap3A_22 = vector.shape_cast %shift_right_logical3A_18 : vector<16xi32> to vector<16xi32>
    tpu.vector_store %arg8[%swap3A_19], %swap3A_22 {strides = array<i32>} : memref<128xi32, #tpu.memory_space<vmem>>, vector<16xi32>,
    %get3A_23 = arith.constant 0 : i32
    %get3A_24 = arith.constant 0 : i32
    %get3A_25 = arith.index_cast %get3A_23 : i32 to index
    %get3A_26 = arith.index_cast %get3A_24 : i32 to index
    %get3A_27 = arith.constant 16 : index
    %get3A_28 = tpu.vector_load %arg6[%get3A_25, %get3A_26, %get3A_27] {strides = array<i32>} : memref<10x8x128xi32, #tpu.memory_space<vmem>>, vector<1x1x16xi32>,
    %get3A_29 = vector.shape_cast %get3A_28 : vector<1x1x16xi32> to vector<16xi32>
    %and3A_30 = arith.constant 65535 : i32
    %and3A_31 = vector.broadcast %and3A_30 : i32 to vector<16xi32>
    %and3A_32 = arith.andi %get3A_29, %and3A_31 : vector<16xi32>
    %swap3A_33 = arith.constant 16 : index
    %swap3A_34 = tpu.vector_load %arg7[%swap3A_33] {strides = array<i32>} : memref<128xi32, #tpu.memory_space<vmem>>, vector<16xi32>,
    %swap3A_35 = vector.shape_cast %swap3A_34 : vector<16xi32> to vector<16xi32>
    %swap3A_36 = vector.shape_cast %and3A_32 : vector<16xi32> to vector<16xi32>
    tpu.vector_store %arg7[%swap3A_33], %swap3A_36 {strides = array<i32>} : memref<128xi32, #tpu.memory_space<vmem>>, vector<16xi32>,
    %shift_right_logical3A_37 = arith.constant 16 : i32
    %shift_right_logical3A_38 = vector.broadcast %shift_right_logical3A_37 : i32 to vector<16xi32>
    %shift_right_logical3A_39 = arith.shrui %get3A_29, %shift_right_logical3A_38 : vector<16xi32>
    %swap3A_40 = arith.constant 16 : index
    %swap3A_41 = tpu.vector_load %arg8[%swap3A_40] {strides = array<i32>} : memref<128xi32, #tpu.memory_space<vmem>>, vector<16xi32>,
    %swap3A_42 = vector.shape_cast %swap3A_41 : vector<16xi32> to vector<16xi32>
    %swap3A_43 = vector.shape_cast %shift_right_logical3A_39 : vector<16xi32> to vector<16xi32>
    tpu.vector_store %arg8[%swap3A_40], %swap3A_43 {strides = array<i32>} : memref<128xi32, #tpu.memory_space<vmem>>, vector<16xi32>,
    %get3A_44 = arith.constant 0 : i32
    %get3A_45 = arith.constant 0 : i32
    %get3A_46 = arith.index_cast %get3A_44 : i32 to index
    %get3A_47 = arith.index_cast %get3A_45 : i32 to index
    %get3A_48 = arith.constant 32 : index
    %get3A_49 = tpu.vector_load %arg6[%get3A_46, %get3A_47, %get3A_48] {strides = array<i32>} : memref<10x8x128xi32, #tpu.memory_space<vmem>>, vector<1x1x16xi32>,
    %get3A_50 = vector.shape_cast %get3A_49 : vector<1x1x16xi32> to vector<16xi32>
    %and3A_51 = arith.constant 65535 : i32
    %and3A_52 = vector.broadcast %and3A_51 : i32 to vector<16xi32>
    %and3A_53 = arith.andi %get3A_50, %and3A_52 : vector<16xi32>
    %swap3A_54 = arith.constant 32 : index
    %swap3A_55 = tpu.vector_load %arg7[%swap3A_54] {strides = array<i32>} : memref<128xi32, #tpu.memory_space<vmem>>, vector<16xi32>,
    %swap3A_56 = vector.shape_cast %swap3A_55 : vector<16xi32> to vector<16xi32>
    %swap3A_57 = vector.shape_cast %and3A_53 : vector<16xi32> to vector<16xi32>
    tpu.vector_store %arg7[%swap3A_54], %swap3A_57 {strides = array<i32>} : memref<128xi32, #tpu.memory_space<vmem>>, vector<16xi32>,
    %shift_right_logical3A_58 = arith.constant 16 : i32
    %shift_right_logical3A_59 = vector.broadcast %shift_right_logical3A_58 : i32 to vector<16xi32>
    %shift_right_logical3A_60 = arith.shrui %get3A_50, %shift_right_logical3A_59 : vector<16xi32>
    %swap3A_61 = arith.constant 32 : index
    %swap3A_62 = tpu.vector_load %arg8[%swap3A_61] {strides = array<i32>} : memref<128xi32, #tpu.memory_space<vmem>>, vector<16xi32>,
    %swap3A_63 = vector.shape_cast %swap3A_62 : vector<16xi32> to vector<16xi32>
    %swap3A_64 = vector.shape_cast %shift_right_logical3A_60 : vector<16xi32> to vector<16xi32>
    tpu.vector_store %arg8[%swap3A_61], %swap3A_64 {strides = array<i32>} : memref<128xi32, #tpu.memory_space<vmem>>, vector<16xi32>,
    %get3A_65 = arith.constant 0 : i32
    %get3A_66 = arith.constant 0 : i32
    %get3A_67 = arith.index_cast %get3A_65 : i32 to index
    %get3A_68 = arith.index_cast %get3A_66 : i32 to index
    %get3A_69 = arith.constant 48 : index
    %get3A_70 = tpu.vector_load %arg6[%get3A_67, %get3A_68, %get3A_69] {strides = array<i32>} : memref<10x8x128xi32, #tpu.memory_space<vmem>>, vector<1x1x16xi32>,
    %get3A_71 = vector.shape_cast %get3A_70 : vector<1x1x16xi32> to vector<16xi32>
    %and3A_72 = arith.constant 65535 : i32
    %and3A_73 = vector.broadcast %and3A_72 : i32 to vector<16xi32>
    %and3A_74 = arith.andi %get3A_71, %and3A_73 : vector<16xi32>
    %swap3A_75 = arith.constant 48 : index
    %swap3A_76 = tpu.vector_load %arg7[%swap3A_75] {strides = array<i32>} : memref<128xi32, #tpu.memory_space<vmem>>, vector<16xi32>,
    %swap3A_77 = vector.shape_cast %swap3A_76 : vector<16xi32> to vector<16xi32>
    %swap3A_78 = vector.shape_cast %and3A_74 : vector<16xi32> to vector<16xi32>
    tpu.vector_store %arg7[%swap3A_75], %swap3A_78 {strides = array<i32>} : memref<128xi32, #tpu.memory_space<vmem>>, vector<16xi32>,
    %shift_right_logical3A_79 = arith.constant 16 : i32
    %shift_right_logical3A_80 = vector.broadcast %shift_right_logical3A_79 : i32 to vector<16xi32>
    %shift_right_logical3A_81 = arith.shrui %get3A_71, %shift_right_logical3A_80 : vector<16xi32>
    %swap3A_82 = arith.constant 48 : index
    %swap3A_83 = tpu.vector_load %arg8[%swap3A_82] {strides = array<i32>} : memref<128xi32, #tpu.memory_space<vmem>>, vector<16xi32>,
    %swap3A_84 = vector.shape_cast %swap3A_83 : vector<16xi32> to vector<16xi32>
    %swap3A_85 = vector.shape_cast %shift_right_logical3A_81 : vector<16xi32> to vector<16xi32>
    tpu.vector_store %arg8[%swap3A_82], %swap3A_85 {strides = array<i32>} : memref<128xi32, #tpu.memory_space<vmem>>, vector<16xi32>,
    %get3A_86 = arith.constant 0 : i32
    %get3A_87 = arith.constant 0 : i32
    %get3A_88 = arith.index_cast %get3A_86 : i32 to index
    %get3A_89 = arith.index_cast %get3A_87 : i32 to index
    %get3A_90 = arith.constant 64 : index
    %get3A_91 = tpu.vector_load %arg6[%get3A_88, %get3A_89, %get3A_90] {strides = array<i32>} : memref<10x8x128xi32, #tpu.memory_space<vmem>>, vector<1x1x16xi32>,
    %get3A_92 = vector.shape_cast %get3A_91 : vector<1x1x16xi32> to vector<16xi32>
    %and3A_93 = arith.constant 65535 : i32
    %and3A_94 = vector.broadcast %and3A_93 : i32 to vector<16xi32>
    %and3A_95 = arith.andi %get3A_92, %and3A_94 : vector<16xi32>
    %swap3A_96 = arith.constant 64 : index
    %swap3A_97 = tpu.vector_load %arg7[%swap3A_96] {strides = array<i32>} : memref<128xi32, #tpu.memory_space<vmem>>, vector<16xi32>,
    %swap3A_98 = vector.shape_cast %swap3A_97 : vector<16xi32> to vector<16xi32>
    %swap3A_99 = vector.shape_cast %and3A_95 : vector<16xi32> to vector<16xi32>
    tpu.vector_store %arg7[%swap3A_96], %swap3A_99 {strides = array<i32>} : memref<128xi32, #tpu.memory_space<vmem>>, vector<16xi32>,
    %shift_right_logical3A_100 = arith.constant 16 : i32
    %shift_right_logical3A_101 = vector.broadcast %shift_right_logical3A_100 : i32 to vector<16xi32>
    %shift_right_logical3A_102 = arith.shrui %get3A_92, %shift_right_logical3A_101 : vector<16xi32>
    %swap3A_103 = arith.constant 64 : index
    %swap3A_104 = tpu.vector_load %arg8[%swap3A_103] {strides = array<i32>} : memref<128xi32, #tpu.memory_space<vmem>>, vector<16xi32>,
    %swap3A_105 = vector.shape_cast %swap3A_104 : vector<16xi32> to vector<16xi32>
    %swap3A_106 = vector.shape_cast %shift_right_logical3A_102 : vector<16xi32> to vector<16xi32>
    tpu.vector_store %arg8[%swap3A_103], %swap3A_106 {strides = array<i32>} : memref<128xi32, #tpu.memory_space<vmem>>, vector<16xi32>,
    %get3A_107 = arith.constant 0 : i32
    %get3A_108 = arith.constant 0 : i32
    %get3A_109 = arith.index_cast %get3A_107 : i32 to index
    %get3A_110 = arith.index_cast %get3A_108 : i32 to index
    %get3A_111 = arith.constant 80 : index
    %get3A_112 = tpu.vector_load %arg6[%get3A_109, %get3A_110, %get3A_111] {strides = array<i32>} : memref<10x8x128xi32, #tpu.memory_space<vmem>>, vector<1x1x16xi32>,
    %get3A_113 = vector.shape_cast %get3A_112 : vector<1x1x16xi32> to vector<16xi32>
    %and3A_114 = arith.constant 65535 : i32
    %and3A_115 = vector.broadcast %and3A_114 : i32 to vector<16xi32>
    %and3A_116 = arith.andi %get3A_113, %and3A_115 : vector<16xi32>
    %swap3A_117 = arith.constant 80 : index
    %swap3A_118 = tpu.vector_load %arg7[%swap3A_117] {strides = array<i32>} : memref<128xi32, #tpu.memory_space<vmem>>, vector<16xi32>,
    %swap3A_119 = vector.shape_cast %swap3A_118 : vector<16xi32> to vector<16xi32>
    %swap3A_120 = vector.shape_cast %and3A_116 : vector<16xi32> to vector<16xi32>
    tpu.vector_store %arg7[%swap3A_117], %swap3A_120 {strides = array<i32>} : memref<128xi32, #tpu.memory_space<vmem>>, vector<16xi32>,
    %shift_right_logical3A_121 = arith.constant 16 : i32
    %shift_right_logical3A_122 = vector.broadcast %shift_right_logical3A_121 : i32 to vector<16xi32>
    %shift_right_logical3A_123 = arith.shrui %get3A_113, %shift_right_logical3A_122 : vector<16xi32>
    %swap3A_124 = arith.constant 80 : index
    %swap3A_125 = tpu.vector_load %arg8[%swap3A_124] {strides = array<i32>} : memref<128xi32, #tpu.memory_space<vmem>>, vector<16xi32>,
    %swap3A_126 = vector.shape_cast %swap3A_125 : vector<16xi32> to vector<16xi32>
    %swap3A_127 = vector.shape_cast %shift_right_logical3A_123 : vector<16xi32> to vector<16xi32>
    tpu.vector_store %arg8[%swap3A_124], %swap3A_127 {strides = array<i32>} : memref<128xi32, #tpu.memory_space<vmem>>, vector<16xi32>,
    %get3A_128 = arith.constant 0 : i32
    %get3A_129 = arith.constant 0 : i32
    %get3A_130 = arith.index_cast %get3A_128 : i32 to index
    %get3A_131 = arith.index_cast %get3A_129 : i32 to index
    %get3A_132 = arith.constant 96 : index
    %get3A_133 = tpu.vector_load %arg6[%get3A_130, %get3A_131, %get3A_132] {strides = array<i32>} : memref<10x8x128xi32, #tpu.memory_space<vmem>>, vector<1x1x16xi32>,
    %get3A_134 = vector.shape_cast %get3A_133 : vector<1x1x16xi32> to vector<16xi32>
    %and3A_135 = arith.constant 65535 : i32
    %and3A_136 = vector.broadcast %and3A_135 : i32 to vector<16xi32>
    %and3A_137 = arith.andi %get3A_134, %and3A_136 : vector<16xi32>
    %swap3A_138 = arith.constant 96 : index
    %swap3A_139 = tpu.vector_load %arg7[%swap3A_138] {strides = array<i32>} : memref<128xi32, #tpu.memory_space<vmem>>, vector<16xi32>,
    %swap3A_140 = vector.shape_cast %swap3A_139 : vector<16xi32> to vector<16xi32>
    %swap3A_141 = vector.shape_cast %and3A_137 : vector<16xi32> to vector<16xi32>
    tpu.vector_store %arg7[%swap3A_138], %swap3A_141 {strides = array<i32>} : memref<128xi32, #tpu.memory_space<vmem>>, vector<16xi32>,
    %shift_right_logical3A_142 = arith.constant 16 : i32
    %shift_right_logical3A_143 = vector.broadcast %shift_right_logical3A_142 : i32 to vector<16xi32>
    %shift_right_logical3A_144 = arith.shrui %get3A_134, %shift_right_logical3A_143 : vector<16xi32>
    %swap3A_145 = arith.constant 96 : index
    %swap3A_146 = tpu.vector_load %arg8[%swap3A_145] {strides = array<i32>} : memref<128xi32, #tpu.memory_space<vmem>>, vector<16xi32>,
    %swap3A_147 = vector.shape_cast %swap3A_146 : vector<16xi32> to vector<16xi32>
    %swap3A_148 = vector.shape_cast %shift_right_logical3A_144 : vector<16xi32> to vector<16xi32>
    tpu.vector_store %arg8[%swap3A_145], %swap3A_148 {strides = array<i32>} : memref<128xi32, #tpu.memory_space<vmem>>, vector<16xi32>,
    %get3A_149 = arith.constant 0 : i32
    %get3A_150 = arith.constant 0 : i32
    %get3A_151 = arith.index_cast %get3A_149 : i32 to index
    %get3A_152 = arith.index_cast %get3A_150 : i32 to index
    %get3A_153 = arith.constant 112 : index
    %get3A_154 = tpu.vector_load %arg6[%get3A_151, %get3A_152, %get3A_153] {strides = array<i32>} : memref<10x8x128xi32, #tpu.memory_space<vmem>>, vector<1x1x16xi32>,
    %get3A_155 = vector.shape_cast %get3A_154 : vector<1x1x16xi32> to vector<16xi32>
    %and3A_156 = arith.constant 65535 : i32
    %and3A_157 = vector.broadcast %and3A_156 : i32 to vector<16xi32>
    %and3A_158 = arith.andi %get3A_155, %and3A_157 : vector<16xi32>
    %swap3A_159 = arith.constant 112 : index
    %swap3A_160 = tpu.vector_load %arg7[%swap3A_159] {strides = array<i32>} : memref<128xi32, #tpu.memory_space<vmem>>, vector<16xi32>,
    %swap3A_161 = vector.shape_cast %swap3A_160 : vector<16xi32> to vector<16xi32>
    %swap3A_162 = vector.shape_cast %and3A_158 : vector<16xi32> to vector<16xi32>
    tpu.vector_store %arg7[%swap3A_159], %swap3A_162 {strides = array<i32>} : memref<128xi32, #tpu.memory_space<vmem>>, vector<16xi32>,
    %shift_right_logical3A_163 = arith.constant 16 : i32
    %shift_right_logical3A_164 = vector.broadcast %shift_right_logical3A_163 : i32 to vector<16xi32>
    %shift_right_logical3A_165 = arith.shrui %get3A_155, %shift_right_logical3A_164 : vector<16xi32>
    %swap3A_166 = arith.constant 112 : index
    %swap3A_167 = tpu.vector_load %arg8[%swap3A_166] {strides = array<i32>} : memref<128xi32, #tpu.memory_space<vmem>>, vector<16xi32>,
    %swap3A_168 = vector.shape_cast %swap3A_167 : vector<16xi32> to vector<16xi32>
    %swap3A_169 = vector.shape_cast %shift_right_logical3A_165 : vector<16xi32> to vector<16xi32>
    tpu.vector_store %arg8[%swap3A_166], %swap3A_169 {strides = array<i32>} : memref<128xi32, #tpu.memory_space<vmem>>, vector<16xi32>,
    %get3A_170 = arith.constant 0 : i32
    %get3A_171 = arith.constant 1 : i32
    %get3A_172 = arith.index_cast %get3A_170 : i32 to index
    %get3A_173 = arith.index_cast %get3A_171 : i32 to index
    %get3A_174 = arith.constant 0 : index
    %get3A_175 = tpu.vector_load %arg6[%get3A_172, %get3A_173, %get3A_174] {strides = array<i32>} : memref<10x8x128xi32, #tpu.memory_space<vmem>>, vector<1x1x16xi32>,
    %get3A_176 = vector.shape_cast %get3A_175 : vector<1x1x16xi32> to vector<16xi32>
    %and3A_177 = arith.constant 65535 : i32
    %and3A_178 = vector.broadcast %and3A_177 : i32 to vector<16xi32>
    %and3A_179 = arith.andi %get3A_176, %and3A_178 : vector<16xi32>
    %swap3A_180 = arith.constant 0 : index
    %swap3A_181 = tpu.vector_load %arg9[%swap3A_180] {strides = array<i32>} : memref<128xi32, #tpu.memory_space<vmem>>, vector<16xi32>,
    %swap3A_182 = vector.shape_cast %swap3A_181 : vector<16xi32> to vector<16xi32>
    %swap3A_183 = vector.shape_cast %and3A_179 : vector<16xi32> to vector<16xi32>
    tpu.vector_store %arg9[%swap3A_180], %swap3A_183 {strides = array<i32>} : memref<128xi32, #tpu.memory_space<vmem>>, vector<16xi32>,
    %shift_right_logical3A_184 = arith.constant 16 : i32
    %shift_right_logical3A_185 = vector.broadcast %shift_right_logical3A_184 : i32 to vector<16xi32>
    %shift_right_logical3A_186 = arith.shrui %get3A_176, %shift_right_logical3A_185 : vector<16xi32>
    %swap3A_187 = arith.constant 0 : index
    %swap3A_188 = tpu.vector_load %arg10[%swap3A_187] {strides = array<i32>} : memref<128xi32, #tpu.memory_space<vmem>>, vector<16xi32>,
    %swap3A_189 = vector.shape_cast %swap3A_188 : vector<16xi32> to vector<16xi32>
    %swap3A_190 = vector.shape_cast %shift_right_logical3A_186 : vector<16xi32> to vector<16xi32>
    tpu.vector_store %arg10[%swap3A_187], %swap3A_190 {strides = array<i32>} : memref<128xi32, #tpu.memory_space<vmem>>, vector<16xi32>,
    %get3A_191 = arith.constant 0 : i32
    %get3A_192 = arith.constant 1 : i32
    %get3A_193 = arith.index_cast %get3A_191 : i32 to index
    %get3A_194 = arith.index_cast %get3A_192 : i32 to index
    %get3A_195 = arith.constant 16 : index
    %get3A_196 = tpu.vector_load %arg6[%get3A_193, %get3A_194, %get3A_195] {strides = array<i32>} : memref<10x8x128xi32, #tpu.memory_space<vmem>>, vector<1x1x16xi32>,
    %get3A_197 = vector.shape_cast %get3A_196 : vector<1x1x16xi32> to vector<16xi32>
    %and3A_198 = arith.constant 65535 : i32
    %and3A_199 = vector.broadcast %and3A_198 : i32 to vector<16xi32>
    %and3A_200 = arith.andi %get3A_197, %and3A_199 : vector<16xi32>
    %swap3A_201 = arith.constant 16 : index
    %swap3A_202 = tpu.vector_load %arg9[%swap3A_201] {strides = array<i32>} : memref<128xi32, #tpu.memory_space<vmem>>, vector<16xi32>,
    %swap3A_203 = vector.shape_cast %swap3A_202 : vector<16xi32> to vector<16xi32>
    %swap3A_204 = vector.shape_cast %and3A_200 : vector<16xi32> to vector<16xi32>
    tpu.vector_store %arg9[%swap3A_201], %swap3A_204 {strides = array<i32>} : memref<128xi32, #tpu.memory_space<vmem>>, vector<16xi32>,
    %shift_right_logical3A_205 = arith.constant 16 : i32
    %shift_right_logical3A_206 = vector.broadcast %shift_right_logical3A_205 : i32 to vector<16xi32>
    %shift_right_logical3A_207 = arith.shrui %get3A_197, %shift_right_logical3A_206 : vector<16xi32>
    %swap3A_208 = arith.constant 16 : index
    %swap3A_209 = tpu.vector_load %arg10[%swap3A_208] {strides = array<i32>} : memref<128xi32, #tpu.memory_space<vmem>>, vector<16xi32>,
    %swap3A_210 = vector.shape_cast %swap3A_209 : vector<16xi32> to vector<16xi32>
    %swap3A_211 = vector.shape_cast %shift_right_logical3A_207 : vector<16xi32> to vector<16xi32>
    tpu.vector_store %arg10[%swap3A_208], %swap3A_211 {strides = array<i32>} : memref<128xi32, #tpu.memory_space<vmem>>, vector<16xi32>,
    %get3A_212 = arith.constant 0 : i32
    %get3A_213 = arith.constant 1 : i32
    %get3A_214 = arith.index_cast %get3A_212 : i32 to index
    %get3A_215 = arith.index_cast %get3A_213 : i32 to index
    %get3A_216 = arith.constant 32 : index
    %get3A_217 = tpu.vector_load %arg6[%get3A_214, %get3A_215, %get3A_216] {strides = array<i32>} : memref<10x8x128xi32, #tpu.memory_space<vmem>>, vector<1x1x16xi32>,
    %get3A_218 = vector.shape_cast %get3A_217 : vector<1x1x16xi32> to vector<16xi32>
    %and3A_219 = arith.constant 65535 : i32
    %and3A_220 = vector.broadcast %and3A_219 : i32 to vector<16xi32>
    %and3A_221 = arith.andi %get3A_218, %and3A_220 : vector<16xi32>
    %swap3A_222 = arith.constant 32 : index
    %swap3A_223 = tpu.vector_load %arg9[%swap3A_222] {strides = array<i32>} : memref<128xi32, #tpu.memory_space<vmem>>, vector<16xi32>,
    %swap3A_224 = vector.shape_cast %swap3A_223 : vector<16xi32> to vector<16xi32>
    %swap3A_225 = vector.shape_cast %and3A_221 : vector<16xi32> to vector<16xi32>
    tpu.vector_store %arg9[%swap3A_222], %swap3A_225 {strides = array<i32>} : memref<128xi32, #tpu.memory_space<vmem>>, vector<16xi32>,
    %shift_right_logical3A_226 = arith.constant 16 : i32
    %shift_right_logical3A_227 = vector.broadcast %shift_right_logical3A_226 : i32 to vector<16xi32>
    %shift_right_logical3A_228 = arith.shrui %get3A_218, %shift_right_logical3A_227 : vector<16xi32>
    %swap3A_229 = arith.constant 32 : index
    %swap3A_230 = tpu.vector_load %arg10[%swap3A_229] {strides = array<i32>} : memref<128xi32, #tpu.memory_space<vmem>>, vector<16xi32>,
    %swap3A_231 = vector.shape_cast %swap3A_230 : vector<16xi32> to vector<16xi32>
    %swap3A_232 = vector.shape_cast %shift_right_logical3A_228 : vector<16xi32> to vector<16xi32>
    tpu.vector_store %arg10[%swap3A_229], %swap3A_232 {strides = array<i32>} : memref<128xi32, #tpu.memory_space<vmem>>, vector<16xi32>,
    %get3A_233 = arith.constant 0 : i32
    %get3A_234 = arith.constant 1 : i32
    %get3A_235 = arith.index_cast %get3A_233 : i32 to index
    %get3A_236 = arith.index_cast %get3A_234 : i32 to index
    %get3A_237 = arith.constant 48 : index
    %get3A_238 = tpu.vector_load %arg6[%get3A_235, %get3A_236, %get3A_237] {strides = array<i32>} : memref<10x8x128xi32, #tpu.memory_space<vmem>>, vector<1x1x16xi32>,
    %get3A_239 = vector.shape_cast %get3A_238 : vector<1x1x16xi32> to vector<16xi32>
    %and3A_240 = arith.constant 65535 : i32
    %and3A_241 = vector.broadcast %and3A_240 : i32 to vector<16xi32>
    %and3A_242 = arith.andi %get3A_239, %and3A_241 : vector<16xi32>
    %swap3A_243 = arith.constant 48 : index
    %swap3A_244 = tpu.vector_load %arg9[%swap3A_243] {strides = array<i32>} : memref<128xi32, #tpu.memory_space<vmem>>, vector<16xi32>,
    %swap3A_245 = vector.shape_cast %swap3A_244 : vector<16xi32> to vector<16xi32>
    %swap3A_246 = vector.shape_cast %and3A_242 : vector<16xi32> to vector<16xi32>
    tpu.vector_store %arg9[%swap3A_243], %swap3A_246 {strides = array<i32>} : memref<128xi32, #tpu.memory_space<vmem>>, vector<16xi32>,
    %shift_right_logical3A_247 = arith.constant 16 : i32
    %shift_right_logical3A_248 = vector.broadcast %shift_right_logical3A_247 : i32 to vector<16xi32>
    %shift_right_logical3A_249 = arith.shrui %get3A_239, %shift_right_logical3A_248 : vector<16xi32>
    %swap3A_250 = arith.constant 48 : index
    %swap3A_251 = tpu.vector_load %arg10[%swap3A_250] {strides = array<i32>} : memref<128xi32, #tpu.memory_space<vmem>>, vector<16xi32>,
    %swap3A_252 = vector.shape_cast %swap3A_251 : vector<16xi32> to vector<16xi32>
    %swap3A_253 = vector.shape_cast %shift_right_logical3A_249 : vector<16xi32> to vector<16xi32>
    tpu.vector_store %arg10[%swap3A_250], %swap3A_253 {strides = array<i32>} : memref<128xi32, #tpu.memory_space<vmem>>, vector<16xi32>,
    %get3A_254 = arith.constant 0 : i32
    %get3A_255 = arith.constant 1 : i32
    %get3A_256 = arith.index_cast %get3A_254 : i32 to index
    %get3A_257 = arith.index_cast %get3A_255 : i32 to index
    %get3A_258 = arith.constant 64 : index
    %get3A_259 = tpu.vector_load %arg6[%get3A_256, %get3A_257, %get3A_258] {strides = array<i32>} : memref<10x8x128xi32, #tpu.memory_space<vmem>>, vector<1x1x16xi32>,
    %get3A_260 = vector.shape_cast %get3A_259 : vector<1x1x16xi32> to vector<16xi32>
    %and3A_261 = arith.constant 65535 : i32
    %and3A_262 = vector.broadcast %and3A_261 : i32 to vector<16xi32>
    %and3A_263 = arith.andi %get3A_260, %and3A_262 : vector<16xi32>
    %swap3A_264 = arith.constant 64 : index
    %swap3A_265 = tpu.vector_load %arg9[%swap3A_264] {strides = array<i32>} : memref<128xi32, #tpu.memory_space<vmem>>, vector<16xi32>,
    %swap3A_266 = vector.shape_cast %swap3A_265 : vector<16xi32> to vector<16xi32>
    %swap3A_267 = vector.shape_cast %and3A_263 : vector<16xi32> to vector<16xi32>
    tpu.vector_store %arg9[%swap3A_264], %swap3A_267 {strides = array<i32>} : memref<128xi32, #tpu.memory_space<vmem>>, vector<16xi32>,
    %shift_right_logical3A_268 = arith.constant 16 : i32
    %shift_right_logical3A_269 = vector.broadcast %shift_right_logical3A_268 : i32 to vector<16xi32>
    %shift_right_logical3A_270 = arith.shrui %get3A_260, %shift_right_logical3A_269 : vector<16xi32>
    %swap3A_271 = arith.constant 64 : index
    %swap3A_272 = tpu.vector_load %arg10[%swap3A_271] {strides = array<i32>} : memref<128xi32, #tpu.memory_space<vmem>>, vector<16xi32>,
    %swap3A_273 = vector.shape_cast %swap3A_272 : vector<16xi32> to vector<16xi32>
    %swap3A_274 = vector.shape_cast %shift_right_logical3A_270 : vector<16xi32> to vector<16xi32>
    tpu.vector_store %arg10[%swap3A_271], %swap3A_274 {strides = array<i32>} : memref<128xi32, #tpu.memory_space<vmem>>, vector<16xi32>,
    %get3A_275 = arith.constant 0 : i32
    %get3A_276 = arith.constant 1 : i32
    %get3A_277 = arith.index_cast %get3A_275 : i32 to index
    %get3A_278 = arith.index_cast %get3A_276 : i32 to index
    %get3A_279 = arith.constant 80 : index
    %get3A_280 = tpu.vector_load %arg6[%get3A_277, %get3A_278, %get3A_279] {strides = array<i32>} : memref<10x8x128xi32, #tpu.memory_space<vmem>>, vector<1x1x16xi32>,
    %get3A_281 = vector.shape_cast %get3A_280 : vector<1x1x16xi32> to vector<16xi32>
    %and3A_282 = arith.constant 65535 : i32
    %and3A_283 = vector.broadcast %and3A_282 : i32 to vector<16xi32>
    %and3A_284 = arith.andi %get3A_281, %and3A_283 : vector<16xi32>
    %swap3A_285 = arith.constant 80 : index
    %swap3A_286 = tpu.vector_load %arg9[%swap3A_285] {strides = array<i32>} : memref<128xi32, #tpu.memory_space<vmem>>, vector<16xi32>,
    %swap3A_287 = vector.shape_cast %swap3A_286 : vector<16xi32> to vector<16xi32>
    %swap3A_288 = vector.shape_cast %and3A_284 : vector<16xi32> to vector<16xi32>
    tpu.vector_store %arg9[%swap3A_285], %swap3A_288 {strides = array<i32>} : memref<128xi32, #tpu.memory_space<vmem>>, vector<16xi32>,
    %shift_right_logical3A_289 = arith.constant 16 : i32
    %shift_right_logical3A_290 = vector.broadcast %shift_right_logical3A_289 : i32 to vector<16xi32>
    %shift_right_logical3A_291 = arith.shrui %get3A_281, %shift_right_logical3A_290 : vector<16xi32>
    %swap3A_292 = arith.constant 80 : index
    %swap3A_293 = tpu.vector_load %arg10[%swap3A_292] {strides = array<i32>} : memref<128xi32, #tpu.memory_space<vmem>>, vector<16xi32>,
    %swap3A_294 = vector.shape_cast %swap3A_293 : vector<16xi32> to vector<16xi32>
    %swap3A_295 = vector.shape_cast %shift_right_logical3A_291 : vector<16xi32> to vector<16xi32>
    tpu.vector_store %arg10[%swap3A_292], %swap3A_295 {strides = array<i32>} : memref<128xi32, #tpu.memory_space<vmem>>, vector<16xi32>,
    %get3A_296 = arith.constant 0 : i32
    %get3A_297 = arith.constant 1 : i32
    %get3A_298 = arith.index_cast %get3A_296 : i32 to index
    %get3A_299 = arith.index_cast %get3A_297 : i32 to index
    %get3A_300 = arith.constant 96 : index
    %get3A_301 = tpu.vector_load %arg6[%get3A_298, %get3A_299, %get3A_300] {strides = array<i32>} : memref<10x8x128xi32, #tpu.memory_space<vmem>>, vector<1x1x16xi32>,
    %get3A_302 = vector.shape_cast %get3A_301 : vector<1x1x16xi32> to vector<16xi32>
    %and3A_303 = arith.constant 65535 : i32
    %and3A_304 = vector.broadcast %and3A_303 : i32 to vector<16xi32>
    %and3A_305 = arith.andi %get3A_302, %and3A_304 : vector<16xi32>
    %swap3A_306 = arith.constant 96 : index
    %swap3A_307 = tpu.vector_load %arg9[%swap3A_306] {strides = array<i32>} : memref<128xi32, #tpu.memory_space<vmem>>, vector<16xi32>,
    %swap3A_308 = vector.shape_cast %swap3A_307 : vector<16xi32> to vector<16xi32>
    %swap3A_309 = vector.shape_cast %and3A_305 : vector<16xi32> to vector<16xi32>
    tpu.vector_store %arg9[%swap3A_306], %swap3A_309 {strides = array<i32>} : memref<128xi32, #tpu.memory_space<vmem>>, vector<16xi32>,
    %shift_right_logical3A_310 = arith.constant 16 : i32
    %shift_right_logical3A_311 = vector.broadcast %shift_right_logical3A_310 : i32 to vector<16xi32>
    %shift_right_logical3A_312 = arith.shrui %get3A_302, %shift_right_logical3A_311 : vector<16xi32>
    %swap3A_313 = arith.constant 96 : index
    %swap3A_314 = tpu.vector_load %arg10[%swap3A_313] {strides = array<i32>} : memref<128xi32, #tpu.memory_space<vmem>>, vector<16xi32>,
    %swap3A_315 = vector.shape_cast %swap3A_314 : vector<16xi32> to vector<16xi32>
    %swap3A_316 = vector.shape_cast %shift_right_logical3A_312 : vector<16xi32> to vector<16xi32>
    tpu.vector_store %arg10[%swap3A_313], %swap3A_316 {strides = array<i32>} : memref<128xi32, #tpu.memory_space<vmem>>, vector<16xi32>,
    %get3A_317 = arith.constant 0 : i32
    %get3A_318 = arith.constant 1 : i32
    %get3A_319 = arith.index_cast %get3A_317 : i32 to index
    %get3A_320 = arith.index_cast %get3A_318 : i32 to index
    %get3A_321 = arith.constant 112 : index
    %get3A_322 = tpu.vector_load %arg6[%get3A_319, %get3A_320, %get3A_321] {strides = array<i32>} : memref<10x8x128xi32, #tpu.memory_space<vmem>>, vector<1x1x16xi32>,
    %get3A_323 = vector.shape_cast %get3A_322 : vector<1x1x16xi32> to vector<16xi32>
    %and3A_324 = arith.constant 65535 : i32
    %and3A_325 = vector.broadcast %and3A_324 : i32 to vector<16xi32>
    %and3A_326 = arith.andi %get3A_323, %and3A_325 : vector<16xi32>
    %swap3A_327 = arith.constant 112 : index
    %swap3A_328 = tpu.vector_load %arg9[%swap3A_327] {strides = array<i32>} : memref<128xi32, #tpu.memory_space<vmem>>, vector<16xi32>,
    %swap3A_329 = vector.shape_cast %swap3A_328 : vector<16xi32> to vector<16xi32>
    %swap3A_330 = vector.shape_cast %and3A_326 : vector<16xi32> to vector<16xi32>
    tpu.vector_store %arg9[%swap3A_327], %swap3A_330 {strides = array<i32>} : memref<128xi32, #tpu.memory_space<vmem>>, vector<16xi32>,
    %shift_right_logical3A_331 = arith.constant 16 : i32
    %shift_right_logical3A_332 = vector.broadcast %shift_right_logical3A_331 : i32 to vector<16xi32>
    %shift_right_logical3A_333 = arith.shrui %get3A_323, %shift_right_logical3A_332 : vector<16xi32>
    %swap3A_334 = arith.constant 112 : index
    %swap3A_335 = tpu.vector_load %arg10[%swap3A_334] {strides = array<i32>} : memref<128xi32, #tpu.memory_space<vmem>>, vector<16xi32>,
    %swap3A_336 = vector.shape_cast %swap3A_335 : vector<16xi32> to vector<16xi32>
    %swap3A_337 = vector.shape_cast %shift_right_logical3A_333 : vector<16xi32> to vector<16xi32>
    tpu.vector_store %arg10[%swap3A_334], %swap3A_337 {strides = array<i32>} : memref<128xi32, #tpu.memory_space<vmem>>, vector<16xi32>,
    %dma_wait3A = arith.constant 0 : i32
    %dma_wait3A_338 = tpu.memref_slice %arg13[%mul3A_2, %dma_wait3A] : memref<10240x128xf32, #tpu.memory_space<vmem_shared>> -> memref<640x128xf32, #tpu.memory_space<vmem_shared>>
    %dma_wait3A_339 = arith.constant 0 : i32
    %dma_wait3A_340 = tpu.memref_slice %arg4[%mul3A_2, %dma_wait3A_339] : memref<10240x128xf32, #tpu.memory_space<hbm>> -> memref<640x128xf32, #tpu.memory_space<hbm>>
    tpu.wait_dma2 semaphore(%arg14 : memref<!tpu.dma_semaphore, #tpu.memory_space<semaphore_mem>>) src(%dma_wait3A_340 : memref<640x128xf32, #tpu.memory_space<hbm>>) dst(%dma_wait3A_338 : memref<640x128xf32, #tpu.memory_space<vmem_shared>>)
    %barrier3A = arith.constant 0 : index
    tpu.barrier barrier_id(%barrier3A)
    %dma_start3A_341 = arith.constant 0 : i32
    %dma_start3A_342 = arith.constant 0 : i32
    %dma_start3A_343 = tpu.memref_slice %arg2[%dma_start3A_341, %dma_start3A_342] : memref<10000x128xf32, #tpu.memory_space<hbm>> -> memref<10000x128xf32, #tpu.memory_space<hbm>>
    tpu.enqueue_indirect_dma source(%dma_start3A_343 : memref<10000x128xf32, #tpu.memory_space<hbm>>) target(%arg11 : memref<128x128xf32, #tpu.memory_space<vmem>>) offsets(%arg7 : memref<128xi32, #tpu.memory_space<vmem>>) semaphore(%arg14 : memref<!tpu.dma_semaphore, #tpu.memory_space<semaphore_mem>>)
    %dma_start3A_344 = arith.constant 0 : i32
    %dma_start3A_345 = arith.constant 0 : i32
    %dma_start3A_346 = tpu.memref_slice %arg2[%dma_start3A_344, %dma_start3A_345] : memref<10000x128xf32, #tpu.memory_space<hbm>> -> memref<10000x128xf32, #tpu.memory_space<hbm>>
    tpu.enqueue_indirect_dma source(%dma_start3A_346 : memref<10000x128xf32, #tpu.memory_space<hbm>>) target(%arg12 : memref<128x128xf32, #tpu.memory_space<vmem>>) offsets(%arg9 : memref<128xi32, #tpu.memory_space<vmem>>) semaphore(%arg15 : memref<!tpu.dma_semaphore, #tpu.memory_space<semaphore_mem>>)
    %scan3A = arith.constant 0 : i32
    %scan3A_347 = arith.constant 0 : i32
    %scan3A_348 = arith.constant 39 : i32
    %scan3A_349 = arith.addi %scan3A_347, %scan3A_348 : i32
    %scan3A_350 = arith.constant 1 : i32
    scf.for %scan3A_359 = %scan3A_347 to %scan3A_349 step %scan3A_350  : i32 {
      %mul3A_360 = arith.constant 2 : i32
      %mul3A_361 = arith.muli %mul3A_360, %scan3A_359 : i32
      %dma_wait3A_362 = arith.constant 0 : i32
      %dma_wait3A_363 = arith.constant 0 : i32
      %dma_wait3A_364 = tpu.memref_slice %arg2[%dma_wait3A_362, %dma_wait3A_363] : memref<10000x128xf32, #tpu.memory_space<hbm>> -> memref<10000x128xf32, #tpu.memory_space<hbm>>
      tpu.wait_indirect_dma semaphore(%arg14 : memref<!tpu.dma_semaphore, #tpu.memory_space<semaphore_mem>>) src(%dma_wait3A_364 : memref<10000x128xf32, #tpu.memory_space<hbm>>) dst(%arg11 : memref<128x128xf32, #tpu.memory_space<vmem>>)
      "tpu.region"() ({
        %run_scoped3A = tpu.sem_alloc : memref<!tpu.dma_semaphore, #tpu.memory_space<semaphore_mem>>
        %dma_start3A_1313 = arith.constant 0 : i32
        %dma_start3A_1314 = arith.constant 0 : i32
        %dma_start3A_1315 = tpu.memref_slice %arg13[%dma_start3A_1313, %dma_start3A_1314] : memref<10240x128xf32, #tpu.memory_space<vmem_shared>> -> memref<10240x128xf32, #tpu.memory_space<vmem_shared>>
        tpu.enqueue_indirect_dma source(%arg11 : memref<128x128xf32, #tpu.memory_space<vmem>>) target(%dma_start3A_1315 : memref<10240x128xf32, #tpu.memory_space<vmem_shared>>) offsets(%arg8 : memref<128xi32, #tpu.memory_space<vmem>>) semaphore(%run_scoped3A : memref<!tpu.dma_semaphore, #tpu.memory_space<semaphore_mem>>) {add = true}
        %dma_wait3A_1316 = arith.constant 0 : i32
        %dma_wait3A_1317 = arith.constant 0 : i32
        %dma_wait3A_1318 = tpu.memref_slice %arg13[%dma_wait3A_1316, %dma_wait3A_1317] : memref<10240x128xf32, #tpu.memory_space<vmem_shared>> -> memref<10240x128xf32, #tpu.memory_space<vmem_shared>>
        tpu.wait_indirect_dma semaphore(%run_scoped3A : memref<!tpu.dma_semaphore, #tpu.memory_space<semaphore_mem>>) src(%arg11 : memref<128x128xf32, #tpu.memory_space<vmem>>) dst(%dma_wait3A_1318 : memref<10240x128xf32, #tpu.memory_space<vmem_shared>>)
        tpu.yield
      }) : () -> ()
      %add3A_365 = arith.constant 2 : i32
      %add3A_366 = arith.addi %mul3A_361, %add3A_365 : i32
      %jit3A = arith.constant 8 : i32
      %div3A = arith.divsi %add3A_366, %jit3A : i32
      %sign3A = arith.constant 0 : i32
      %sign3A_367 = arith.cmpi sgt, %add3A_366, %sign3A : i32
      %sign3A_368 = arith.extui %sign3A_367 : i1 to i32
      %sign3A_369 = arith.constant 0 : i32
      %sign3A_370 = arith.cmpi slt, %add3A_366, %sign3A_369 : i32
      %sign3A_371 = arith.extui %sign3A_370 : i1 to i32
      %sign3A_372 = arith.subi %sign3A_368, %sign3A_371 : i32
      %sign3A_373 = arith.constant 0 : i32
      %sign3A_374 = arith.cmpi sgt, %jit3A, %sign3A_373 : i32
      %sign3A_375 = arith.extui %sign3A_374 : i1 to i32
      %sign3A_376 = arith.constant 0 : i32
      %sign3A_377 = arith.cmpi slt, %jit3A, %sign3A_376 : i32
      %sign3A_378 = arith.extui %sign3A_377 : i1 to i32
      %sign3A_379 = arith.subi %sign3A_375, %sign3A_378 : i32
      %ne3A = arith.cmpi ne, %sign3A_372, %sign3A_379 : i32
      %rem3A = arith.remsi %add3A_366, %jit3A : i32
      %ne3A_380 = arith.constant 0 : i32
      %ne3A_381 = arith.cmpi ne, %rem3A, %ne3A_380 : i32
      %and3A_382 = arith.andi %ne3A, %ne3A_381 : i1
      %sub3A = arith.constant 1 : i32
      %sub3A_383 = arith.subi %div3A, %sub3A : i32
      %select_n3A = arith.select %and3A_382, %sub3A_383, %div3A : i32
      %jit3A_384 = arith.constant 8 : i32
      %eq3A = arith.constant 0 : i32
      %eq3A_385 = arith.cmpi eq, %jit3A_384, %eq3A : i32
      %jit3A_386 = arith.constant 1 : i32
      %select_n3A_387 = arith.select %eq3A_385, %jit3A_386, %jit3A_384 : i32
      %rem3A_388 = arith.remsi %add3A_366, %select_n3A_387 : i32
      %ne3A_389 = arith.constant 0 : i32
      %ne3A_390 = arith.cmpi ne, %rem3A_388, %ne3A_389 : i32
      %lt3A = arith.constant 0 : i32
      %lt3A_391 = arith.cmpi slt, %rem3A_388, %lt3A : i32
      %lt3A_392 = arith.constant 0 : i32
      %lt3A_393 = arith.cmpi slt, %select_n3A_387, %lt3A_392 : i32
      %ne3A_394 = arith.xori %lt3A_391, %lt3A_393 : i1
      %and3A_395 = arith.andi %ne3A_394, %ne3A_390 : i1
      %add3A_396 = arith.addi %rem3A_388, %select_n3A_387 : i32
      %select_n3A_397 = arith.select %and3A_395, %add3A_396, %rem3A_388 : i32
      %get3A_398 = arith.index_cast %select_n3A : i32 to index
      %get3A_399 = arith.index_cast %select_n3A_397 : i32 to index
      %get3A_400 = arith.constant 0 : index
      %get3A_401 = tpu.vector_load %arg6[%get3A_398, %get3A_399, %get3A_400] {strides = array<i32>} : memref<10x8x128xi32, #tpu.memory_space<vmem>>, vector<1x1x16xi32>,
      %get3A_402 = vector.shape_cast %get3A_401 : vector<1x1x16xi32> to vector<16xi32>
      %and3A_403 = arith.constant 65535 : i32
      %and3A_404 = vector.broadcast %and3A_403 : i32 to vector<16xi32>
      %and3A_405 = arith.andi %get3A_402, %and3A_404 : vector<16xi32>
      %swap3A_406 = arith.constant 0 : index
      %swap3A_407 = tpu.vector_load %arg7[%swap3A_406] {strides = array<i32>} : memref<128xi32, #tpu.memory_space<vmem>>, vector<16xi32>,
      %swap3A_408 = vector.shape_cast %swap3A_407 : vector<16xi32> to vector<16xi32>
      %swap3A_409 = vector.shape_cast %and3A_405 : vector<16xi32> to vector<16xi32>
      tpu.vector_store %arg7[%swap3A_406], %swap3A_409 {strides = array<i32>} : memref<128xi32, #tpu.memory_space<vmem>>, vector<16xi32>,
      %shift_right_logical3A_410 = arith.constant 16 : i32
      %shift_right_logical3A_411 = vector.broadcast %shift_right_logical3A_410 : i32 to vector<16xi32>
      %shift_right_logical3A_412 = arith.shrui %get3A_402, %shift_right_logical3A_411 : vector<16xi32>
      %swap3A_413 = arith.constant 0 : index
      %swap3A_414 = tpu.vector_load %arg8[%swap3A_413] {strides = array<i32>} : memref<128xi32, #tpu.memory_space<vmem>>, vector<16xi32>,
      %swap3A_415 = vector.shape_cast %swap3A_414 : vector<16xi32> to vector<16xi32>
      %swap3A_416 = vector.shape_cast %shift_right_logical3A_412 : vector<16xi32> to vector<16xi32>
      tpu.vector_store %arg8[%swap3A_413], %swap3A_416 {strides = array<i32>} : memref<128xi32, #tpu.memory_space<vmem>>, vector<16xi32>,
      %jit3A_417 = arith.constant 8 : i32
      %div3A_418 = arith.divsi %add3A_366, %jit3A_417 : i32
      %sign3A_419 = arith.constant 0 : i32
      %sign3A_420 = arith.cmpi sgt, %add3A_366, %sign3A_419 : i32
      %sign3A_421 = arith.extui %sign3A_420 : i1 to i32
      %sign3A_422 = arith.constant 0 : i32
      %sign3A_423 = arith.cmpi slt, %add3A_366, %sign3A_422 : i32
      %sign3A_424 = arith.extui %sign3A_423 : i1 to i32
      %sign3A_425 = arith.subi %sign3A_421, %sign3A_424 : i32
      %sign3A_426 = arith.constant 0 : i32
      %sign3A_427 = arith.cmpi sgt, %jit3A_417, %sign3A_426 : i32
      %sign3A_428 = arith.extui %sign3A_427 : i1 to i32
      %sign3A_429 = arith.constant 0 : i32
      %sign3A_430 = arith.cmpi slt, %jit3A_417, %sign3A_429 : i32
      %sign3A_431 = arith.extui %sign3A_430 : i1 to i32
      %sign3A_432 = arith.subi %sign3A_428, %sign3A_431 : i32
      %ne3A_433 = arith.cmpi ne, %sign3A_425, %sign3A_432 : i32
      %rem3A_434 = arith.remsi %add3A_366, %jit3A_417 : i32
      %ne3A_435 = arith.constant 0 : i32
      %ne3A_436 = arith.cmpi ne, %rem3A_434, %ne3A_435 : i32
      %and3A_437 = arith.andi %ne3A_433, %ne3A_436 : i1
      %sub3A_438 = arith.constant 1 : i32
      %sub3A_439 = arith.subi %div3A_418, %sub3A_438 : i32
      %select_n3A_440 = arith.select %and3A_437, %sub3A_439, %div3A_418 : i32
      %jit3A_441 = arith.constant 8 : i32
      %eq3A_442 = arith.constant 0 : i32
      %eq3A_443 = arith.cmpi eq, %jit3A_441, %eq3A_442 : i32
      %jit3A_444 = arith.constant 1 : i32
      %select_n3A_445 = arith.select %eq3A_443, %jit3A_444, %jit3A_441 : i32
      %rem3A_446 = arith.remsi %add3A_366, %select_n3A_445 : i32
      %ne3A_447 = arith.constant 0 : i32
      %ne3A_448 = arith.cmpi ne, %rem3A_446, %ne3A_447 : i32
      %lt3A_449 = arith.constant 0 : i32
      %lt3A_450 = arith.cmpi slt, %rem3A_446, %lt3A_449 : i32
      %lt3A_451 = arith.constant 0 : i32
      %lt3A_452 = arith.cmpi slt, %select_n3A_445, %lt3A_451 : i32
      %ne3A_453 = arith.xori %lt3A_450, %lt3A_452 : i1
      %and3A_454 = arith.andi %ne3A_453, %ne3A_448 : i1
      %add3A_455 = arith.addi %rem3A_446, %select_n3A_445 : i32
      %select_n3A_456 = arith.select %and3A_454, %add3A_455, %rem3A_446 : i32
      %get3A_457 = arith.index_cast %select_n3A_440 : i32 to index
      %get3A_458 = arith.index_cast %select_n3A_456 : i32 to index
      %get3A_459 = arith.constant 16 : index
      %get3A_460 = tpu.vector_load %arg6[%get3A_457, %get3A_458, %get3A_459] {strides = array<i32>} : memref<10x8x128xi32, #tpu.memory_space<vmem>>, vector<1x1x16xi32>,
      %get3A_461 = vector.shape_cast %get3A_460 : vector<1x1x16xi32> to vector<16xi32>
      %and3A_462 = arith.constant 65535 : i32
      %and3A_463 = vector.broadcast %and3A_462 : i32 to vector<16xi32>
      %and3A_464 = arith.andi %get3A_461, %and3A_463 : vector<16xi32>
      %swap3A_465 = arith.constant 16 : index
      %swap3A_466 = tpu.vector_load %arg7[%swap3A_465] {strides = array<i32>} : memref<128xi32, #tpu.memory_space<vmem>>, vector<16xi32>,
      %swap3A_467 = vector.shape_cast %swap3A_466 : vector<16xi32> to vector<16xi32>
      %swap3A_468 = vector.shape_cast %and3A_464 : vector<16xi32> to vector<16xi32>
      tpu.vector_store %arg7[%swap3A_465], %swap3A_468 {strides = array<i32>} : memref<128xi32, #tpu.memory_space<vmem>>, vector<16xi32>,
      %shift_right_logical3A_469 = arith.constant 16 : i32
      %shift_right_logical3A_470 = vector.broadcast %shift_right_logical3A_469 : i32 to vector<16xi32>
      %shift_right_logical3A_471 = arith.shrui %get3A_461, %shift_right_logical3A_470 : vector<16xi32>
      %swap3A_472 = arith.constant 16 : index
      %swap3A_473 = tpu.vector_load %arg8[%swap3A_472] {strides = array<i32>} : memref<128xi32, #tpu.memory_space<vmem>>, vector<16xi32>,
      %swap3A_474 = vector.shape_cast %swap3A_473 : vector<16xi32> to vector<16xi32>
      %swap3A_475 = vector.shape_cast %shift_right_logical3A_471 : vector<16xi32> to vector<16xi32>
      tpu.vector_store %arg8[%swap3A_472], %swap3A_475 {strides = array<i32>} : memref<128xi32, #tpu.memory_space<vmem>>, vector<16xi32>,
      %jit3A_476 = arith.constant 8 : i32
      %div3A_477 = arith.divsi %add3A_366, %jit3A_476 : i32
      %sign3A_478 = arith.constant 0 : i32
      %sign3A_479 = arith.cmpi sgt, %add3A_366, %sign3A_478 : i32
      %sign3A_480 = arith.extui %sign3A_479 : i1 to i32
      %sign3A_481 = arith.constant 0 : i32
      %sign3A_482 = arith.cmpi slt, %add3A_366, %sign3A_481 : i32
      %sign3A_483 = arith.extui %sign3A_482 : i1 to i32
      %sign3A_484 = arith.subi %sign3A_480, %sign3A_483 : i32
      %sign3A_485 = arith.constant 0 : i32
      %sign3A_486 = arith.cmpi sgt, %jit3A_476, %sign3A_485 : i32
      %sign3A_487 = arith.extui %sign3A_486 : i1 to i32
      %sign3A_488 = arith.constant 0 : i32
      %sign3A_489 = arith.cmpi slt, %jit3A_476, %sign3A_488 : i32
      %sign3A_490 = arith.extui %sign3A_489 : i1 to i32
      %sign3A_491 = arith.subi %sign3A_487, %sign3A_490 : i32
      %ne3A_492 = arith.cmpi ne, %sign3A_484, %sign3A_491 : i32
      %rem3A_493 = arith.remsi %add3A_366, %jit3A_476 : i32
      %ne3A_494 = arith.constant 0 : i32
      %ne3A_495 = arith.cmpi ne, %rem3A_493, %ne3A_494 : i32
      %and3A_496 = arith.andi %ne3A_492, %ne3A_495 : i1
      %sub3A_497 = arith.constant 1 : i32
      %sub3A_498 = arith.subi %div3A_477, %sub3A_497 : i32
      %select_n3A_499 = arith.select %and3A_496, %sub3A_498, %div3A_477 : i32
      %jit3A_500 = arith.constant 8 : i32
      %eq3A_501 = arith.constant 0 : i32
      %eq3A_502 = arith.cmpi eq, %jit3A_500, %eq3A_501 : i32
      %jit3A_503 = arith.constant 1 : i32
      %select_n3A_504 = arith.select %eq3A_502, %jit3A_503, %jit3A_500 : i32
      %rem3A_505 = arith.remsi %add3A_366, %select_n3A_504 : i32
      %ne3A_506 = arith.constant 0 : i32
      %ne3A_507 = arith.cmpi ne, %rem3A_505, %ne3A_506 : i32
      %lt3A_508 = arith.constant 0 : i32
      %lt3A_509 = arith.cmpi slt, %rem3A_505, %lt3A_508 : i32
      %lt3A_510 = arith.constant 0 : i32
      %lt3A_511 = arith.cmpi slt, %select_n3A_504, %lt3A_510 : i32
      %ne3A_512 = arith.xori %lt3A_509, %lt3A_511 : i1
      %and3A_513 = arith.andi %ne3A_512, %ne3A_507 : i1
      %add3A_514 = arith.addi %rem3A_505, %select_n3A_504 : i32
      %select_n3A_515 = arith.select %and3A_513, %add3A_514, %rem3A_505 : i32
      %get3A_516 = arith.index_cast %select_n3A_499 : i32 to index
      %get3A_517 = arith.index_cast %select_n3A_515 : i32 to index
      %get3A_518 = arith.constant 32 : index
      %get3A_519 = tpu.vector_load %arg6[%get3A_516, %get3A_517, %get3A_518] {strides = array<i32>} : memref<10x8x128xi32, #tpu.memory_space<vmem>>, vector<1x1x16xi32>,
      %get3A_520 = vector.shape_cast %get3A_519 : vector<1x1x16xi32> to vector<16xi32>
      %and3A_521 = arith.constant 65535 : i32
      %and3A_522 = vector.broadcast %and3A_521 : i32 to vector<16xi32>
      %and3A_523 = arith.andi %get3A_520, %and3A_522 : vector<16xi32>
      %swap3A_524 = arith.constant 32 : index
      %swap3A_525 = tpu.vector_load %arg7[%swap3A_524] {strides = array<i32>} : memref<128xi32, #tpu.memory_space<vmem>>, vector<16xi32>,
      %swap3A_526 = vector.shape_cast %swap3A_525 : vector<16xi32> to vector<16xi32>
      %swap3A_527 = vector.shape_cast %and3A_523 : vector<16xi32> to vector<16xi32>
      tpu.vector_store %arg7[%swap3A_524], %swap3A_527 {strides = array<i32>} : memref<128xi32, #tpu.memory_space<vmem>>, vector<16xi32>,
      %shift_right_logical3A_528 = arith.constant 16 : i32
      %shift_right_logical3A_529 = vector.broadcast %shift_right_logical3A_528 : i32 to vector<16xi32>
      %shift_right_logical3A_530 = arith.shrui %get3A_520, %shift_right_logical3A_529 : vector<16xi32>
      %swap3A_531 = arith.constant 32 : index
      %swap3A_532 = tpu.vector_load %arg8[%swap3A_531] {strides = array<i32>} : memref<128xi32, #tpu.memory_space<vmem>>, vector<16xi32>,
      %swap3A_533 = vector.shape_cast %swap3A_532 : vector<16xi32> to vector<16xi32>
      %swap3A_534 = vector.shape_cast %shift_right_logical3A_530 : vector<16xi32> to vector<16xi32>
      tpu.vector_store %arg8[%swap3A_531], %swap3A_534 {strides = array<i32>} : memref<128xi32, #tpu.memory_space<vmem>>, vector<16xi32>,
      %jit3A_535 = arith.constant 8 : i32
      %div3A_536 = arith.divsi %add3A_366, %jit3A_535 : i32
      %sign3A_537 = arith.constant 0 : i32
      %sign3A_538 = arith.cmpi sgt, %add3A_366, %sign3A_537 : i32
      %sign3A_539 = arith.extui %sign3A_538 : i1 to i32
      %sign3A_540 = arith.constant 0 : i32
      %sign3A_541 = arith.cmpi slt, %add3A_366, %sign3A_540 : i32
      %sign3A_542 = arith.extui %sign3A_541 : i1 to i32
      %sign3A_543 = arith.subi %sign3A_539, %sign3A_542 : i32
      %sign3A_544 = arith.constant 0 : i32
      %sign3A_545 = arith.cmpi sgt, %jit3A_535, %sign3A_544 : i32
      %sign3A_546 = arith.extui %sign3A_545 : i1 to i32
      %sign3A_547 = arith.constant 0 : i32
      %sign3A_548 = arith.cmpi slt, %jit3A_535, %sign3A_547 : i32
      %sign3A_549 = arith.extui %sign3A_548 : i1 to i32
      %sign3A_550 = arith.subi %sign3A_546, %sign3A_549 : i32
      %ne3A_551 = arith.cmpi ne, %sign3A_543, %sign3A_550 : i32
      %rem3A_552 = arith.remsi %add3A_366, %jit3A_535 : i32
      %ne3A_553 = arith.constant 0 : i32
      %ne3A_554 = arith.cmpi ne, %rem3A_552, %ne3A_553 : i32
      %and3A_555 = arith.andi %ne3A_551, %ne3A_554 : i1
      %sub3A_556 = arith.constant 1 : i32
      %sub3A_557 = arith.subi %div3A_536, %sub3A_556 : i32
      %select_n3A_558 = arith.select %and3A_555, %sub3A_557, %div3A_536 : i32
      %jit3A_559 = arith.constant 8 : i32
      %eq3A_560 = arith.constant 0 : i32
      %eq3A_561 = arith.cmpi eq, %jit3A_559, %eq3A_560 : i32
      %jit3A_562 = arith.constant 1 : i32
      %select_n3A_563 = arith.select %eq3A_561, %jit3A_562, %jit3A_559 : i32
      %rem3A_564 = arith.remsi %add3A_366, %select_n3A_563 : i32
      %ne3A_565 = arith.constant 0 : i32
      %ne3A_566 = arith.cmpi ne, %rem3A_564, %ne3A_565 : i32
      %lt3A_567 = arith.constant 0 : i32
      %lt3A_568 = arith.cmpi slt, %rem3A_564, %lt3A_567 : i32
      %lt3A_569 = arith.constant 0 : i32
      %lt3A_570 = arith.cmpi slt, %select_n3A_563, %lt3A_569 : i32
      %ne3A_571 = arith.xori %lt3A_568, %lt3A_570 : i1
      %and3A_572 = arith.andi %ne3A_571, %ne3A_566 : i1
      %add3A_573 = arith.addi %rem3A_564, %select_n3A_563 : i32
      %select_n3A_574 = arith.select %and3A_572, %add3A_573, %rem3A_564 : i32
      %get3A_575 = arith.index_cast %select_n3A_558 : i32 to index
      %get3A_576 = arith.index_cast %select_n3A_574 : i32 to index
      %get3A_577 = arith.constant 48 : index
      %get3A_578 = tpu.vector_load %arg6[%get3A_575, %get3A_576, %get3A_577] {strides = array<i32>} : memref<10x8x128xi32, #tpu.memory_space<vmem>>, vector<1x1x16xi32>,
      %get3A_579 = vector.shape_cast %get3A_578 : vector<1x1x16xi32> to vector<16xi32>
      %and3A_580 = arith.constant 65535 : i32
      %and3A_581 = vector.broadcast %and3A_580 : i32 to vector<16xi32>
      %and3A_582 = arith.andi %get3A_579, %and3A_581 : vector<16xi32>
      %swap3A_583 = arith.constant 48 : index
      %swap3A_584 = tpu.vector_load %arg7[%swap3A_583] {strides = array<i32>} : memref<128xi32, #tpu.memory_space<vmem>>, vector<16xi32>,
      %swap3A_585 = vector.shape_cast %swap3A_584 : vector<16xi32> to vector<16xi32>
      %swap3A_586 = vector.shape_cast %and3A_582 : vector<16xi32> to vector<16xi32>
      tpu.vector_store %arg7[%swap3A_583], %swap3A_586 {strides = array<i32>} : memref<128xi32, #tpu.memory_space<vmem>>, vector<16xi32>,
      %shift_right_logical3A_587 = arith.constant 16 : i32
      %shift_right_logical3A_588 = vector.broadcast %shift_right_logical3A_587 : i32 to vector<16xi32>
      %shift_right_logical3A_589 = arith.shrui %get3A_579, %shift_right_logical3A_588 : vector<16xi32>
      %swap3A_590 = arith.constant 48 : index
      %swap3A_591 = tpu.vector_load %arg8[%swap3A_590] {strides = array<i32>} : memref<128xi32, #tpu.memory_space<vmem>>, vector<16xi32>,
      %swap3A_592 = vector.shape_cast %swap3A_591 : vector<16xi32> to vector<16xi32>
      %swap3A_593 = vector.shape_cast %shift_right_logical3A_589 : vector<16xi32> to vector<16xi32>
      tpu.vector_store %arg8[%swap3A_590], %swap3A_593 {strides = array<i32>} : memref<128xi32, #tpu.memory_space<vmem>>, vector<16xi32>,
      %jit3A_594 = arith.constant 8 : i32
      %div3A_595 = arith.divsi %add3A_366, %jit3A_594 : i32
      %sign3A_596 = arith.constant 0 : i32
      %sign3A_597 = arith.cmpi sgt, %add3A_366, %sign3A_596 : i32
      %sign3A_598 = arith.extui %sign3A_597 : i1 to i32
      %sign3A_599 = arith.constant 0 : i32
      %sign3A_600 = arith.cmpi slt, %add3A_366, %sign3A_599 : i32
      %sign3A_601 = arith.extui %sign3A_600 : i1 to i32
      %sign3A_602 = arith.subi %sign3A_598, %sign3A_601 : i32
      %sign3A_603 = arith.constant 0 : i32
      %sign3A_604 = arith.cmpi sgt, %jit3A_594, %sign3A_603 : i32
      %sign3A_605 = arith.extui %sign3A_604 : i1 to i32
      %sign3A_606 = arith.constant 0 : i32
      %sign3A_607 = arith.cmpi slt, %jit3A_594, %sign3A_606 : i32
      %sign3A_608 = arith.extui %sign3A_607 : i1 to i32
      %sign3A_609 = arith.subi %sign3A_605, %sign3A_608 : i32
      %ne3A_610 = arith.cmpi ne, %sign3A_602, %sign3A_609 : i32
      %rem3A_611 = arith.remsi %add3A_366, %jit3A_594 : i32
      %ne3A_612 = arith.constant 0 : i32
      %ne3A_613 = arith.cmpi ne, %rem3A_611, %ne3A_612 : i32
      %and3A_614 = arith.andi %ne3A_610, %ne3A_613 : i1
      %sub3A_615 = arith.constant 1 : i32
      %sub3A_616 = arith.subi %div3A_595, %sub3A_615 : i32
      %select_n3A_617 = arith.select %and3A_614, %sub3A_616, %div3A_595 : i32
      %jit3A_618 = arith.constant 8 : i32
      %eq3A_619 = arith.constant 0 : i32
      %eq3A_620 = arith.cmpi eq, %jit3A_618, %eq3A_619 : i32
      %jit3A_621 = arith.constant 1 : i32
      %select_n3A_622 = arith.select %eq3A_620, %jit3A_621, %jit3A_618 : i32
      %rem3A_623 = arith.remsi %add3A_366, %select_n3A_622 : i32
      %ne3A_624 = arith.constant 0 : i32
      %ne3A_625 = arith.cmpi ne, %rem3A_623, %ne3A_624 : i32
      %lt3A_626 = arith.constant 0 : i32
      %lt3A_627 = arith.cmpi slt, %rem3A_623, %lt3A_626 : i32
      %lt3A_628 = arith.constant 0 : i32
      %lt3A_629 = arith.cmpi slt, %select_n3A_622, %lt3A_628 : i32
      %ne3A_630 = arith.xori %lt3A_627, %lt3A_629 : i1
      %and3A_631 = arith.andi %ne3A_630, %ne3A_625 : i1
      %add3A_632 = arith.addi %rem3A_623, %select_n3A_622 : i32
      %select_n3A_633 = arith.select %and3A_631, %add3A_632, %rem3A_623 : i32
      %get3A_634 = arith.index_cast %select_n3A_617 : i32 to index
      %get3A_635 = arith.index_cast %select_n3A_633 : i32 to index
      %get3A_636 = arith.constant 64 : index
      %get3A_637 = tpu.vector_load %arg6[%get3A_634, %get3A_635, %get3A_636] {strides = array<i32>} : memref<10x8x128xi32, #tpu.memory_space<vmem>>, vector<1x1x16xi32>,
      %get3A_638 = vector.shape_cast %get3A_637 : vector<1x1x16xi32> to vector<16xi32>
      %and3A_639 = arith.constant 65535 : i32
      %and3A_640 = vector.broadcast %and3A_639 : i32 to vector<16xi32>
      %and3A_641 = arith.andi %get3A_638, %and3A_640 : vector<16xi32>
      %swap3A_642 = arith.constant 64 : index
      %swap3A_643 = tpu.vector_load %arg7[%swap3A_642] {strides = array<i32>} : memref<128xi32, #tpu.memory_space<vmem>>, vector<16xi32>,
      %swap3A_644 = vector.shape_cast %swap3A_643 : vector<16xi32> to vector<16xi32>
      %swap3A_645 = vector.shape_cast %and3A_641 : vector<16xi32> to vector<16xi32>
      tpu.vector_store %arg7[%swap3A_642], %swap3A_645 {strides = array<i32>} : memref<128xi32, #tpu.memory_space<vmem>>, vector<16xi32>,
      %shift_right_logical3A_646 = arith.constant 16 : i32
      %shift_right_logical3A_647 = vector.broadcast %shift_right_logical3A_646 : i32 to vector<16xi32>
      %shift_right_logical3A_648 = arith.shrui %get3A_638, %shift_right_logical3A_647 : vector<16xi32>
      %swap3A_649 = arith.constant 64 : index
      %swap3A_650 = tpu.vector_load %arg8[%swap3A_649] {strides = array<i32>} : memref<128xi32, #tpu.memory_space<vmem>>, vector<16xi32>,
      %swap3A_651 = vector.shape_cast %swap3A_650 : vector<16xi32> to vector<16xi32>
      %swap3A_652 = vector.shape_cast %shift_right_logical3A_648 : vector<16xi32> to vector<16xi32>
      tpu.vector_store %arg8[%swap3A_649], %swap3A_652 {strides = array<i32>} : memref<128xi32, #tpu.memory_space<vmem>>, vector<16xi32>,
      %jit3A_653 = arith.constant 8 : i32
      %div3A_654 = arith.divsi %add3A_366, %jit3A_653 : i32
      %sign3A_655 = arith.constant 0 : i32
      %sign3A_656 = arith.cmpi sgt, %add3A_366, %sign3A_655 : i32
      %sign3A_657 = arith.extui %sign3A_656 : i1 to i32
      %sign3A_658 = arith.constant 0 : i32
      %sign3A_659 = arith.cmpi slt, %add3A_366, %sign3A_658 : i32
      %sign3A_660 = arith.extui %sign3A_659 : i1 to i32
      %sign3A_661 = arith.subi %sign3A_657, %sign3A_660 : i32
      %sign3A_662 = arith.constant 0 : i32
      %sign3A_663 = arith.cmpi sgt, %jit3A_653, %sign3A_662 : i32
      %sign3A_664 = arith.extui %sign3A_663 : i1 to i32
      %sign3A_665 = arith.constant 0 : i32
      %sign3A_666 = arith.cmpi slt, %jit3A_653, %sign3A_665 : i32
      %sign3A_667 = arith.extui %sign3A_666 : i1 to i32
      %sign3A_668 = arith.subi %sign3A_664, %sign3A_667 : i32
      %ne3A_669 = arith.cmpi ne, %sign3A_661, %sign3A_668 : i32
      %rem3A_670 = arith.remsi %add3A_366, %jit3A_653 : i32
      %ne3A_671 = arith.constant 0 : i32
      %ne3A_672 = arith.cmpi ne, %rem3A_670, %ne3A_671 : i32
      %and3A_673 = arith.andi %ne3A_669, %ne3A_672 : i1
      %sub3A_674 = arith.constant 1 : i32
      %sub3A_675 = arith.subi %div3A_654, %sub3A_674 : i32
      %select_n3A_676 = arith.select %and3A_673, %sub3A_675, %div3A_654 : i32
      %jit3A_677 = arith.constant 8 : i32
      %eq3A_678 = arith.constant 0 : i32
      %eq3A_679 = arith.cmpi eq, %jit3A_677, %eq3A_678 : i32
      %jit3A_680 = arith.constant 1 : i32
      %select_n3A_681 = arith.select %eq3A_679, %jit3A_680, %jit3A_677 : i32
      %rem3A_682 = arith.remsi %add3A_366, %select_n3A_681 : i32
      %ne3A_683 = arith.constant 0 : i32
      %ne3A_684 = arith.cmpi ne, %rem3A_682, %ne3A_683 : i32
      %lt3A_685 = arith.constant 0 : i32
      %lt3A_686 = arith.cmpi slt, %rem3A_682, %lt3A_685 : i32
      %lt3A_687 = arith.constant 0 : i32
      %lt3A_688 = arith.cmpi slt, %select_n3A_681, %lt3A_687 : i32
      %ne3A_689 = arith.xori %lt3A_686, %lt3A_688 : i1
      %and3A_690 = arith.andi %ne3A_689, %ne3A_684 : i1
      %add3A_691 = arith.addi %rem3A_682, %select_n3A_681 : i32
      %select_n3A_692 = arith.select %and3A_690, %add3A_691, %rem3A_682 : i32
      %get3A_693 = arith.index_cast %select_n3A_676 : i32 to index
      %get3A_694 = arith.index_cast %select_n3A_692 : i32 to index
      %get3A_695 = arith.constant 80 : index
      %get3A_696 = tpu.vector_load %arg6[%get3A_693, %get3A_694, %get3A_695] {strides = array<i32>} : memref<10x8x128xi32, #tpu.memory_space<vmem>>, vector<1x1x16xi32>,
      %get3A_697 = vector.shape_cast %get3A_696 : vector<1x1x16xi32> to vector<16xi32>
      %and3A_698 = arith.constant 65535 : i32
      %and3A_699 = vector.broadcast %and3A_698 : i32 to vector<16xi32>
      %and3A_700 = arith.andi %get3A_697, %and3A_699 : vector<16xi32>
      %swap3A_701 = arith.constant 80 : index
      %swap3A_702 = tpu.vector_load %arg7[%swap3A_701] {strides = array<i32>} : memref<128xi32, #tpu.memory_space<vmem>>, vector<16xi32>,
      %swap3A_703 = vector.shape_cast %swap3A_702 : vector<16xi32> to vector<16xi32>
      %swap3A_704 = vector.shape_cast %and3A_700 : vector<16xi32> to vector<16xi32>
      tpu.vector_store %arg7[%swap3A_701], %swap3A_704 {strides = array<i32>} : memref<128xi32, #tpu.memory_space<vmem>>, vector<16xi32>,
      %shift_right_logical3A_705 = arith.constant 16 : i32
      %shift_right_logical3A_706 = vector.broadcast %shift_right_logical3A_705 : i32 to vector<16xi32>
      %shift_right_logical3A_707 = arith.shrui %get3A_697, %shift_right_logical3A_706 : vector<16xi32>
      %swap3A_708 = arith.constant 80 : index
      %swap3A_709 = tpu.vector_load %arg8[%swap3A_708] {strides = array<i32>} : memref<128xi32, #tpu.memory_space<vmem>>, vector<16xi32>,
      %swap3A_710 = vector.shape_cast %swap3A_709 : vector<16xi32> to vector<16xi32>
      %swap3A_711 = vector.shape_cast %shift_right_logical3A_707 : vector<16xi32> to vector<16xi32>
      tpu.vector_store %arg8[%swap3A_708], %swap3A_711 {strides = array<i32>} : memref<128xi32, #tpu.memory_space<vmem>>, vector<16xi32>,
      %jit3A_712 = arith.constant 8 : i32
      %div3A_713 = arith.divsi %add3A_366, %jit3A_712 : i32
      %sign3A_714 = arith.constant 0 : i32
      %sign3A_715 = arith.cmpi sgt, %add3A_366, %sign3A_714 : i32
      %sign3A_716 = arith.extui %sign3A_715 : i1 to i32
      %sign3A_717 = arith.constant 0 : i32
      %sign3A_718 = arith.cmpi slt, %add3A_366, %sign3A_717 : i32
      %sign3A_719 = arith.extui %sign3A_718 : i1 to i32
      %sign3A_720 = arith.subi %sign3A_716, %sign3A_719 : i32
      %sign3A_721 = arith.constant 0 : i32
      %sign3A_722 = arith.cmpi sgt, %jit3A_712, %sign3A_721 : i32
      %sign3A_723 = arith.extui %sign3A_722 : i1 to i32
      %sign3A_724 = arith.constant 0 : i32
      %sign3A_725 = arith.cmpi slt, %jit3A_712, %sign3A_724 : i32
      %sign3A_726 = arith.extui %sign3A_725 : i1 to i32
      %sign3A_727 = arith.subi %sign3A_723, %sign3A_726 : i32
      %ne3A_728 = arith.cmpi ne, %sign3A_720, %sign3A_727 : i32
      %rem3A_729 = arith.remsi %add3A_366, %jit3A_712 : i32
      %ne3A_730 = arith.constant 0 : i32
      %ne3A_731 = arith.cmpi ne, %rem3A_729, %ne3A_730 : i32
      %and3A_732 = arith.andi %ne3A_728, %ne3A_731 : i1
      %sub3A_733 = arith.constant 1 : i32
      %sub3A_734 = arith.subi %div3A_713, %sub3A_733 : i32
      %select_n3A_735 = arith.select %and3A_732, %sub3A_734, %div3A_713 : i32
      %jit3A_736 = arith.constant 8 : i32
      %eq3A_737 = arith.constant 0 : i32
      %eq3A_738 = arith.cmpi eq, %jit3A_736, %eq3A_737 : i32
      %jit3A_739 = arith.constant 1 : i32
      %select_n3A_740 = arith.select %eq3A_738, %jit3A_739, %jit3A_736 : i32
      %rem3A_741 = arith.remsi %add3A_366, %select_n3A_740 : i32
      %ne3A_742 = arith.constant 0 : i32
      %ne3A_743 = arith.cmpi ne, %rem3A_741, %ne3A_742 : i32
      %lt3A_744 = arith.constant 0 : i32
      %lt3A_745 = arith.cmpi slt, %rem3A_741, %lt3A_744 : i32
      %lt3A_746 = arith.constant 0 : i32
      %lt3A_747 = arith.cmpi slt, %select_n3A_740, %lt3A_746 : i32
      %ne3A_748 = arith.xori %lt3A_745, %lt3A_747 : i1
      %and3A_749 = arith.andi %ne3A_748, %ne3A_743 : i1
      %add3A_750 = arith.addi %rem3A_741, %select_n3A_740 : i32
      %select_n3A_751 = arith.select %and3A_749, %add3A_750, %rem3A_741 : i32
      %get3A_752 = arith.index_cast %select_n3A_735 : i32 to index
      %get3A_753 = arith.index_cast %select_n3A_751 : i32 to index
      %get3A_754 = arith.constant 96 : index
      %get3A_755 = tpu.vector_load %arg6[%get3A_752, %get3A_753, %get3A_754] {strides = array<i32>} : memref<10x8x128xi32, #tpu.memory_space<vmem>>, vector<1x1x16xi32>,
      %get3A_756 = vector.shape_cast %get3A_755 : vector<1x1x16xi32> to vector<16xi32>
      %and3A_757 = arith.constant 65535 : i32
      %and3A_758 = vector.broadcast %and3A_757 : i32 to vector<16xi32>
      %and3A_759 = arith.andi %get3A_756, %and3A_758 : vector<16xi32>
      %swap3A_760 = arith.constant 96 : index
      %swap3A_761 = tpu.vector_load %arg7[%swap3A_760] {strides = array<i32>} : memref<128xi32, #tpu.memory_space<vmem>>, vector<16xi32>,
      %swap3A_762 = vector.shape_cast %swap3A_761 : vector<16xi32> to vector<16xi32>
      %swap3A_763 = vector.shape_cast %and3A_759 : vector<16xi32> to vector<16xi32>
      tpu.vector_store %arg7[%swap3A_760], %swap3A_763 {strides = array<i32>} : memref<128xi32, #tpu.memory_space<vmem>>, vector<16xi32>,
      %shift_right_logical3A_764 = arith.constant 16 : i32
      %shift_right_logical3A_765 = vector.broadcast %shift_right_logical3A_764 : i32 to vector<16xi32>
      %shift_right_logical3A_766 = arith.shrui %get3A_756, %shift_right_logical3A_765 : vector<16xi32>
      %swap3A_767 = arith.constant 96 : index
      %swap3A_768 = tpu.vector_load %arg8[%swap3A_767] {strides = array<i32>} : memref<128xi32, #tpu.memory_space<vmem>>, vector<16xi32>,
      %swap3A_769 = vector.shape_cast %swap3A_768 : vector<16xi32> to vector<16xi32>
      %swap3A_770 = vector.shape_cast %shift_right_logical3A_766 : vector<16xi32> to vector<16xi32>
      tpu.vector_store %arg8[%swap3A_767], %swap3A_770 {strides = array<i32>} : memref<128xi32, #tpu.memory_space<vmem>>, vector<16xi32>,
      %jit3A_771 = arith.constant 8 : i32
      %div3A_772 = arith.divsi %add3A_366, %jit3A_771 : i32
      %sign3A_773 = arith.constant 0 : i32
      %sign3A_774 = arith.cmpi sgt, %add3A_366, %sign3A_773 : i32
      %sign3A_775 = arith.extui %sign3A_774 : i1 to i32
      %sign3A_776 = arith.constant 0 : i32
      %sign3A_777 = arith.cmpi slt, %add3A_366, %sign3A_776 : i32
      %sign3A_778 = arith.extui %sign3A_777 : i1 to i32
      %sign3A_779 = arith.subi %sign3A_775, %sign3A_778 : i32
      %sign3A_780 = arith.constant 0 : i32
      %sign3A_781 = arith.cmpi sgt, %jit3A_771, %sign3A_780 : i32
      %sign3A_782 = arith.extui %sign3A_781 : i1 to i32
      %sign3A_783 = arith.constant 0 : i32
      %sign3A_784 = arith.cmpi slt, %jit3A_771, %sign3A_783 : i32
      %sign3A_785 = arith.extui %sign3A_784 : i1 to i32
      %sign3A_786 = arith.subi %sign3A_782, %sign3A_785 : i32
      %ne3A_787 = arith.cmpi ne, %sign3A_779, %sign3A_786 : i32
      %rem3A_788 = arith.remsi %add3A_366, %jit3A_771 : i32
      %ne3A_789 = arith.constant 0 : i32
      %ne3A_790 = arith.cmpi ne, %rem3A_788, %ne3A_789 : i32
      %and3A_791 = arith.andi %ne3A_787, %ne3A_790 : i1
      %sub3A_792 = arith.constant 1 : i32
      %sub3A_793 = arith.subi %div3A_772, %sub3A_792 : i32
      %select_n3A_794 = arith.select %and3A_791, %sub3A_793, %div3A_772 : i32
      %jit3A_795 = arith.constant 8 : i32
      %eq3A_796 = arith.constant 0 : i32
      %eq3A_797 = arith.cmpi eq, %jit3A_795, %eq3A_796 : i32
      %jit3A_798 = arith.constant 1 : i32
      %select_n3A_799 = arith.select %eq3A_797, %jit3A_798, %jit3A_795 : i32
      %rem3A_800 = arith.remsi %add3A_366, %select_n3A_799 : i32
      %ne3A_801 = arith.constant 0 : i32
      %ne3A_802 = arith.cmpi ne, %rem3A_800, %ne3A_801 : i32
      %lt3A_803 = arith.constant 0 : i32
      %lt3A_804 = arith.cmpi slt, %rem3A_800, %lt3A_803 : i32
      %lt3A_805 = arith.constant 0 : i32
      %lt3A_806 = arith.cmpi slt, %select_n3A_799, %lt3A_805 : i32
      %ne3A_807 = arith.xori %lt3A_804, %lt3A_806 : i1
      %and3A_808 = arith.andi %ne3A_807, %ne3A_802 : i1
      %add3A_809 = arith.addi %rem3A_800, %select_n3A_799 : i32
      %select_n3A_810 = arith.select %and3A_808, %add3A_809, %rem3A_800 : i32
      %get3A_811 = arith.index_cast %select_n3A_794 : i32 to index
      %get3A_812 = arith.index_cast %select_n3A_810 : i32 to index
      %get3A_813 = arith.constant 112 : index
      %get3A_814 = tpu.vector_load %arg6[%get3A_811, %get3A_812, %get3A_813] {strides = array<i32>} : memref<10x8x128xi32, #tpu.memory_space<vmem>>, vector<1x1x16xi32>,
      %get3A_815 = vector.shape_cast %get3A_814 : vector<1x1x16xi32> to vector<16xi32>
      %and3A_816 = arith.constant 65535 : i32
      %and3A_817 = vector.broadcast %and3A_816 : i32 to vector<16xi32>
      %and3A_818 = arith.andi %get3A_815, %and3A_817 : vector<16xi32>
      %swap3A_819 = arith.constant 112 : index
      %swap3A_820 = tpu.vector_load %arg7[%swap3A_819] {strides = array<i32>} : memref<128xi32, #tpu.memory_space<vmem>>, vector<16xi32>,
      %swap3A_821 = vector.shape_cast %swap3A_820 : vector<16xi32> to vector<16xi32>
      %swap3A_822 = vector.shape_cast %and3A_818 : vector<16xi32> to vector<16xi32>
      tpu.vector_store %arg7[%swap3A_819], %swap3A_822 {strides = array<i32>} : memref<128xi32, #tpu.memory_space<vmem>>, vector<16xi32>,
      %shift_right_logical3A_823 = arith.constant 16 : i32
      %shift_right_logical3A_824 = vector.broadcast %shift_right_logical3A_823 : i32 to vector<16xi32>
      %shift_right_logical3A_825 = arith.shrui %get3A_815, %shift_right_logical3A_824 : vector<16xi32>
      %swap3A_826 = arith.constant 112 : index
      %swap3A_827 = tpu.vector_load %arg8[%swap3A_826] {strides = array<i32>} : memref<128xi32, #tpu.memory_space<vmem>>, vector<16xi32>,
      %swap3A_828 = vector.shape_cast %swap3A_827 : vector<16xi32> to vector<16xi32>
      %swap3A_829 = vector.shape_cast %shift_right_logical3A_825 : vector<16xi32> to vector<16xi32>
      tpu.vector_store %arg8[%swap3A_826], %swap3A_829 {strides = array<i32>} : memref<128xi32, #tpu.memory_space<vmem>>, vector<16xi32>,
      %dma_start3A_830 = arith.constant 0 : i32
      %dma_start3A_831 = arith.constant 0 : i32
      %dma_start3A_832 = tpu.memref_slice %arg2[%dma_start3A_830, %dma_start3A_831] : memref<10000x128xf32, #tpu.memory_space<hbm>> -> memref<10000x128xf32, #tpu.memory_space<hbm>>
      tpu.enqueue_indirect_dma source(%dma_start3A_832 : memref<10000x128xf32, #tpu.memory_space<hbm>>) target(%arg11 : memref<128x128xf32, #tpu.memory_space<vmem>>) offsets(%arg7 : memref<128xi32, #tpu.memory_space<vmem>>) semaphore(%arg14 : memref<!tpu.dma_semaphore, #tpu.memory_space<semaphore_mem>>)
      %dma_wait3A_833 = arith.constant 0 : i32
      %dma_wait3A_834 = arith.constant 0 : i32
      %dma_wait3A_835 = tpu.memref_slice %arg2[%dma_wait3A_833, %dma_wait3A_834] : memref<10000x128xf32, #tpu.memory_space<hbm>> -> memref<10000x128xf32, #tpu.memory_space<hbm>>
      tpu.wait_indirect_dma semaphore(%arg15 : memref<!tpu.dma_semaphore, #tpu.memory_space<semaphore_mem>>) src(%dma_wait3A_835 : memref<10000x128xf32, #tpu.memory_space<hbm>>) dst(%arg12 : memref<128x128xf32, #tpu.memory_space<vmem>>)
      "tpu.region"() ({
        %run_scoped3A = tpu.sem_alloc : memref<!tpu.dma_semaphore, #tpu.memory_space<semaphore_mem>>
        %dma_start3A_1313 = arith.constant 0 : i32
        %dma_start3A_1314 = arith.constant 0 : i32
        %dma_start3A_1315 = tpu.memref_slice %arg13[%dma_start3A_1313, %dma_start3A_1314] : memref<10240x128xf32, #tpu.memory_space<vmem_shared>> -> memref<10240x128xf32, #tpu.memory_space<vmem_shared>>
        tpu.enqueue_indirect_dma source(%arg12 : memref<128x128xf32, #tpu.memory_space<vmem>>) target(%dma_start3A_1315 : memref<10240x128xf32, #tpu.memory_space<vmem_shared>>) offsets(%arg10 : memref<128xi32, #tpu.memory_space<vmem>>) semaphore(%run_scoped3A : memref<!tpu.dma_semaphore, #tpu.memory_space<semaphore_mem>>) {add = true}
        %dma_wait3A_1316 = arith.constant 0 : i32
        %dma_wait3A_1317 = arith.constant 0 : i32
        %dma_wait3A_1318 = tpu.memref_slice %arg13[%dma_wait3A_1316, %dma_wait3A_1317] : memref<10240x128xf32, #tpu.memory_space<vmem_shared>> -> memref<10240x128xf32, #tpu.memory_space<vmem_shared>>
        tpu.wait_indirect_dma semaphore(%run_scoped3A : memref<!tpu.dma_semaphore, #tpu.memory_space<semaphore_mem>>) src(%arg12 : memref<128x128xf32, #tpu.memory_space<vmem>>) dst(%dma_wait3A_1318 : memref<10240x128xf32, #tpu.memory_space<vmem_shared>>)
        tpu.yield
      }) : () -> ()
      %add3A_836 = arith.constant 3 : i32
      %add3A_837 = arith.addi %mul3A_361, %add3A_836 : i32
      %jit3A_838 = arith.constant 8 : i32
      %div3A_839 = arith.divsi %add3A_837, %jit3A_838 : i32
      %sign3A_840 = arith.constant 0 : i32
      %sign3A_841 = arith.cmpi sgt, %add3A_837, %sign3A_840 : i32
      %sign3A_842 = arith.extui %sign3A_841 : i1 to i32
      %sign3A_843 = arith.constant 0 : i32
      %sign3A_844 = arith.cmpi slt, %add3A_837, %sign3A_843 : i32
      %sign3A_845 = arith.extui %sign3A_844 : i1 to i32
      %sign3A_846 = arith.subi %sign3A_842, %sign3A_845 : i32
      %sign3A_847 = arith.constant 0 : i32
      %sign3A_848 = arith.cmpi sgt, %jit3A_838, %sign3A_847 : i32
      %sign3A_849 = arith.extui %sign3A_848 : i1 to i32
      %sign3A_850 = arith.constant 0 : i32
      %sign3A_851 = arith.cmpi slt, %jit3A_838, %sign3A_850 : i32
      %sign3A_852 = arith.extui %sign3A_851 : i1 to i32
      %sign3A_853 = arith.subi %sign3A_849, %sign3A_852 : i32
      %ne3A_854 = arith.cmpi ne, %sign3A_846, %sign3A_853 : i32
      %rem3A_855 = arith.remsi %add3A_837, %jit3A_838 : i32
      %ne3A_856 = arith.constant 0 : i32
      %ne3A_857 = arith.cmpi ne, %rem3A_855, %ne3A_856 : i32
      %and3A_858 = arith.andi %ne3A_854, %ne3A_857 : i1
      %sub3A_859 = arith.constant 1 : i32
      %sub3A_860 = arith.subi %div3A_839, %sub3A_859 : i32
      %select_n3A_861 = arith.select %and3A_858, %sub3A_860, %div3A_839 : i32
      %jit3A_862 = arith.constant 8 : i32
      %eq3A_863 = arith.constant 0 : i32
      %eq3A_864 = arith.cmpi eq, %jit3A_862, %eq3A_863 : i32
      %jit3A_865 = arith.constant 1 : i32
      %select_n3A_866 = arith.select %eq3A_864, %jit3A_865, %jit3A_862 : i32
      %rem3A_867 = arith.remsi %add3A_837, %select_n3A_866 : i32
      %ne3A_868 = arith.constant 0 : i32
      %ne3A_869 = arith.cmpi ne, %rem3A_867, %ne3A_868 : i32
      %lt3A_870 = arith.constant 0 : i32
      %lt3A_871 = arith.cmpi slt, %rem3A_867, %lt3A_870 : i32
      %lt3A_872 = arith.constant 0 : i32
      %lt3A_873 = arith.cmpi slt, %select_n3A_866, %lt3A_872 : i32
      %ne3A_874 = arith.xori %lt3A_871, %lt3A_873 : i1
      %and3A_875 = arith.andi %ne3A_874, %ne3A_869 : i1
      %add3A_876 = arith.addi %rem3A_867, %select_n3A_866 : i32
      %select_n3A_877 = arith.select %and3A_875, %add3A_876, %rem3A_867 : i32
      %get3A_878 = arith.index_cast %select_n3A_861 : i32 to index
      %get3A_879 = arith.index_cast %select_n3A_877 : i32 to index
      %get3A_880 = arith.constant 0 : index
      %get3A_881 = tpu.vector_load %arg6[%get3A_878, %get3A_879, %get3A_880] {strides = array<i32>} : memref<10x8x128xi32, #tpu.memory_space<vmem>>, vector<1x1x16xi32>,
      %get3A_882 = vector.shape_cast %get3A_881 : vector<1x1x16xi32> to vector<16xi32>
      %and3A_883 = arith.constant 65535 : i32
      %and3A_884 = vector.broadcast %and3A_883 : i32 to vector<16xi32>
      %and3A_885 = arith.andi %get3A_882, %and3A_884 : vector<16xi32>
      %swap3A_886 = arith.constant 0 : index
      %swap3A_887 = tpu.vector_load %arg9[%swap3A_886] {strides = array<i32>} : memref<128xi32, #tpu.memory_space<vmem>>, vector<16xi32>,
      %swap3A_888 = vector.shape_cast %swap3A_887 : vector<16xi32> to vector<16xi32>
      %swap3A_889 = vector.shape_cast %and3A_885 : vector<16xi32> to vector<16xi32>
      tpu.vector_store %arg9[%swap3A_886], %swap3A_889 {strides = array<i32>} : memref<128xi32, #tpu.memory_space<vmem>>, vector<16xi32>,
      %shift_right_logical3A_890 = arith.constant 16 : i32
      %shift_right_logical3A_891 = vector.broadcast %shift_right_logical3A_890 : i32 to vector<16xi32>
      %shift_right_logical3A_892 = arith.shrui %get3A_882, %shift_right_logical3A_891 : vector<16xi32>
      %swap3A_893 = arith.constant 0 : index
      %swap3A_894 = tpu.vector_load %arg10[%swap3A_893] {strides = array<i32>} : memref<128xi32, #tpu.memory_space<vmem>>, vector<16xi32>,
      %swap3A_895 = vector.shape_cast %swap3A_894 : vector<16xi32> to vector<16xi32>
      %swap3A_896 = vector.shape_cast %shift_right_logical3A_892 : vector<16xi32> to vector<16xi32>
      tpu.vector_store %arg10[%swap3A_893], %swap3A_896 {strides = array<i32>} : memref<128xi32, #tpu.memory_space<vmem>>, vector<16xi32>,
      %jit3A_897 = arith.constant 8 : i32
      %div3A_898 = arith.divsi %add3A_837, %jit3A_897 : i32
      %sign3A_899 = arith.constant 0 : i32
      %sign3A_900 = arith.cmpi sgt, %add3A_837, %sign3A_899 : i32
      %sign3A_901 = arith.extui %sign3A_900 : i1 to i32
      %sign3A_902 = arith.constant 0 : i32
      %sign3A_903 = arith.cmpi slt, %add3A_837, %sign3A_902 : i32
      %sign3A_904 = arith.extui %sign3A_903 : i1 to i32
      %sign3A_905 = arith.subi %sign3A_901, %sign3A_904 : i32
      %sign3A_906 = arith.constant 0 : i32
      %sign3A_907 = arith.cmpi sgt, %jit3A_897, %sign3A_906 : i32
      %sign3A_908 = arith.extui %sign3A_907 : i1 to i32
      %sign3A_909 = arith.constant 0 : i32
      %sign3A_910 = arith.cmpi slt, %jit3A_897, %sign3A_909 : i32
      %sign3A_911 = arith.extui %sign3A_910 : i1 to i32
      %sign3A_912 = arith.subi %sign3A_908, %sign3A_911 : i32
      %ne3A_913 = arith.cmpi ne, %sign3A_905, %sign3A_912 : i32
      %rem3A_914 = arith.remsi %add3A_837, %jit3A_897 : i32
      %ne3A_915 = arith.constant 0 : i32
      %ne3A_916 = arith.cmpi ne, %rem3A_914, %ne3A_915 : i32
      %and3A_917 = arith.andi %ne3A_913, %ne3A_916 : i1
      %sub3A_918 = arith.constant 1 : i32
      %sub3A_919 = arith.subi %div3A_898, %sub3A_918 : i32
      %select_n3A_920 = arith.select %and3A_917, %sub3A_919, %div3A_898 : i32
      %jit3A_921 = arith.constant 8 : i32
      %eq3A_922 = arith.constant 0 : i32
      %eq3A_923 = arith.cmpi eq, %jit3A_921, %eq3A_922 : i32
      %jit3A_924 = arith.constant 1 : i32
      %select_n3A_925 = arith.select %eq3A_923, %jit3A_924, %jit3A_921 : i32
      %rem3A_926 = arith.remsi %add3A_837, %select_n3A_925 : i32
      %ne3A_927 = arith.constant 0 : i32
      %ne3A_928 = arith.cmpi ne, %rem3A_926, %ne3A_927 : i32
      %lt3A_929 = arith.constant 0 : i32
      %lt3A_930 = arith.cmpi slt, %rem3A_926, %lt3A_929 : i32
      %lt3A_931 = arith.constant 0 : i32
      %lt3A_932 = arith.cmpi slt, %select_n3A_925, %lt3A_931 : i32
      %ne3A_933 = arith.xori %lt3A_930, %lt3A_932 : i1
      %and3A_934 = arith.andi %ne3A_933, %ne3A_928 : i1
      %add3A_935 = arith.addi %rem3A_926, %select_n3A_925 : i32
      %select_n3A_936 = arith.select %and3A_934, %add3A_935, %rem3A_926 : i32
      %get3A_937 = arith.index_cast %select_n3A_920 : i32 to index
      %get3A_938 = arith.index_cast %select_n3A_936 : i32 to index
      %get3A_939 = arith.constant 16 : index
      %get3A_940 = tpu.vector_load %arg6[%get3A_937, %get3A_938, %get3A_939] {strides = array<i32>} : memref<10x8x128xi32, #tpu.memory_space<vmem>>, vector<1x1x16xi32>,
      %get3A_941 = vector.shape_cast %get3A_940 : vector<1x1x16xi32> to vector<16xi32>
      %and3A_942 = arith.constant 65535 : i32
      %and3A_943 = vector.broadcast %and3A_942 : i32 to vector<16xi32>
      %and3A_944 = arith.andi %get3A_941, %and3A_943 : vector<16xi32>
      %swap3A_945 = arith.constant 16 : index
      %swap3A_946 = tpu.vector_load %arg9[%swap3A_945] {strides = array<i32>} : memref<128xi32, #tpu.memory_space<vmem>>, vector<16xi32>,
      %swap3A_947 = vector.shape_cast %swap3A_946 : vector<16xi32> to vector<16xi32>
      %swap3A_948 = vector.shape_cast %and3A_944 : vector<16xi32> to vector<16xi32>
      tpu.vector_store %arg9[%swap3A_945], %swap3A_948 {strides = array<i32>} : memref<128xi32, #tpu.memory_space<vmem>>, vector<16xi32>,
      %shift_right_logical3A_949 = arith.constant 16 : i32
      %shift_right_logical3A_950 = vector.broadcast %shift_right_logical3A_949 : i32 to vector<16xi32>
      %shift_right_logical3A_951 = arith.shrui %get3A_941, %shift_right_logical3A_950 : vector<16xi32>
      %swap3A_952 = arith.constant 16 : index
      %swap3A_953 = tpu.vector_load %arg10[%swap3A_952] {strides = array<i32>} : memref<128xi32, #tpu.memory_space<vmem>>, vector<16xi32>,
      %swap3A_954 = vector.shape_cast %swap3A_953 : vector<16xi32> to vector<16xi32>
      %swap3A_955 = vector.shape_cast %shift_right_logical3A_951 : vector<16xi32> to vector<16xi32>
      tpu.vector_store %arg10[%swap3A_952], %swap3A_955 {strides = array<i32>} : memref<128xi32, #tpu.memory_space<vmem>>, vector<16xi32>,
      %jit3A_956 = arith.constant 8 : i32
      %div3A_957 = arith.divsi %add3A_837, %jit3A_956 : i32
      %sign3A_958 = arith.constant 0 : i32
      %sign3A_959 = arith.cmpi sgt, %add3A_837, %sign3A_958 : i32
      %sign3A_960 = arith.extui %sign3A_959 : i1 to i32
      %sign3A_961 = arith.constant 0 : i32
      %sign3A_962 = arith.cmpi slt, %add3A_837, %sign3A_961 : i32
      %sign3A_963 = arith.extui %sign3A_962 : i1 to i32
      %sign3A_964 = arith.subi %sign3A_960, %sign3A_963 : i32
      %sign3A_965 = arith.constant 0 : i32
      %sign3A_966 = arith.cmpi sgt, %jit3A_956, %sign3A_965 : i32
      %sign3A_967 = arith.extui %sign3A_966 : i1 to i32
      %sign3A_968 = arith.constant 0 : i32
      %sign3A_969 = arith.cmpi slt, %jit3A_956, %sign3A_968 : i32
      %sign3A_970 = arith.extui %sign3A_969 : i1 to i32
      %sign3A_971 = arith.subi %sign3A_967, %sign3A_970 : i32
      %ne3A_972 = arith.cmpi ne, %sign3A_964, %sign3A_971 : i32
      %rem3A_973 = arith.remsi %add3A_837, %jit3A_956 : i32
      %ne3A_974 = arith.constant 0 : i32
      %ne3A_975 = arith.cmpi ne, %rem3A_973, %ne3A_974 : i32
      %and3A_976 = arith.andi %ne3A_972, %ne3A_975 : i1
      %sub3A_977 = arith.constant 1 : i32
      %sub3A_978 = arith.subi %div3A_957, %sub3A_977 : i32
      %select_n3A_979 = arith.select %and3A_976, %sub3A_978, %div3A_957 : i32
      %jit3A_980 = arith.constant 8 : i32
      %eq3A_981 = arith.constant 0 : i32
      %eq3A_982 = arith.cmpi eq, %jit3A_980, %eq3A_981 : i32
      %jit3A_983 = arith.constant 1 : i32
      %select_n3A_984 = arith.select %eq3A_982, %jit3A_983, %jit3A_980 : i32
      %rem3A_985 = arith.remsi %add3A_837, %select_n3A_984 : i32
      %ne3A_986 = arith.constant 0 : i32
      %ne3A_987 = arith.cmpi ne, %rem3A_985, %ne3A_986 : i32
      %lt3A_988 = arith.constant 0 : i32
      %lt3A_989 = arith.cmpi slt, %rem3A_985, %lt3A_988 : i32
      %lt3A_990 = arith.constant 0 : i32
      %lt3A_991 = arith.cmpi slt, %select_n3A_984, %lt3A_990 : i32
      %ne3A_992 = arith.xori %lt3A_989, %lt3A_991 : i1
      %and3A_993 = arith.andi %ne3A_992, %ne3A_987 : i1
      %add3A_994 = arith.addi %rem3A_985, %select_n3A_984 : i32
      %select_n3A_995 = arith.select %and3A_993, %add3A_994, %rem3A_985 : i32
      %get3A_996 = arith.index_cast %select_n3A_979 : i32 to index
      %get3A_997 = arith.index_cast %select_n3A_995 : i32 to index
      %get3A_998 = arith.constant 32 : index
      %get3A_999 = tpu.vector_load %arg6[%get3A_996, %get3A_997, %get3A_998] {strides = array<i32>} : memref<10x8x128xi32, #tpu.memory_space<vmem>>, vector<1x1x16xi32>,
      %get3A_1000 = vector.shape_cast %get3A_999 : vector<1x1x16xi32> to vector<16xi32>
      %and3A_1001 = arith.constant 65535 : i32
      %and3A_1002 = vector.broadcast %and3A_1001 : i32 to vector<16xi32>
      %and3A_1003 = arith.andi %get3A_1000, %and3A_1002 : vector<16xi32>
      %swap3A_1004 = arith.constant 32 : index
      %swap3A_1005 = tpu.vector_load %arg9[%swap3A_1004] {strides = array<i32>} : memref<128xi32, #tpu.memory_space<vmem>>, vector<16xi32>,
      %swap3A_1006 = vector.shape_cast %swap3A_1005 : vector<16xi32> to vector<16xi32>
      %swap3A_1007 = vector.shape_cast %and3A_1003 : vector<16xi32> to vector<16xi32>
      tpu.vector_store %arg9[%swap3A_1004], %swap3A_1007 {strides = array<i32>} : memref<128xi32, #tpu.memory_space<vmem>>, vector<16xi32>,
      %shift_right_logical3A_1008 = arith.constant 16 : i32
      %shift_right_logical3A_1009 = vector.broadcast %shift_right_logical3A_1008 : i32 to vector<16xi32>
      %shift_right_logical3A_1010 = arith.shrui %get3A_1000, %shift_right_logical3A_1009 : vector<16xi32>
      %swap3A_1011 = arith.constant 32 : index
      %swap3A_1012 = tpu.vector_load %arg10[%swap3A_1011] {strides = array<i32>} : memref<128xi32, #tpu.memory_space<vmem>>, vector<16xi32>,
      %swap3A_1013 = vector.shape_cast %swap3A_1012 : vector<16xi32> to vector<16xi32>
      %swap3A_1014 = vector.shape_cast %shift_right_logical3A_1010 : vector<16xi32> to vector<16xi32>
      tpu.vector_store %arg10[%swap3A_1011], %swap3A_1014 {strides = array<i32>} : memref<128xi32, #tpu.memory_space<vmem>>, vector<16xi32>,
      %jit3A_1015 = arith.constant 8 : i32
      %div3A_1016 = arith.divsi %add3A_837, %jit3A_1015 : i32
      %sign3A_1017 = arith.constant 0 : i32
      %sign3A_1018 = arith.cmpi sgt, %add3A_837, %sign3A_1017 : i32
      %sign3A_1019 = arith.extui %sign3A_1018 : i1 to i32
      %sign3A_1020 = arith.constant 0 : i32
      %sign3A_1021 = arith.cmpi slt, %add3A_837, %sign3A_1020 : i32
      %sign3A_1022 = arith.extui %sign3A_1021 : i1 to i32
      %sign3A_1023 = arith.subi %sign3A_1019, %sign3A_1022 : i32
      %sign3A_1024 = arith.constant 0 : i32
      %sign3A_1025 = arith.cmpi sgt, %jit3A_1015, %sign3A_1024 : i32
      %sign3A_1026 = arith.extui %sign3A_1025 : i1 to i32
      %sign3A_1027 = arith.constant 0 : i32
      %sign3A_1028 = arith.cmpi slt, %jit3A_1015, %sign3A_1027 : i32
      %sign3A_1029 = arith.extui %sign3A_1028 : i1 to i32
      %sign3A_1030 = arith.subi %sign3A_1026, %sign3A_1029 : i32
      %ne3A_1031 = arith.cmpi ne, %sign3A_1023, %sign3A_1030 : i32
      %rem3A_1032 = arith.remsi %add3A_837, %jit3A_1015 : i32
      %ne3A_1033 = arith.constant 0 : i32
      %ne3A_1034 = arith.cmpi ne, %rem3A_1032, %ne3A_1033 : i32
      %and3A_1035 = arith.andi %ne3A_1031, %ne3A_1034 : i1
      %sub3A_1036 = arith.constant 1 : i32
      %sub3A_1037 = arith.subi %div3A_1016, %sub3A_1036 : i32
      %select_n3A_1038 = arith.select %and3A_1035, %sub3A_1037, %div3A_1016 : i32
      %jit3A_1039 = arith.constant 8 : i32
      %eq3A_1040 = arith.constant 0 : i32
      %eq3A_1041 = arith.cmpi eq, %jit3A_1039, %eq3A_1040 : i32
      %jit3A_1042 = arith.constant 1 : i32
      %select_n3A_1043 = arith.select %eq3A_1041, %jit3A_1042, %jit3A_1039 : i32
      %rem3A_1044 = arith.remsi %add3A_837, %select_n3A_1043 : i32
      %ne3A_1045 = arith.constant 0 : i32
      %ne3A_1046 = arith.cmpi ne, %rem3A_1044, %ne3A_1045 : i32
      %lt3A_1047 = arith.constant 0 : i32
      %lt3A_1048 = arith.cmpi slt, %rem3A_1044, %lt3A_1047 : i32
      %lt3A_1049 = arith.constant 0 : i32
      %lt3A_1050 = arith.cmpi slt, %select_n3A_1043, %lt3A_1049 : i32
      %ne3A_1051 = arith.xori %lt3A_1048, %lt3A_1050 : i1
      %and3A_1052 = arith.andi %ne3A_1051, %ne3A_1046 : i1
      %add3A_1053 = arith.addi %rem3A_1044, %select_n3A_1043 : i32
      %select_n3A_1054 = arith.select %and3A_1052, %add3A_1053, %rem3A_1044 : i32
      %get3A_1055 = arith.index_cast %select_n3A_1038 : i32 to index
      %get3A_1056 = arith.index_cast %select_n3A_1054 : i32 to index
      %get3A_1057 = arith.constant 48 : index
      %get3A_1058 = tpu.vector_load %arg6[%get3A_1055, %get3A_1056, %get3A_1057] {strides = array<i32>} : memref<10x8x128xi32, #tpu.memory_space<vmem>>, vector<1x1x16xi32>,
      %get3A_1059 = vector.shape_cast %get3A_1058 : vector<1x1x16xi32> to vector<16xi32>
      %and3A_1060 = arith.constant 65535 : i32
      %and3A_1061 = vector.broadcast %and3A_1060 : i32 to vector<16xi32>
      %and3A_1062 = arith.andi %get3A_1059, %and3A_1061 : vector<16xi32>
      %swap3A_1063 = arith.constant 48 : index
      %swap3A_1064 = tpu.vector_load %arg9[%swap3A_1063] {strides = array<i32>} : memref<128xi32, #tpu.memory_space<vmem>>, vector<16xi32>,
      %swap3A_1065 = vector.shape_cast %swap3A_1064 : vector<16xi32> to vector<16xi32>
      %swap3A_1066 = vector.shape_cast %and3A_1062 : vector<16xi32> to vector<16xi32>
      tpu.vector_store %arg9[%swap3A_1063], %swap3A_1066 {strides = array<i32>} : memref<128xi32, #tpu.memory_space<vmem>>, vector<16xi32>,
      %shift_right_logical3A_1067 = arith.constant 16 : i32
      %shift_right_logical3A_1068 = vector.broadcast %shift_right_logical3A_1067 : i32 to vector<16xi32>
      %shift_right_logical3A_1069 = arith.shrui %get3A_1059, %shift_right_logical3A_1068 : vector<16xi32>
      %swap3A_1070 = arith.constant 48 : index
      %swap3A_1071 = tpu.vector_load %arg10[%swap3A_1070] {strides = array<i32>} : memref<128xi32, #tpu.memory_space<vmem>>, vector<16xi32>,
      %swap3A_1072 = vector.shape_cast %swap3A_1071 : vector<16xi32> to vector<16xi32>
      %swap3A_1073 = vector.shape_cast %shift_right_logical3A_1069 : vector<16xi32> to vector<16xi32>
      tpu.vector_store %arg10[%swap3A_1070], %swap3A_1073 {strides = array<i32>} : memref<128xi32, #tpu.memory_space<vmem>>, vector<16xi32>,
      %jit3A_1074 = arith.constant 8 : i32
      %div3A_1075 = arith.divsi %add3A_837, %jit3A_1074 : i32
      %sign3A_1076 = arith.constant 0 : i32
      %sign3A_1077 = arith.cmpi sgt, %add3A_837, %sign3A_1076 : i32
      %sign3A_1078 = arith.extui %sign3A_1077 : i1 to i32
      %sign3A_1079 = arith.constant 0 : i32
      %sign3A_1080 = arith.cmpi slt, %add3A_837, %sign3A_1079 : i32
      %sign3A_1081 = arith.extui %sign3A_1080 : i1 to i32
      %sign3A_1082 = arith.subi %sign3A_1078, %sign3A_1081 : i32
      %sign3A_1083 = arith.constant 0 : i32
      %sign3A_1084 = arith.cmpi sgt, %jit3A_1074, %sign3A_1083 : i32
      %sign3A_1085 = arith.extui %sign3A_1084 : i1 to i32
      %sign3A_1086 = arith.constant 0 : i32
      %sign3A_1087 = arith.cmpi slt, %jit3A_1074, %sign3A_1086 : i32
      %sign3A_1088 = arith.extui %sign3A_1087 : i1 to i32
      %sign3A_1089 = arith.subi %sign3A_1085, %sign3A_1088 : i32
      %ne3A_1090 = arith.cmpi ne, %sign3A_1082, %sign3A_1089 : i32
      %rem3A_1091 = arith.remsi %add3A_837, %jit3A_1074 : i32
      %ne3A_1092 = arith.constant 0 : i32
      %ne3A_1093 = arith.cmpi ne, %rem3A_1091, %ne3A_1092 : i32
      %and3A_1094 = arith.andi %ne3A_1090, %ne3A_1093 : i1
      %sub3A_1095 = arith.constant 1 : i32
      %sub3A_1096 = arith.subi %div3A_1075, %sub3A_1095 : i32
      %select_n3A_1097 = arith.select %and3A_1094, %sub3A_1096, %div3A_1075 : i32
      %jit3A_1098 = arith.constant 8 : i32
      %eq3A_1099 = arith.constant 0 : i32
      %eq3A_1100 = arith.cmpi eq, %jit3A_1098, %eq3A_1099 : i32
      %jit3A_1101 = arith.constant 1 : i32
      %select_n3A_1102 = arith.select %eq3A_1100, %jit3A_1101, %jit3A_1098 : i32
      %rem3A_1103 = arith.remsi %add3A_837, %select_n3A_1102 : i32
      %ne3A_1104 = arith.constant 0 : i32
      %ne3A_1105 = arith.cmpi ne, %rem3A_1103, %ne3A_1104 : i32
      %lt3A_1106 = arith.constant 0 : i32
      %lt3A_1107 = arith.cmpi slt, %rem3A_1103, %lt3A_1106 : i32
      %lt3A_1108 = arith.constant 0 : i32
      %lt3A_1109 = arith.cmpi slt, %select_n3A_1102, %lt3A_1108 : i32
      %ne3A_1110 = arith.xori %lt3A_1107, %lt3A_1109 : i1
      %and3A_1111 = arith.andi %ne3A_1110, %ne3A_1105 : i1
      %add3A_1112 = arith.addi %rem3A_1103, %select_n3A_1102 : i32
      %select_n3A_1113 = arith.select %and3A_1111, %add3A_1112, %rem3A_1103 : i32
      %get3A_1114 = arith.index_cast %select_n3A_1097 : i32 to index
      %get3A_1115 = arith.index_cast %select_n3A_1113 : i32 to index
      %get3A_1116 = arith.constant 64 : index
      %get3A_1117 = tpu.vector_load %arg6[%get3A_1114, %get3A_1115, %get3A_1116] {strides = array<i32>} : memref<10x8x128xi32, #tpu.memory_space<vmem>>, vector<1x1x16xi32>,
      %get3A_1118 = vector.shape_cast %get3A_1117 : vector<1x1x16xi32> to vector<16xi32>
      %and3A_1119 = arith.constant 65535 : i32
      %and3A_1120 = vector.broadcast %and3A_1119 : i32 to vector<16xi32>
      %and3A_1121 = arith.andi %get3A_1118, %and3A_1120 : vector<16xi32>
      %swap3A_1122 = arith.constant 64 : index
      %swap3A_1123 = tpu.vector_load %arg9[%swap3A_1122] {strides = array<i32>} : memref<128xi32, #tpu.memory_space<vmem>>, vector<16xi32>,
      %swap3A_1124 = vector.shape_cast %swap3A_1123 : vector<16xi32> to vector<16xi32>
      %swap3A_1125 = vector.shape_cast %and3A_1121 : vector<16xi32> to vector<16xi32>
      tpu.vector_store %arg9[%swap3A_1122], %swap3A_1125 {strides = array<i32>} : memref<128xi32, #tpu.memory_space<vmem>>, vector<16xi32>,
      %shift_right_logical3A_1126 = arith.constant 16 : i32
      %shift_right_logical3A_1127 = vector.broadcast %shift_right_logical3A_1126 : i32 to vector<16xi32>
      %shift_right_logical3A_1128 = arith.shrui %get3A_1118, %shift_right_logical3A_1127 : vector<16xi32>
      %swap3A_1129 = arith.constant 64 : index
      %swap3A_1130 = tpu.vector_load %arg10[%swap3A_1129] {strides = array<i32>} : memref<128xi32, #tpu.memory_space<vmem>>, vector<16xi32>,
      %swap3A_1131 = vector.shape_cast %swap3A_1130 : vector<16xi32> to vector<16xi32>
      %swap3A_1132 = vector.shape_cast %shift_right_logical3A_1128 : vector<16xi32> to vector<16xi32>
      tpu.vector_store %arg10[%swap3A_1129], %swap3A_1132 {strides = array<i32>} : memref<128xi32, #tpu.memory_space<vmem>>, vector<16xi32>,
      %jit3A_1133 = arith.constant 8 : i32
      %div3A_1134 = arith.divsi %add3A_837, %jit3A_1133 : i32
      %sign3A_1135 = arith.constant 0 : i32
      %sign3A_1136 = arith.cmpi sgt, %add3A_837, %sign3A_1135 : i32
      %sign3A_1137 = arith.extui %sign3A_1136 : i1 to i32
      %sign3A_1138 = arith.constant 0 : i32
      %sign3A_1139 = arith.cmpi slt, %add3A_837, %sign3A_1138 : i32
      %sign3A_1140 = arith.extui %sign3A_1139 : i1 to i32
      %sign3A_1141 = arith.subi %sign3A_1137, %sign3A_1140 : i32
      %sign3A_1142 = arith.constant 0 : i32
      %sign3A_1143 = arith.cmpi sgt, %jit3A_1133, %sign3A_1142 : i32
      %sign3A_1144 = arith.extui %sign3A_1143 : i1 to i32
      %sign3A_1145 = arith.constant 0 : i32
      %sign3A_1146 = arith.cmpi slt, %jit3A_1133, %sign3A_1145 : i32
      %sign3A_1147 = arith.extui %sign3A_1146 : i1 to i32
      %sign3A_1148 = arith.subi %sign3A_1144, %sign3A_1147 : i32
      %ne3A_1149 = arith.cmpi ne, %sign3A_1141, %sign3A_1148 : i32
      %rem3A_1150 = arith.remsi %add3A_837, %jit3A_1133 : i32
      %ne3A_1151 = arith.constant 0 : i32
      %ne3A_1152 = arith.cmpi ne, %rem3A_1150, %ne3A_1151 : i32
      %and3A_1153 = arith.andi %ne3A_1149, %ne3A_1152 : i1
      %sub3A_1154 = arith.constant 1 : i32
      %sub3A_1155 = arith.subi %div3A_1134, %sub3A_1154 : i32
      %select_n3A_1156 = arith.select %and3A_1153, %sub3A_1155, %div3A_1134 : i32
      %jit3A_1157 = arith.constant 8 : i32
      %eq3A_1158 = arith.constant 0 : i32
      %eq3A_1159 = arith.cmpi eq, %jit3A_1157, %eq3A_1158 : i32
      %jit3A_1160 = arith.constant 1 : i32
      %select_n3A_1161 = arith.select %eq3A_1159, %jit3A_1160, %jit3A_1157 : i32
      %rem3A_1162 = arith.remsi %add3A_837, %select_n3A_1161 : i32
      %ne3A_1163 = arith.constant 0 : i32
      %ne3A_1164 = arith.cmpi ne, %rem3A_1162, %ne3A_1163 : i32
      %lt3A_1165 = arith.constant 0 : i32
      %lt3A_1166 = arith.cmpi slt, %rem3A_1162, %lt3A_1165 : i32
      %lt3A_1167 = arith.constant 0 : i32
      %lt3A_1168 = arith.cmpi slt, %select_n3A_1161, %lt3A_1167 : i32
      %ne3A_1169 = arith.xori %lt3A_1166, %lt3A_1168 : i1
      %and3A_1170 = arith.andi %ne3A_1169, %ne3A_1164 : i1
      %add3A_1171 = arith.addi %rem3A_1162, %select_n3A_1161 : i32
      %select_n3A_1172 = arith.select %and3A_1170, %add3A_1171, %rem3A_1162 : i32
      %get3A_1173 = arith.index_cast %select_n3A_1156 : i32 to index
      %get3A_1174 = arith.index_cast %select_n3A_1172 : i32 to index
      %get3A_1175 = arith.constant 80 : index
      %get3A_1176 = tpu.vector_load %arg6[%get3A_1173, %get3A_1174, %get3A_1175] {strides = array<i32>} : memref<10x8x128xi32, #tpu.memory_space<vmem>>, vector<1x1x16xi32>,
      %get3A_1177 = vector.shape_cast %get3A_1176 : vector<1x1x16xi32> to vector<16xi32>
      %and3A_1178 = arith.constant 65535 : i32
      %and3A_1179 = vector.broadcast %and3A_1178 : i32 to vector<16xi32>
      %and3A_1180 = arith.andi %get3A_1177, %and3A_1179 : vector<16xi32>
      %swap3A_1181 = arith.constant 80 : index
      %swap3A_1182 = tpu.vector_load %arg9[%swap3A_1181] {strides = array<i32>} : memref<128xi32, #tpu.memory_space<vmem>>, vector<16xi32>,
      %swap3A_1183 = vector.shape_cast %swap3A_1182 : vector<16xi32> to vector<16xi32>
      %swap3A_1184 = vector.shape_cast %and3A_1180 : vector<16xi32> to vector<16xi32>
      tpu.vector_store %arg9[%swap3A_1181], %swap3A_1184 {strides = array<i32>} : memref<128xi32, #tpu.memory_space<vmem>>, vector<16xi32>,
      %shift_right_logical3A_1185 = arith.constant 16 : i32
      %shift_right_logical3A_1186 = vector.broadcast %shift_right_logical3A_1185 : i32 to vector<16xi32>
      %shift_right_logical3A_1187 = arith.shrui %get3A_1177, %shift_right_logical3A_1186 : vector<16xi32>
      %swap3A_1188 = arith.constant 80 : index
      %swap3A_1189 = tpu.vector_load %arg10[%swap3A_1188] {strides = array<i32>} : memref<128xi32, #tpu.memory_space<vmem>>, vector<16xi32>,
      %swap3A_1190 = vector.shape_cast %swap3A_1189 : vector<16xi32> to vector<16xi32>
      %swap3A_1191 = vector.shape_cast %shift_right_logical3A_1187 : vector<16xi32> to vector<16xi32>
      tpu.vector_store %arg10[%swap3A_1188], %swap3A_1191 {strides = array<i32>} : memref<128xi32, #tpu.memory_space<vmem>>, vector<16xi32>,
      %jit3A_1192 = arith.constant 8 : i32
      %div3A_1193 = arith.divsi %add3A_837, %jit3A_1192 : i32
      %sign3A_1194 = arith.constant 0 : i32
      %sign3A_1195 = arith.cmpi sgt, %add3A_837, %sign3A_1194 : i32
      %sign3A_1196 = arith.extui %sign3A_1195 : i1 to i32
      %sign3A_1197 = arith.constant 0 : i32
      %sign3A_1198 = arith.cmpi slt, %add3A_837, %sign3A_1197 : i32
      %sign3A_1199 = arith.extui %sign3A_1198 : i1 to i32
      %sign3A_1200 = arith.subi %sign3A_1196, %sign3A_1199 : i32
      %sign3A_1201 = arith.constant 0 : i32
      %sign3A_1202 = arith.cmpi sgt, %jit3A_1192, %sign3A_1201 : i32
      %sign3A_1203 = arith.extui %sign3A_1202 : i1 to i32
      %sign3A_1204 = arith.constant 0 : i32
      %sign3A_1205 = arith.cmpi slt, %jit3A_1192, %sign3A_1204 : i32
      %sign3A_1206 = arith.extui %sign3A_1205 : i1 to i32
      %sign3A_1207 = arith.subi %sign3A_1203, %sign3A_1206 : i32
      %ne3A_1208 = arith.cmpi ne, %sign3A_1200, %sign3A_1207 : i32
      %rem3A_1209 = arith.remsi %add3A_837, %jit3A_1192 : i32
      %ne3A_1210 = arith.constant 0 : i32
      %ne3A_1211 = arith.cmpi ne, %rem3A_1209, %ne3A_1210 : i32
      %and3A_1212 = arith.andi %ne3A_1208, %ne3A_1211 : i1
      %sub3A_1213 = arith.constant 1 : i32
      %sub3A_1214 = arith.subi %div3A_1193, %sub3A_1213 : i32
      %select_n3A_1215 = arith.select %and3A_1212, %sub3A_1214, %div3A_1193 : i32
      %jit3A_1216 = arith.constant 8 : i32
      %eq3A_1217 = arith.constant 0 : i32
      %eq3A_1218 = arith.cmpi eq, %jit3A_1216, %eq3A_1217 : i32
      %jit3A_1219 = arith.constant 1 : i32
      %select_n3A_1220 = arith.select %eq3A_1218, %jit3A_1219, %jit3A_1216 : i32
      %rem3A_1221 = arith.remsi %add3A_837, %select_n3A_1220 : i32
      %ne3A_1222 = arith.constant 0 : i32
      %ne3A_1223 = arith.cmpi ne, %rem3A_1221, %ne3A_1222 : i32
      %lt3A_1224 = arith.constant 0 : i32
      %lt3A_1225 = arith.cmpi slt, %rem3A_1221, %lt3A_1224 : i32
      %lt3A_1226 = arith.constant 0 : i32
      %lt3A_1227 = arith.cmpi slt, %select_n3A_1220, %lt3A_1226 : i32
      %ne3A_1228 = arith.xori %lt3A_1225, %lt3A_1227 : i1
      %and3A_1229 = arith.andi %ne3A_1228, %ne3A_1223 : i1
      %add3A_1230 = arith.addi %rem3A_1221, %select_n3A_1220 : i32
      %select_n3A_1231 = arith.select %and3A_1229, %add3A_1230, %rem3A_1221 : i32
      %get3A_1232 = arith.index_cast %select_n3A_1215 : i32 to index
      %get3A_1233 = arith.index_cast %select_n3A_1231 : i32 to index
      %get3A_1234 = arith.constant 96 : index
      %get3A_1235 = tpu.vector_load %arg6[%get3A_1232, %get3A_1233, %get3A_1234] {strides = array<i32>} : memref<10x8x128xi32, #tpu.memory_space<vmem>>, vector<1x1x16xi32>,
      %get3A_1236 = vector.shape_cast %get3A_1235 : vector<1x1x16xi32> to vector<16xi32>
      %and3A_1237 = arith.constant 65535 : i32
      %and3A_1238 = vector.broadcast %and3A_1237 : i32 to vector<16xi32>
      %and3A_1239 = arith.andi %get3A_1236, %and3A_1238 : vector<16xi32>
      %swap3A_1240 = arith.constant 96 : index
      %swap3A_1241 = tpu.vector_load %arg9[%swap3A_1240] {strides = array<i32>} : memref<128xi32, #tpu.memory_space<vmem>>, vector<16xi32>,
      %swap3A_1242 = vector.shape_cast %swap3A_1241 : vector<16xi32> to vector<16xi32>
      %swap3A_1243 = vector.shape_cast %and3A_1239 : vector<16xi32> to vector<16xi32>
      tpu.vector_store %arg9[%swap3A_1240], %swap3A_1243 {strides = array<i32>} : memref<128xi32, #tpu.memory_space<vmem>>, vector<16xi32>,
      %shift_right_logical3A_1244 = arith.constant 16 : i32
      %shift_right_logical3A_1245 = vector.broadcast %shift_right_logical3A_1244 : i32 to vector<16xi32>
      %shift_right_logical3A_1246 = arith.shrui %get3A_1236, %shift_right_logical3A_1245 : vector<16xi32>
      %swap3A_1247 = arith.constant 96 : index
      %swap3A_1248 = tpu.vector_load %arg10[%swap3A_1247] {strides = array<i32>} : memref<128xi32, #tpu.memory_space<vmem>>, vector<16xi32>,
      %swap3A_1249 = vector.shape_cast %swap3A_1248 : vector<16xi32> to vector<16xi32>
      %swap3A_1250 = vector.shape_cast %shift_right_logical3A_1246 : vector<16xi32> to vector<16xi32>
      tpu.vector_store %arg10[%swap3A_1247], %swap3A_1250 {strides = array<i32>} : memref<128xi32, #tpu.memory_space<vmem>>, vector<16xi32>,
      %jit3A_1251 = arith.constant 8 : i32
      %div3A_1252 = arith.divsi %add3A_837, %jit3A_1251 : i32
      %sign3A_1253 = arith.constant 0 : i32
      %sign3A_1254 = arith.cmpi sgt, %add3A_837, %sign3A_1253 : i32
      %sign3A_1255 = arith.extui %sign3A_1254 : i1 to i32
      %sign3A_1256 = arith.constant 0 : i32
      %sign3A_1257 = arith.cmpi slt, %add3A_837, %sign3A_1256 : i32
      %sign3A_1258 = arith.extui %sign3A_1257 : i1 to i32
      %sign3A_1259 = arith.subi %sign3A_1255, %sign3A_1258 : i32
      %sign3A_1260 = arith.constant 0 : i32
      %sign3A_1261 = arith.cmpi sgt, %jit3A_1251, %sign3A_1260 : i32
      %sign3A_1262 = arith.extui %sign3A_1261 : i1 to i32
      %sign3A_1263 = arith.constant 0 : i32
      %sign3A_1264 = arith.cmpi slt, %jit3A_1251, %sign3A_1263 : i32
      %sign3A_1265 = arith.extui %sign3A_1264 : i1 to i32
      %sign3A_1266 = arith.subi %sign3A_1262, %sign3A_1265 : i32
      %ne3A_1267 = arith.cmpi ne, %sign3A_1259, %sign3A_1266 : i32
      %rem3A_1268 = arith.remsi %add3A_837, %jit3A_1251 : i32
      %ne3A_1269 = arith.constant 0 : i32
      %ne3A_1270 = arith.cmpi ne, %rem3A_1268, %ne3A_1269 : i32
      %and3A_1271 = arith.andi %ne3A_1267, %ne3A_1270 : i1
      %sub3A_1272 = arith.constant 1 : i32
      %sub3A_1273 = arith.subi %div3A_1252, %sub3A_1272 : i32
      %select_n3A_1274 = arith.select %and3A_1271, %sub3A_1273, %div3A_1252 : i32
      %jit3A_1275 = arith.constant 8 : i32
      %eq3A_1276 = arith.constant 0 : i32
      %eq3A_1277 = arith.cmpi eq, %jit3A_1275, %eq3A_1276 : i32
      %jit3A_1278 = arith.constant 1 : i32
      %select_n3A_1279 = arith.select %eq3A_1277, %jit3A_1278, %jit3A_1275 : i32
      %rem3A_1280 = arith.remsi %add3A_837, %select_n3A_1279 : i32
      %ne3A_1281 = arith.constant 0 : i32
      %ne3A_1282 = arith.cmpi ne, %rem3A_1280, %ne3A_1281 : i32
      %lt3A_1283 = arith.constant 0 : i32
      %lt3A_1284 = arith.cmpi slt, %rem3A_1280, %lt3A_1283 : i32
      %lt3A_1285 = arith.constant 0 : i32
      %lt3A_1286 = arith.cmpi slt, %select_n3A_1279, %lt3A_1285 : i32
      %ne3A_1287 = arith.xori %lt3A_1284, %lt3A_1286 : i1
      %and3A_1288 = arith.andi %ne3A_1287, %ne3A_1282 : i1
      %add3A_1289 = arith.addi %rem3A_1280, %select_n3A_1279 : i32
      %select_n3A_1290 = arith.select %and3A_1288, %add3A_1289, %rem3A_1280 : i32
      %get3A_1291 = arith.index_cast %select_n3A_1274 : i32 to index
      %get3A_1292 = arith.index_cast %select_n3A_1290 : i32 to index
      %get3A_1293 = arith.constant 112 : index
      %get3A_1294 = tpu.vector_load %arg6[%get3A_1291, %get3A_1292, %get3A_1293] {strides = array<i32>} : memref<10x8x128xi32, #tpu.memory_space<vmem>>, vector<1x1x16xi32>,
      %get3A_1295 = vector.shape_cast %get3A_1294 : vector<1x1x16xi32> to vector<16xi32>
      %and3A_1296 = arith.constant 65535 : i32
      %and3A_1297 = vector.broadcast %and3A_1296 : i32 to vector<16xi32>
      %and3A_1298 = arith.andi %get3A_1295, %and3A_1297 : vector<16xi32>
      %swap3A_1299 = arith.constant 112 : index
      %swap3A_1300 = tpu.vector_load %arg9[%swap3A_1299] {strides = array<i32>} : memref<128xi32, #tpu.memory_space<vmem>>, vector<16xi32>,
      %swap3A_1301 = vector.shape_cast %swap3A_1300 : vector<16xi32> to vector<16xi32>
      %swap3A_1302 = vector.shape_cast %and3A_1298 : vector<16xi32> to vector<16xi32>
      tpu.vector_store %arg9[%swap3A_1299], %swap3A_1302 {strides = array<i32>} : memref<128xi32, #tpu.memory_space<vmem>>, vector<16xi32>,
      %shift_right_logical3A_1303 = arith.constant 16 : i32
      %shift_right_logical3A_1304 = vector.broadcast %shift_right_logical3A_1303 : i32 to vector<16xi32>
      %shift_right_logical3A_1305 = arith.shrui %get3A_1295, %shift_right_logical3A_1304 : vector<16xi32>
      %swap3A_1306 = arith.constant 112 : index
      %swap3A_1307 = tpu.vector_load %arg10[%swap3A_1306] {strides = array<i32>} : memref<128xi32, #tpu.memory_space<vmem>>, vector<16xi32>,
      %swap3A_1308 = vector.shape_cast %swap3A_1307 : vector<16xi32> to vector<16xi32>
      %swap3A_1309 = vector.shape_cast %shift_right_logical3A_1305 : vector<16xi32> to vector<16xi32>
      tpu.vector_store %arg10[%swap3A_1306], %swap3A_1309 {strides = array<i32>} : memref<128xi32, #tpu.memory_space<vmem>>, vector<16xi32>,
      %dma_start3A_1310 = arith.constant 0 : i32
      %dma_start3A_1311 = arith.constant 0 : i32
      %dma_start3A_1312 = tpu.memref_slice %arg2[%dma_start3A_1310, %dma_start3A_1311] : memref<10000x128xf32, #tpu.memory_space<hbm>> -> memref<10000x128xf32, #tpu.memory_space<hbm>>
      tpu.enqueue_indirect_dma source(%dma_start3A_1312 : memref<10000x128xf32, #tpu.memory_space<hbm>>) target(%arg12 : memref<128x128xf32, #tpu.memory_space<vmem>>) offsets(%arg9 : memref<128xi32, #tpu.memory_space<vmem>>) semaphore(%arg15 : memref<!tpu.dma_semaphore, #tpu.memory_space<semaphore_mem>>)
    }
    %scan3A_351 = arith.constant 39 : i32
    %dma_wait3A_352 = arith.constant 0 : i32
    %dma_wait3A_353 = arith.constant 0 : i32
    %dma_wait3A_354 = tpu.memref_slice %arg2[%dma_wait3A_352, %dma_wait3A_353] : memref<10000x128xf32, #tpu.memory_space<hbm>> -> memref<10000x128xf32, #tpu.memory_space<hbm>>
    tpu.wait_indirect_dma semaphore(%arg14 : memref<!tpu.dma_semaphore, #tpu.memory_space<semaphore_mem>>) src(%dma_wait3A_354 : memref<10000x128xf32, #tpu.memory_space<hbm>>) dst(%arg11 : memref<128x128xf32, #tpu.memory_space<vmem>>)
    "tpu.region"() ({
      %run_scoped3A = tpu.sem_alloc : memref<!tpu.dma_semaphore, #tpu.memory_space<semaphore_mem>>
      %dma_start3A_359 = arith.constant 0 : i32
      %dma_start3A_360 = arith.constant 0 : i32
      %dma_start3A_361 = tpu.memref_slice %arg13[%dma_start3A_359, %dma_start3A_360] : memref<10240x128xf32, #tpu.memory_space<vmem_shared>> -> memref<10240x128xf32, #tpu.memory_space<vmem_shared>>
      tpu.enqueue_indirect_dma source(%arg11 : memref<128x128xf32, #tpu.memory_space<vmem>>) target(%dma_start3A_361 : memref<10240x128xf32, #tpu.memory_space<vmem_shared>>) offsets(%arg8 : memref<128xi32, #tpu.memory_space<vmem>>) semaphore(%run_scoped3A : memref<!tpu.dma_semaphore, #tpu.memory_space<semaphore_mem>>) {add = true}
      %dma_wait3A_362 = arith.constant 0 : i32
      %dma_wait3A_363 = arith.constant 0 : i32
      %dma_wait3A_364 = tpu.memref_slice %arg13[%dma_wait3A_362, %dma_wait3A_363] : memref<10240x128xf32, #tpu.memory_space<vmem_shared>> -> memref<10240x128xf32, #tpu.memory_space<vmem_shared>>
      tpu.wait_indirect_dma semaphore(%run_scoped3A : memref<!tpu.dma_semaphore, #tpu.memory_space<semaphore_mem>>) src(%arg11 : memref<128x128xf32, #tpu.memory_space<vmem>>) dst(%dma_wait3A_364 : memref<10240x128xf32, #tpu.memory_space<vmem_shared>>)
      tpu.yield
    }) : () -> ()
    %dma_wait3A_355 = arith.constant 0 : i32
    %dma_wait3A_356 = arith.constant 0 : i32
    %dma_wait3A_357 = tpu.memref_slice %arg2[%dma_wait3A_355, %dma_wait3A_356] : memref<10000x128xf32, #tpu.memory_space<hbm>> -> memref<10000x128xf32, #tpu.memory_space<hbm>>
    tpu.wait_indirect_dma semaphore(%arg15 : memref<!tpu.dma_semaphore, #tpu.memory_space<semaphore_mem>>) src(%dma_wait3A_357 : memref<10000x128xf32, #tpu.memory_space<hbm>>) dst(%arg12 : memref<128x128xf32, #tpu.memory_space<vmem>>)
    "tpu.region"() ({
      %run_scoped3A = tpu.sem_alloc : memref<!tpu.dma_semaphore, #tpu.memory_space<semaphore_mem>>
      %dma_start3A_359 = arith.constant 0 : i32
      %dma_start3A_360 = arith.constant 0 : i32
      %dma_start3A_361 = tpu.memref_slice %arg13[%dma_start3A_359, %dma_start3A_360] : memref<10240x128xf32, #tpu.memory_space<vmem_shared>> -> memref<10240x128xf32, #tpu.memory_space<vmem_shared>>
      tpu.enqueue_indirect_dma source(%arg12 : memref<128x128xf32, #tpu.memory_space<vmem>>) target(%dma_start3A_361 : memref<10240x128xf32, #tpu.memory_space<vmem_shared>>) offsets(%arg10 : memref<128xi32, #tpu.memory_space<vmem>>) semaphore(%run_scoped3A : memref<!tpu.dma_semaphore, #tpu.memory_space<semaphore_mem>>) {add = true}
      %dma_wait3A_362 = arith.constant 0 : i32
      %dma_wait3A_363 = arith.constant 0 : i32
      %dma_wait3A_364 = tpu.memref_slice %arg13[%dma_wait3A_362, %dma_wait3A_363] : memref<10240x128xf32, #tpu.memory_space<vmem_shared>> -> memref<10240x128xf32, #tpu.memory_space<vmem_shared>>
      tpu.wait_indirect_dma semaphore(%run_scoped3A : memref<!tpu.dma_semaphore, #tpu.memory_space<semaphore_mem>>) src(%arg12 : memref<128x128xf32, #tpu.memory_space<vmem>>) dst(%dma_wait3A_364 : memref<10240x128xf32, #tpu.memory_space<vmem_shared>>)
      tpu.yield
    }) : () -> ()
    %barrier3A_358 = arith.constant 0 : index
    tpu.barrier barrier_id(%barrier3A_358)
    "tpu.region"() ({
      %run_scoped3A = tpu.sem_alloc : memref<!tpu.dma_semaphore, #tpu.memory_space<semaphore_mem>>
      %dma_start3A_359 = arith.constant 0 : i32
      %dma_start3A_360 = tpu.memref_slice %arg5[%arg0, %mul3A_2, %dma_start3A_359] : memref<2x10240x128xf32, #tpu.memory_space<hbm>> -> memref<1x640x128xf32, #tpu.memory_space<hbm>>
      %dma_start3A_361 = tpu.memref_squeeze %dma_start3A_360 : memref<1x640x128xf32, #tpu.memory_space<hbm>> -> memref<640x128xf32, #tpu.memory_space<hbm>>
      %dma_start3A_362 = arith.constant 0 : i32
      %dma_start3A_363 = tpu.memref_slice %arg13[%mul3A_2, %dma_start3A_362] : memref<10240x128xf32, #tpu.memory_space<vmem_shared>> -> memref<640x128xf32, #tpu.memory_space<vmem_shared>>
      tpu.enqueue_dma source(%dma_start3A_363 : memref<640x128xf32, #tpu.memory_space<vmem_shared>>) target(%dma_start3A_361 : memref<640x128xf32, #tpu.memory_space<hbm>>) target_semaphore(%run_scoped3A : memref<!tpu.dma_semaphore, #tpu.memory_space<semaphore_mem>>)
      %dma_wait3A_364 = arith.constant 0 : i32
      %dma_wait3A_365 = tpu.memref_slice %arg5[%arg0, %mul3A_2, %dma_wait3A_364] : memref<2x10240x128xf32, #tpu.memory_space<hbm>> -> memref<1x640x128xf32, #tpu.memory_space<hbm>>
      %dma_wait3A_366 = tpu.memref_squeeze %dma_wait3A_365 : memref<1x640x128xf32, #tpu.memory_space<hbm>> -> memref<640x128xf32, #tpu.memory_space<hbm>>
      %dma_wait3A_367 = arith.constant 0 : i32
      %dma_wait3A_368 = tpu.memref_slice %arg13[%mul3A_2, %dma_wait3A_367] : memref<10240x128xf32, #tpu.memory_space<vmem_shared>> -> memref<640x128xf32, #tpu.memory_space<vmem_shared>>
      tpu.wait_dma2 semaphore(%run_scoped3A : memref<!tpu.dma_semaphore, #tpu.memory_space<semaphore_mem>>) src(%dma_wait3A_368 : memref<640x128xf32, #tpu.memory_space<vmem_shared>>) dst(%dma_wait3A_366 : memref<640x128xf32, #tpu.memory_space<hbm>>)
      tpu.yield
    }) : () -> ()
    return
  }
}

module attributes {stable_mosaic.version = 14 : i64} {
  func.func @_layer_body(%arg0: memref<2x10240x128xf32, #tpu.memory_space<vmem>>, %arg1: memref<10000x128xf32, #tpu.memory_space<vmem>>, %arg2: memref<128x128xf32, #tpu.memory_space<vmem>>, %arg3: memref<1x128xf32, #tpu.memory_space<vmem>>, %arg4: memref<1x128xf32, #tpu.memory_space<vmem>>, %arg5: memref<1x128xf32, #tpu.memory_space<vmem>>, %arg6: memref<10000x128xf32, #tpu.memory_space<vmem>>) attributes {dimension_semantics = [], scalar_prefetch = 0 : i64, scratch_operands = 0 : i64, tpu.core_type = #tpu.core_type<tc>} {
    %get3A = arith.constant 0 : index
    %get3A_0 = arith.constant 0 : index
    %get3A_1 = arith.constant 0 : index
    %get3A_2 = vector.load %arg0[%get3A, %get3A_0, %get3A_1] : memref<2x10240x128xf32, #tpu.memory_space<vmem>>, vector<1x10000x128xf32>
    %get3A_3 = vector.shape_cast %get3A_2 : vector<1x10000x128xf32> to vector<10000x128xf32>
    %get3A_4 = arith.constant 1 : index
    %get3A_5 = arith.constant 0 : index
    %get3A_6 = arith.constant 0 : index
    %get3A_7 = vector.load %arg0[%get3A_4, %get3A_5, %get3A_6] : memref<2x10240x128xf32, #tpu.memory_space<vmem>>, vector<1x10000x128xf32>
    %get3A_8 = vector.shape_cast %get3A_7 : vector<1x10000x128xf32> to vector<10000x128xf32>
    %add3A = arith.addf %get3A_3, %get3A_8 : vector<10000x128xf32>
    %get3A_9 = arith.constant 0 : index
    %get3A_10 = arith.constant 0 : index
    %get3A_11 = vector.load %arg2[%get3A_9, %get3A_10] : memref<128x128xf32, #tpu.memory_space<vmem>>, vector<128x128xf32>
    %dot_general3A = arith.constant dense<0.000000e+00> : vector<10000x128xf32>
    %dot_general3A_12 = tpu.matmul %add3A, %get3A_11, %dot_general3A {dimension_numbers = #tpu.dot_dimension_numbers<[1], [0], [0], [1], [0, 0, 1, 1], [], []>, transpose_lhs_hint = false} : vector<10000x128xf32>, vector<128x128xf32>, vector<10000x128xf32> -> vector<10000x128xf32>
    %get3A_13 = arith.constant 0 : index
    %get3A_14 = arith.constant 0 : index
    %get3A_15 = vector.load %arg3[%get3A_13, %get3A_14] : memref<1x128xf32, #tpu.memory_space<vmem>>, vector<1x128xf32>
    %add3A_16 = vector.broadcast %get3A_15 : vector<1x128xf32> to vector<10000x128xf32>
    %add3A_17 = arith.addf %dot_general3A_12, %add3A_16 : vector<10000x128xf32>
    %max3A = arith.constant 0.000000e+00 : f32
    %max3A_18 = vector.broadcast %max3A : f32 to vector<10000x128xf32>
    %max3A_19 = arith.maximumf %add3A_17, %max3A_18 : vector<10000x128xf32>
    %get3A_20 = arith.constant 0 : index
    %get3A_21 = arith.constant 0 : index
    %get3A_22 = vector.load %arg1[%get3A_20, %get3A_21] : memref<10000x128xf32, #tpu.memory_space<vmem>>, vector<10000x128xf32>
    %add3A_23 = arith.addf %max3A_19, %get3A_22 : vector<10000x128xf32>
    %reduce_sum3A = arith.constant dense<0.000000e+00> : vector<128xf32>
    %reduce_sum3A_24 = vector.multi_reduction <add>, %add3A_23, %reduce_sum3A [0] : vector<10000x128xf32> to vector<128xf32>
    %broadcast_in_dim3A = vector.shape_cast %reduce_sum3A_24 : vector<128xf32> to vector<1x128xf32>
    %div3A = arith.constant 1.000000e+04 : f32
    %div3A_25 = vector.broadcast %div3A : f32 to vector<1x128xf32>
    %div3A_26 = arith.divf %broadcast_in_dim3A, %div3A_25 : vector<1x128xf32>
    %sub3A = vector.broadcast %div3A_26 : vector<1x128xf32> to vector<10000x128xf32>
    %sub3A_27 = arith.subf %add3A_23, %sub3A : vector<10000x128xf32>
    %integer_pow3A = arith.mulf %sub3A_27, %sub3A_27 : vector<10000x128xf32>
    %reduce_sum3A_28 = arith.constant dense<0.000000e+00> : vector<128xf32>
    %reduce_sum3A_29 = vector.multi_reduction <add>, %integer_pow3A, %reduce_sum3A_28 [0] : vector<10000x128xf32> to vector<128xf32>
    %broadcast_in_dim3A_30 = vector.shape_cast %reduce_sum3A_29 : vector<128xf32> to vector<1x128xf32>
    %div3A_31 = arith.constant 1.000000e+04 : f32
    %div3A_32 = vector.broadcast %div3A_31 : f32 to vector<1x128xf32>
    %div3A_33 = arith.divf %broadcast_in_dim3A_30, %div3A_32 : vector<1x128xf32>
    %get3A_34 = arith.constant 0 : index
    %get3A_35 = arith.constant 0 : index
    %get3A_36 = vector.load %arg4[%get3A_34, %get3A_35] : memref<1x128xf32, #tpu.memory_space<vmem>>, vector<1x128xf32>
    %sub3A_37 = vector.broadcast %div3A_26 : vector<1x128xf32> to vector<10000x128xf32>
    %sub3A_38 = arith.subf %add3A_23, %sub3A_37 : vector<10000x128xf32>
    %mul3A = vector.broadcast %get3A_36 : vector<1x128xf32> to vector<10000x128xf32>
    %mul3A_39 = arith.mulf %mul3A, %sub3A_38 : vector<10000x128xf32>
    %add3A_40 = arith.constant 9.99999974E-6 : f32
    %add3A_41 = vector.broadcast %add3A_40 : f32 to vector<1x128xf32>
    %add3A_42 = arith.addf %div3A_33, %add3A_41 : vector<1x128xf32>
    %sqrt3A = math.sqrt %add3A_42 : vector<1x128xf32>
    %div3A_43 = vector.broadcast %sqrt3A : vector<1x128xf32> to vector<10000x128xf32>
    %div3A_44 = arith.divf %mul3A_39, %div3A_43 : vector<10000x128xf32>
    %get3A_45 = arith.constant 0 : index
    %get3A_46 = arith.constant 0 : index
    %get3A_47 = vector.load %arg5[%get3A_45, %get3A_46] : memref<1x128xf32, #tpu.memory_space<vmem>>, vector<1x128xf32>
    %add3A_48 = vector.broadcast %get3A_47 : vector<1x128xf32> to vector<10000x128xf32>
    %add3A_49 = arith.addf %div3A_44, %add3A_48 : vector<10000x128xf32>
    %swap3A = arith.constant 0 : index
    %swap3A_50 = arith.constant 0 : index
    %swap3A_51 = vector.load %arg6[%swap3A, %swap3A_50] : memref<10000x128xf32, #tpu.memory_space<vmem>>, vector<10000x128xf32>
    tpu.vector_store %arg6[%swap3A, %swap3A_50], %add3A_49 {strides = array<i32>} : memref<10000x128xf32, #tpu.memory_space<vmem>>, vector<10000x128xf32>,
    return
  }
}

module attributes {stable_mosaic.version = 14 : i64} {
  func.func @_res_body(%arg0: memref<10000x128xf32, #tpu.memory_space<vmem>>, %arg1: memref<128x128xf32, #tpu.memory_space<vmem>>, %arg2: memref<1x128xf32, #tpu.memory_space<vmem>>, %arg3: memref<10000x128xf32, #tpu.memory_space<vmem>>) attributes {dimension_semantics = [], scalar_prefetch = 0 : i64, scratch_operands = 0 : i64, tpu.core_type = #tpu.core_type<tc>} {
    %get3A = arith.constant 0 : index
    %get3A_0 = arith.constant 0 : index
    %get3A_1 = vector.load %arg0[%get3A, %get3A_0] : memref<10000x128xf32, #tpu.memory_space<vmem>>, vector<10000x128xf32>
    %get3A_2 = arith.constant 0 : index
    %get3A_3 = arith.constant 0 : index
    %get3A_4 = vector.load %arg1[%get3A_2, %get3A_3] : memref<128x128xf32, #tpu.memory_space<vmem>>, vector<128x128xf32>
    %dot_general3A = arith.constant dense<0.000000e+00> : vector<10000x128xf32>
    %dot_general3A_5 = tpu.matmul %get3A_1, %get3A_4, %dot_general3A {dimension_numbers = #tpu.dot_dimension_numbers<[1], [0], [0], [1], [0, 0, 1, 1], [], []>, transpose_lhs_hint = false} : vector<10000x128xf32>, vector<128x128xf32>, vector<10000x128xf32> -> vector<10000x128xf32>
    %get3A_6 = arith.constant 0 : index
    %get3A_7 = arith.constant 0 : index
    %get3A_8 = vector.load %arg2[%get3A_6, %get3A_7] : memref<1x128xf32, #tpu.memory_space<vmem>>, vector<1x128xf32>
    %add3A = vector.broadcast %get3A_8 : vector<1x128xf32> to vector<10000x128xf32>
    %add3A_9 = arith.addf %dot_general3A_5, %add3A : vector<10000x128xf32>
    %max3A = arith.constant 0.000000e+00 : f32
    %max3A_10 = vector.broadcast %max3A : f32 to vector<10000x128xf32>
    %max3A_11 = arith.maximumf %add3A_9, %max3A_10 : vector<10000x128xf32>
    %swap3A = arith.constant 0 : index
    %swap3A_12 = arith.constant 0 : index
    %swap3A_13 = vector.load %arg3[%swap3A, %swap3A_12] : memref<10000x128xf32, #tpu.memory_space<vmem>>, vector<10000x128xf32>
    tpu.vector_store %arg3[%swap3A, %swap3A_12], %max3A_11 {strides = array<i32>} : memref<10000x128xf32, #tpu.memory_space<vmem>>, vector<10000x128xf32>,
    return
  }
}

module attributes {stable_mosaic.version = 14 : i64} {
  func.func @_layer2_readout_body(%arg0: memref<2x10240x128xf32, #tpu.memory_space<vmem>>, %arg1: memref<10000x128xf32, #tpu.memory_space<vmem>>, %arg2: memref<128x128xf32, #tpu.memory_space<vmem>>, %arg3: memref<1x128xf32, #tpu.memory_space<vmem>>, %arg4: memref<1x128xf32, #tpu.memory_space<vmem>>, %arg5: memref<1x128xf32, #tpu.memory_space<vmem>>, %arg6: memref<1x128xf32, #tpu.memory_space<vmem>>, %arg7: memref<1x1xf32, #tpu.memory_space<vmem>>, %arg8: memref<1x256xf32, #tpu.memory_space<vmem>>) attributes {dimension_semantics = [], scalar_prefetch = 0 : i64, scratch_operands = 0 : i64, tpu.core_type = #tpu.core_type<tc>} {
    %get3A = arith.constant 0 : index
    %get3A_0 = arith.constant 0 : index
    %get3A_1 = arith.constant 0 : index
    %get3A_2 = vector.load %arg0[%get3A, %get3A_0, %get3A_1] : memref<2x10240x128xf32, #tpu.memory_space<vmem>>, vector<1x10000x128xf32>
    %get3A_3 = vector.shape_cast %get3A_2 : vector<1x10000x128xf32> to vector<10000x128xf32>
    %get3A_4 = arith.constant 1 : index
    %get3A_5 = arith.constant 0 : index
    %get3A_6 = arith.constant 0 : index
    %get3A_7 = vector.load %arg0[%get3A_4, %get3A_5, %get3A_6] : memref<2x10240x128xf32, #tpu.memory_space<vmem>>, vector<1x10000x128xf32>
    %get3A_8 = vector.shape_cast %get3A_7 : vector<1x10000x128xf32> to vector<10000x128xf32>
    %add3A = arith.addf %get3A_3, %get3A_8 : vector<10000x128xf32>
    %get3A_9 = arith.constant 0 : index
    %get3A_10 = arith.constant 0 : index
    %get3A_11 = vector.load %arg2[%get3A_9, %get3A_10] : memref<128x128xf32, #tpu.memory_space<vmem>>, vector<128x128xf32>
    %dot_general3A = arith.constant dense<0.000000e+00> : vector<10000x128xf32>
    %dot_general3A_12 = tpu.matmul %add3A, %get3A_11, %dot_general3A {dimension_numbers = #tpu.dot_dimension_numbers<[1], [0], [0], [1], [0, 0, 1, 1], [], []>, transpose_lhs_hint = false} : vector<10000x128xf32>, vector<128x128xf32>, vector<10000x128xf32> -> vector<10000x128xf32>
    %get3A_13 = arith.constant 0 : index
    %get3A_14 = arith.constant 0 : index
    %get3A_15 = vector.load %arg3[%get3A_13, %get3A_14] : memref<1x128xf32, #tpu.memory_space<vmem>>, vector<1x128xf32>
    %add3A_16 = vector.broadcast %get3A_15 : vector<1x128xf32> to vector<10000x128xf32>
    %add3A_17 = arith.addf %dot_general3A_12, %add3A_16 : vector<10000x128xf32>
    %max3A = arith.constant 0.000000e+00 : f32
    %max3A_18 = vector.broadcast %max3A : f32 to vector<10000x128xf32>
    %max3A_19 = arith.maximumf %add3A_17, %max3A_18 : vector<10000x128xf32>
    %get3A_20 = arith.constant 0 : index
    %get3A_21 = arith.constant 0 : index
    %get3A_22 = vector.load %arg1[%get3A_20, %get3A_21] : memref<10000x128xf32, #tpu.memory_space<vmem>>, vector<10000x128xf32>
    %add3A_23 = arith.addf %max3A_19, %get3A_22 : vector<10000x128xf32>
    %reduce_sum3A = arith.constant dense<0.000000e+00> : vector<128xf32>
    %reduce_sum3A_24 = vector.multi_reduction <add>, %add3A_23, %reduce_sum3A [0] : vector<10000x128xf32> to vector<128xf32>
    %broadcast_in_dim3A = vector.shape_cast %reduce_sum3A_24 : vector<128xf32> to vector<1x128xf32>
    %div3A = arith.constant 1.000000e+04 : f32
    %div3A_25 = vector.broadcast %div3A : f32 to vector<1x128xf32>
    %div3A_26 = arith.divf %broadcast_in_dim3A, %div3A_25 : vector<1x128xf32>
    %sub3A = vector.broadcast %div3A_26 : vector<1x128xf32> to vector<10000x128xf32>
    %sub3A_27 = arith.subf %add3A_23, %sub3A : vector<10000x128xf32>
    %integer_pow3A = arith.mulf %sub3A_27, %sub3A_27 : vector<10000x128xf32>
    %reduce_sum3A_28 = arith.constant dense<0.000000e+00> : vector<128xf32>
    %reduce_sum3A_29 = vector.multi_reduction <add>, %integer_pow3A, %reduce_sum3A_28 [0] : vector<10000x128xf32> to vector<128xf32>
    %broadcast_in_dim3A_30 = vector.shape_cast %reduce_sum3A_29 : vector<128xf32> to vector<1x128xf32>
    %div3A_31 = arith.constant 1.000000e+04 : f32
    %div3A_32 = vector.broadcast %div3A_31 : f32 to vector<1x128xf32>
    %div3A_33 = arith.divf %broadcast_in_dim3A_30, %div3A_32 : vector<1x128xf32>
    %get3A_34 = arith.constant 0 : index
    %get3A_35 = arith.constant 0 : index
    %get3A_36 = vector.load %arg4[%get3A_34, %get3A_35] : memref<1x128xf32, #tpu.memory_space<vmem>>, vector<1x128xf32>
    %sub3A_37 = vector.broadcast %div3A_26 : vector<1x128xf32> to vector<10000x128xf32>
    %sub3A_38 = arith.subf %add3A_23, %sub3A_37 : vector<10000x128xf32>
    %mul3A = vector.broadcast %get3A_36 : vector<1x128xf32> to vector<10000x128xf32>
    %mul3A_39 = arith.mulf %mul3A, %sub3A_38 : vector<10000x128xf32>
    %add3A_40 = arith.constant 9.99999974E-6 : f32
    %add3A_41 = vector.broadcast %add3A_40 : f32 to vector<1x128xf32>
    %add3A_42 = arith.addf %div3A_33, %add3A_41 : vector<1x128xf32>
    %sqrt3A = math.sqrt %add3A_42 : vector<1x128xf32>
    %div3A_43 = vector.broadcast %sqrt3A : vector<1x128xf32> to vector<10000x128xf32>
    %div3A_44 = arith.divf %mul3A_39, %div3A_43 : vector<10000x128xf32>
    %get3A_45 = arith.constant 0 : index
    %get3A_46 = arith.constant 0 : index
    %get3A_47 = vector.load %arg5[%get3A_45, %get3A_46] : memref<1x128xf32, #tpu.memory_space<vmem>>, vector<1x128xf32>
    %add3A_48 = vector.broadcast %get3A_47 : vector<1x128xf32> to vector<10000x128xf32>
    %add3A_49 = arith.addf %div3A_44, %add3A_48 : vector<10000x128xf32>
    %get3A_50 = arith.constant 0 : index
    %get3A_51 = arith.constant 0 : index
    %get3A_52 = vector.load %arg6[%get3A_50, %get3A_51] : memref<1x128xf32, #tpu.memory_space<vmem>>, vector<1x128xf32>
    %mul3A_53 = vector.broadcast %get3A_52 : vector<1x128xf32> to vector<10000x128xf32>
    %mul3A_54 = arith.mulf %add3A_49, %mul3A_53 : vector<10000x128xf32>
    %reduce_sum3A_55 = arith.constant dense<0.000000e+00> : vector<10000xf32>
    %reduce_sum3A_56 = vector.multi_reduction <add>, %mul3A_54, %reduce_sum3A_55 [1] : vector<10000x128xf32> to vector<10000xf32>
    %broadcast_in_dim3A_57 = vector.shape_cast %reduce_sum3A_56 : vector<10000xf32> to vector<10000x1xf32>
    %get3A_58 = arith.constant 0 : index
    %get3A_59 = arith.constant 0 : index
    %get3A_60 = vector.load %arg7[%get3A_58, %get3A_59] : memref<1x1xf32, #tpu.memory_space<vmem>>, vector<1x1xf32>
    %add3A_61 = vector.broadcast %get3A_60 : vector<1x1xf32> to vector<10000x1xf32>
    %add3A_62 = arith.addf %broadcast_in_dim3A_57, %add3A_61 : vector<10000x1xf32>
    %logistic3A = arith.negf %add3A_62 : vector<10000x1xf32>
    %logistic3A_63 = math.exp %logistic3A : vector<10000x1xf32>
    %logistic3A_64 = arith.constant 1.000000e+00 : f32
    %logistic3A_65 = vector.broadcast %logistic3A_64 : f32 to vector<10000x1xf32>
    %logistic3A_66 = arith.addf %logistic3A_65, %logistic3A_63 : vector<10000x1xf32>
    %logistic3A_67 = arith.divf %logistic3A_65, %logistic3A_66 : vector<10000x1xf32>
    %mul3A_68 = vector.broadcast %logistic3A_67 : vector<10000x1xf32> to vector<10000x128xf32>
    %mul3A_69 = arith.mulf %mul3A_68, %add3A_49 : vector<10000x128xf32>
    %reduce_sum3A_70 = arith.constant dense<0.000000e+00> : vector<128xf32>
    %reduce_sum3A_71 = vector.multi_reduction <add>, %mul3A_69, %reduce_sum3A_70 [0] : vector<10000x128xf32> to vector<128xf32>
    %broadcast_in_dim3A_72 = vector.shape_cast %reduce_sum3A_71 : vector<128xf32> to vector<1x128xf32>
    %swap3A = arith.constant 0 : index
    %swap3A_73 = arith.constant 0 : index
    %swap3A_74 = vector.load %arg8[%swap3A, %swap3A_73] : memref<1x256xf32, #tpu.memory_space<vmem>>, vector<1x128xf32>
    tpu.vector_store %arg8[%swap3A, %swap3A_73], %broadcast_in_dim3A_72 {strides = array<i32>} : memref<1x256xf32, #tpu.memory_space<vmem>>, vector<1x128xf32>,
    %reduce_max3A = arith.constant dense<0xFF800000> : vector<128xf32>
    %reduce_max3A_75 = vector.multi_reduction <maximumf>, %add3A_49, %reduce_max3A [0] : vector<10000x128xf32> to vector<128xf32>
    %broadcast_in_dim3A_76 = vector.shape_cast %reduce_max3A_75 : vector<128xf32> to vector<1x128xf32>
    %swap3A_77 = arith.constant 0 : index
    %swap3A_78 = arith.constant 128 : index
    %swap3A_79 = vector.load %arg8[%swap3A_77, %swap3A_78] : memref<1x256xf32, #tpu.memory_space<vmem>>, vector<1x128xf32>
    tpu.vector_store %arg8[%swap3A_77, %swap3A_78], %broadcast_in_dim3A_76 {strides = array<i32>} : memref<1x256xf32, #tpu.memory_space<vmem>>, vector<1x128xf32>,
    return
  }
}

</mosaic_0001>

<sc_bundles>
// kernel: kernel.11.cloned.1.call-start
scs
__scs_entry_jumppad:
0x0: {  	(pc) =	sbr.rel $0x88, $3  }
0x1: {  	(tag) =	ssettag $0x0;
	lr =	simm.s32 $0x1  }
0x2: {  	[smem:$0x3F91] =	sst lr;
	_ =	strace $0xD0000000  }
0x3: {  	_ = 	snop  }
0x4: {  	_ = 	snop  }
0x5: {  	_ = 	snop  }
0x6: {  	_ = 	snop  }
0x7: {  	_ = 	snop  }
__scs_overlays_trampoline_lowered:
0x8: {  	[smem:$0x3FA0] =	sst s0  }
0x9: {  	[smem:$0x3FA1] =	sst s1  }
0xa: {  	[smem:$0x3FA2] =	sst s2  }
0xb: {  	[smem:$0x3FA3] =	sst s3  }
0xc: {  	[smem:$0x3FA4] =	sst s4  }
0xd: {  	[smem:$0x3FA5] =	sst s5  }
0xe: {  	[smem:$0x3FA6] =	sst s6  }
0xf: {  	[smem:$0x3FA7] =	sst s7  }
0x10: {  	[smem:$0x3FA8] =	sst s8  }
0x11: {  	[smem:$0x3FA9] =	sst s9;
	s0 =	simm.s32 @!p0 $0x0  }
0x12: {  	s1 =	sld [smem:$0x3F8F];
	s0 =	simm.s32 @p0 $0x1  }
0x13: {  	[smem:$0x3FAA] =	sst s0;
	s0 =	simm.s32 @!p1 $0x0  }
0x14: {  	s2 =	sld [smem:$0x3F8E];
	s0 =	simm.s32 @p1 $0x1  }
0x15: {  	[smem:$0x3FAB] =	sst s0;
	s0 =	simm.s32 @!p2 $0x0  }
0x16: {  	s3 =	sld [smem:$0x3FDB];
	s0 =	simm.s32 @p2 $0x1  }
0x17: {  	s4 =	simm.s32 $0x1BF5;
	[smem:$0x3FAD] =	sst s0  }
0x18: {  	s0 =	sld [smem:$0x3F90];
	_ =	swait.ge [sflag:s4], $0x0  }
0x19: {  	s7 =	sld [smem:$0x3F91]  }
0x1a: {  	s8 =	sadd.s32 $0xFFFFE003, lr  }
0x1b: {  	s9 =	sadd.s32 $0xFFFFFEF7, lr;
	s5 =	simm.s32 $0xFFFFFFFF;
	p2 =	slt.u32 s8, $0xFFFFF086  }
0x1c: {  	p1 =	slt.u32 s9, $0xF7A;
	s5 =	simm.s32 @!p2 $0x0  }
0x1d: {  	s5 =	simm.s32 @p1 $0x1;
	p0 =	seq.s32 s7, s2  }
0x1e: {  	s7 =	smul.u32 @!p0 $0xF7A, s2;
	p2 =	seq.s32 @!p0 s5, $0x0  }
0x1f: {  	s9 =	smul.u32 $0xF7A, s1;
	s8 =	simm.s32 @!p0 $0x1BF5;
	p2 =	por !p2, p0  }
0x20: {  	[sflag:s8] =	ssyncset.s32 @!p0 $0xFFFFF086;
	s6 =	sadd.s32 @!p0 s3, s7;
	s7 =	simm.s32 @!p0 $0x108  }
0x21: {  	s3 =	sadd.s32 s3, s9;
	s6 =	sadd.s32 @!p0 $0x88, s6;
	s7 =	simm.s32 @p2 $0x1082  }
0x22: {  	[simem:s7], [sflag:s8] =	dma.local @!p0 [hbm:s6], $0xF7A  }
0x23: {  	s9 =	sor.u32 $0xD0000000, s2;
	s6 =	simm.s32 $0x108;
	_ =	swait.ge @!p0 [sflag:s8], $0x0  }
0x24: {  	s3 =	sadd.s32 $0x88, s3;
	s6 =	simm.s32 @!p1 $0x1082;
	[sflag:s4] =	ssyncset.s32 $0xFFFFF086  }
0x25: {  	[simem:s6], [sflag:s4] =	dma.local [hbm:s3], $0xF7A  }
0x26: {  	[smem:$0x3F91] =	sst s1;
	(tag) =	ssettag s2;
	_ =	strace s9  }
0x27: {  	s1 =	sld [smem:$0x3FA1]  }
0x28: {  	s2 =	sld [smem:$0x3FA2]  }
0x29: {  	s4 =	sld [smem:$0x3FA4]  }
0x2a: {  	p0 =	seq.s32 s5, $0x0;
	s5 =	sld [smem:$0x3FA5]  }
0x2b: {  	s6 =	sld [smem:$0x3FA6]  }
0x2c: {  	s7 =	sld [smem:$0x3FA7]  }
0x2d: {  	s3 =	simm.s32 $0x108;
	s8 =	sld [smem:$0x3FA8]  }
0x2e: {  	s3 =	simm.s32 @!p0 $0x1082;
	s9 =	sld [smem:$0x3FA9]  }
0x2f: {  	lr =	sadd.s32 s0, s3;
	s0 =	sld [smem:$0x3FA0]  }
0x30: {  	s3 =	sld [smem:$0x3FA3]  }
0x31: {  	[smem:$0x3FAC] =	sst s10  }
0x32: {  	s10 =	sld [smem:$0x3FAA];
	_ =	sdelay $0x3  }
0x33: {  	p0 =	seq.s32 s10, $0x1;
	s10 =	sld [smem:$0x3FAC];
	_ =	sdelay $0x3  }
0x34: {  	[smem:$0x3FAC] =	sst s10  }
0x35: {  	s10 =	sld [smem:$0x3FAB];
	_ =	sdelay $0x3  }
0x36: {  	p1 =	seq.s32 s10, $0x1;
	s10 =	sld [smem:$0x3FAC];
	_ =	sdelay $0x3  }
0x37: {  	[smem:$0x3FAC] =	sst s10  }
0x38: {  	s10 =	sld [smem:$0x3FAD]  }
0x39: {  	_ = 	snop;
	(pc) =	sbr.ind lr, $3  }
0x3a: {  	_ = 	snop  }
0x3b: {  	_ = 	snop  }
0x3c: {  	p2 =	seq.s32 s10, $0x1;
	s10 =	sld [smem:$0x3FAC]  }
0x3d: {  	_ =	shalt  }
0x3e: {  	_ =	shalt  }
0x3f: {  	_ =	shalt  }
0x40: {  	_ =	shalt  }
0x41: {  	_ =	shalt  }
0x42: {  	_ =	shalt  }
0x43: {  	_ =	shalt  }
0x44: {  	_ =	shalt  }
0x45: {  	_ =	shalt  }
0x46: {  	_ =	shalt  }
0x47: {  	_ =	shalt  }
0x48: {  	_ =	shalt  }
0x49: {  	_ =	shalt  }
0x4a: {  	_ =	shalt  }
0x4b: {  	_ =	shalt  }
0x4c: {  	_ =	shalt  }
0x4d: {  	_ =	shalt  }
0x4e: {  	_ =	shalt  }
0x4f: {  	_ =	shalt  }
0x50: {  	_ =	shalt  }
0x51: {  	_ =	shalt  }
0x52: {  	_ =	shalt  }
0x53: {  	_ =	shalt  }
0x54: {  	_ =	shalt  }
0x55: {  	_ =	shalt  }
0x56: {  	_ =	shalt  }
0x57: {  	_ =	shalt  }
0x58: {  	_ =	shalt  }
0x59: {  	_ =	shalt  }
0x5a: {  	_ =	shalt  }
0x5b: {  	_ =	shalt  }
0x5c: {  	_ =	shalt  }
0x5d: {  	_ =	shalt  }
0x5e: {  	_ =	shalt  }
0x5f: {  	_ =	shalt  }
0x60: {  	_ =	shalt  }
0x61: {  	_ =	shalt  }
0x62: {  	_ =	shalt  }
0x63: {  	_ =	shalt  }
0x64: {  	_ =	shalt  }
0x65: {  	_ =	shalt  }
0x66: {  	_ =	shalt  }
0x67: {  	_ =	shalt  }
0x68: {  	_ =	shalt  }
0x69: {  	_ =	shalt  }
0x6a: {  	_ =	shalt  }
0x6b: {  	_ =	shalt  }
0x6c: {  	_ =	shalt  }
0x6d: {  	_ =	shalt  }
0x6e: {  	_ =	shalt  }
0x6f: {  	_ =	shalt  }
0x70: {  	_ =	shalt  }
0x71: {  	_ =	shalt  }
0x72: {  	_ =	shalt  }
0x73: {  	_ =	shalt  }
0x74: {  	_ =	shalt  }
0x75: {  	_ =	shalt  }
0x76: {  	_ =	shalt  }
0x77: {  	_ =	shalt  }
0x78: {  	_ =	shalt  }
0x79: {  	_ =	shalt  }
0x7a: {  	_ =	shalt  }
0x7b: {  	_ =	shalt  }
0x7c: {  	_ =	shalt  }
0x7d: {  	_ =	shalt  }
0x7e: {  	_ =	shalt  }
0x7f: {  	_ =	shalt  }
0x80: {  	_ =	shalt  }
0x81: {  	_ =	shalt  }
0x82: {  	_ =	shalt  }
0x83: {  	_ =	shalt  }
0x84: {  	_ =	shalt  }
0x85: {  	_ =	shalt  }
0x86: {  	_ =	shalt  }
0x87: {  	_ =	shalt  }
.Lfunc_end0:
.L_simem_size_0:
called_computation.1_lowered:
.L_overlay_start_0:
0x88: {  	s2 =	sld [smem:$0x3FD9]  }
0x89: {  	s3 =	sld [smem:$0x3FFE];
	_ =	sdelay $0x1  }
0x8a: {  	s1 =	srdreg.scid  }
0x8b: {  	s0 =	sand.u32 $0x1, s1  }
0x8c: {  	s16 =	sshll.u32 s0, $0xA;
	s2 =	sadd.s32 s3, s2  }
0x8d: {  	s2 =	sadd.s32 s2, s16  }
0x8e: {  	[smem:$0x3FB8] =	sst s2  }
0x8f: {  	_ = 	snop  }
0x90: {  	(tm) =	ssettm $0x1  }
0x91: {  	s17 =	sld [smem:$0x3FFB];
	_ =	sdelay $0x3  }
0x92: {  	_ =	strace s17  }
0x93: {  	s2 =	sld [smem:$0x3FFC];
	_ =	sdelay $0x3  }
0x94: {  	_ =	strace s2  }
0x95: {  	s2 =	sld [smem:$0x3FFD];
	_ =	sdelay $0x3  }
0x96: {  	_ =	strace s2  }
0x97: {  	_ =	strace $0x8FFFFFFF  }
0x98: {  	s18 =	sld [smem:$0x3FDB];
	_ =	sdelay $0x1  }
0x99: {  	s19 =	simm.s32 $_scs_section_size  }
0x9a: {  	s4 =	simm.s32 $_size__tile_overlayer_lowered;
	s5 =	simm.s32 $_tile_overlayer_lowered  }
0x9b: {  	s22 =	simm.s32 $0x1BFF;
	s21 =	sshll.u32 s5, $0x1;
	s2 =	sadd.s32 s19, s18  }
0x9c: {  	s6 =	simm.s32 $0x0;
	s20 =	sshll.u32 s4, $0x1;
	s4 =	sadd.s32 s21, s2  }
0x9d: {  	[timem:s6], [sflag:s22] =	dma.local [hbm:s4], s20  }
0x9e: {  	_ =	swait.ge [sflag:s22], s20  }
0x9f: {  	s3 =	ssub.s32 $0x0, s20;
	[sflag:s22] =	ssyncset.done $0x0  }
0xa0: {  	[sflag:s22] =	ssyncadd.s32 s3;
	_ =	sdelay $0x1  }
0xa1: {  	s23 =	simm.s32 $0x1B8B  }
0xa2: {  	_ =	swait.ge [sflag:s23], $0x1  }
0xa3: {  	[sflag:s23] =	ssyncset.done $0x0  }
0xa4: {  	s25 =	simm.s32 $0x1B8E;
	s24 =	sld [smem:$0x3FFE];
	[sflag:s23] =	ssyncadd.s32 $0xFFFFFFFF  }
0xa5: {  	s26 =	simm.s32 $execute0_lowered;
	[smem:$0x3FD2] =	sst s25  }
0xa6: {  	s4 =	sshll.u32 s26, $0x1;
	_ =	strace $0x80000049;
	[dreg:$0x1] =	wrdreg $0xFFFFFFFF  }
0xa7: {  	s28 =	simm.s32 $_size_execute0_lowered;
	s2 =	sadd.s32 s2, s4;
	[dreg:$0x0] =	wrdreg $0x0  }
0xa8: {  	s4 =	sshll.u32 s28, $0x1;
	[dreg:$0x2] =	wrdreg s2  }
0xa9: {  	[dreg:$0x3] =	wrdreg s4  }
0xaa: {  	[dreg:$0x4] =	wrdreg $0xC0  }
0xab: {  	_ =	task [dreg:s6], $0x5FFFF  }
0xac: {  	[dreg:$0x1] =	wrdreg $0xFFFFFFFF  }
0xad: {  	[dreg:$0x0] =	wrdreg $0x60  }
0xae: {  	[dreg:$0x2] =	wrdreg s24  }
0xaf: {  	[dreg:$0x3] =	wrdreg $0xAA000  }
0xb0: {  	[dreg:$0x4] =	wrdreg $0x9  }
0xb1: {  	_ =	task.clear_ibuf [dreg:s6], $0x5FFFF;
	_ =	strace $0x90000049  }
0xb2: {  	s29 =	simm.s32 $0x9;
	_ =	strace $0x8000004B  }
0xb3: {  	_ =	swait.ge [sflag:s29], $0x1  }
0xb4: {  	[sflag:s29] =	ssyncadd.s32 $0xFFFFFFFF  }
0xb5: {  	_ =	strace $0x9000004B  }
0xb6: {  	_ =	sfence  }
0xb7: {  	s30 =	sld [smem:$0x0];
	_ =	sdelay $0x2  }
0xb8: {  	s31 =	sshll.u32 s1, $0xD;
	s1 =	sshrl.u32 s1, $0x2  }
0xb9: {  	s3 =	sand.u32 $0x4000, s31;
	s1 =	sadd.s32 s1, s30  }
0xba: {  	s0 =	sor.u32 s3, s0;
	s1 =	sshll.u32 s1, $0x11  }
0xbb: {  	s0 =	sor.u32 s1, s0  }
0xbc: {  	s0 =	sadd.s32 $0x8F2B, s0  }
0xbd: {  	[sflag:s0] =	ssyncadd.remote.s32 $0x1  }
0xbe: {  	_ =	sfence.sel $0xFFFF  }
0xbf: {  	[dreg:$0x0] =	wrdreg $0xFFFFFFFF;
	(pc) =	sbr.abs _section_cstart, $3  }
0xc0: {  	[dreg:$0x1] =	wrdreg $0xFFFFFFFF  }
0xc1: {  	_ =	task.clear_ibuf [dreg:s6], $0x2FFFF;
	_ =	strace $0x9FFFFFFF  }
0xc2: {  	(tm) =	ssettm $0x7FFFFFFF  }
0xc3: {  	_ =	shalt  }
tec
execute0_lowered:
.L_overlay_start_1:
0x0: {  	(tag) =	ssettag $0x1  }
0x1: {  	s5 =	rddreg [dreg:$0x0]  }
0x2: {  	s2 =	rddreg [dreg:$0x1]  }
0x3: {  	s0 =	rddreg [dreg:$0x2]  }
0x4: {  	s3 =	simm.s32 $0x0;
	s1 =	stileid.u32;
	s4 =	srdreg.scid  }
0x5: {  	s14 =	simm.s32 $0x1;
	s15 =	simm.s32 $0x80;
	s16 =	simm.s32 $0x2800  }
0x6: {  	s17 =	simm.s32 $0x2A00;
	s18 =	simm.s32 $0x2900;
	s19 =	simm.s32 $0x6A00  }
0x7: {  	s20 =	simm.s32 $0x2880;
	s21 =	simm.s32 $0x2;
	s22 =	simm.s32 $0x2980  }
0x8: {  	s24 =	simm.s32 $0x0;
	[smem:$0x7FF] =	sst s3;
	s6 =	smul.u32 $0x14000, s1  }
0x9: {  	s7 =	sand.u32 $0x1, s4;
	s8 =	sshll.u32 s1, $0x7;
	s4 =	sadd.s32 $0x35000, s5  }
0xa: {  	s11 =	smul.u32 $0x50000, s1;
	s23 =	sshll.u32 s1, $0x6;
	_ =	strace $0x8000004A  }
0xb: {  	s9 =	smul.u32 $0x140000, s7;
	s8 =	sadd.s32 s8, s5;
	s30 =	ssub.s32 $0x2, s7  }
0xc: {  	s7 =	sshll.u32 s7, $0xB;
	s10 =	sshrl.u32 s6, $0x3;
	s12 =	sshrl.u32 s30, $0x1  }
0xd: {  	s31 =	sshrl.u32 s11, $0x2;
	s7 =	sadd.s32 s7, s8;
	s6 =	sadd.s32 s6, s9  }
0xe: {  	s10 =	sadd.s32 s10, s5;
	s9 =	ssub.s32 s30, s12;
	s11 =	sadd.s32 s31, s2  }
0xf: {  	s7 =	sadd.s32 $0x3000, s7;
	s12 =	simm.s32 $0x8000;
	s6 =	sshrl.u32 s6, $0x3  }
0x10: {  	s9 =	smax.u32 s9, $0x1;
	s13 =	sadd.s32 s6, s5;
	s5 =	sadd.s32 $0xD000, s10  }
0x11: {  	s6 =	sor.u32 $0x1C01, s23;
	s10 =	sshrl.u32 s11, $0x3;
	s11 =	simm.s32 $0x400  }
0x12: {  	s23 =	sor.u32 $0x1C03, s23;
	s8 =	sadd.s32 $0x5C200, s13;
	s13 =	simm.s32 $0x3  }
.LBB2_1:
0x13: {  	[spmem:s10], [sflag:s6] =	dma.local [hbm:s5], $0x2800  }
0x14: {  	[tilespmem:s3], [sflag:$0x3] =	stream.strided.gather [hbm4b:s7+s11], $0x2800, s12, s11, $0x38;
	[tilespmem:$0x1EA00] =	vst v63  }
0x15: {  	_ =	swait.ge [sflag:s13], $0x2800  }
0x16: {  	[sflag:s13] =	ssyncset.done $0x0  }
0x17: {  	[sflag:s13] =	ssyncadd.s32 $0xFFFFD800  }
0x18: {  	v0 =	vld [tilespmem:$0x0];
	_ =	sdelay $0x1  }
0x19: {  	v1 =	vld [tilespmem:$0x10];
	_ =	sdelay $0x1  }
0x1a: {  	v2 =	vld [tilespmem:$0x20]  }
0x1b: {  	v3 =	vand.u32 $0xFFFF, v0  }
0x1c: {  	v63 =	vld [tilespmem:$0x30];
	v0 =	vshrl.u32 v0, $0x10;
	[tilespmem:$0x2800] =	vst v3  }
0x1d: {  	v6 =	vand.u32 $0xFFFF, v1;
	[tilespmem:$0x2880] =	vst v0  }
0x1e: {  	v8 =	vld [tilespmem:$0x40];
	v7 =	vshrl.u32 v1, $0x10;
	[tilespmem:$0x2810] =	vst v6  }
0x1f: {  	v9 =	vand.u32 $0xFFFF, v2;
	[tilespmem:$0x2890] =	vst v7  }
0x20: {  	v11 =	vld [tilespmem:$0x50];
	v10 =	vshrl.u32 v2, $0x10;
	[tilespmem:$0x2820] =	vst v9  }
0x21: {  	v12 =	vand.u32 $0xFFFF, v63;
	[tilespmem:$0x28A0] =	vst v10  }
0x22: {  	v14 =	vld [tilespmem:$0x60];
	v13 =	vshrl.u32 v63, $0x10;
	[tilespmem:$0x2830] =	vst v12  }
0x23: {  	v15 =	vand.u32 $0xFFFF, v8;
	[tilespmem:$0x28B0] =	vst v13  }
0x24: {  	v17 =	vld [tilespmem:$0x70];
	v16 =	vshrl.u32 v8, $0x10;
	[tilespmem:$0x2840] =	vst v15  }
0x25: {  	v18 =	vand.u32 $0xFFFF, v11;
	[tilespmem:$0x28C0] =	vst v16  }
0x26: {  	v20 =	vld [tilespmem:$0x80];
	v19 =	vshrl.u32 v11, $0x10;
	[tilespmem:$0x2850] =	vst v18  }
0x27: {  	v21 =	vand.u32 $0xFFFF, v14;
	[tilespmem:$0x28D0] =	vst v19  }
0x28: {  	v23 =	vld [tilespmem:$0x90];
	v22 =	vshrl.u32 v14, $0x10;
	[tilespmem:$0x2860] =	vst v21  }
0x29: {  	v24 =	vand.u32 $0xFFFF, v17;
	[tilespmem:$0x28E0] =	vst v22  }
0x2a: {  	v26 =	vld [tilespmem:$0xA0];
	v25 =	vshrl.u32 v17, $0x10;
	[tilespmem:$0x2870] =	vst v24  }
0x2b: {  	v27 =	vand.u32 $0xFFFF, v20;
	[tilespmem:$0x28F0] =	vst v25  }
0x2c: {  	v29 =	vld [tilespmem:$0xB0];
	v28 =	vshrl.u32 v20, $0x10;
	[tilespmem:$0x2900] =	vst v27  }
0x2d: {  	v30 =	vand.u32 $0xFFFF, v23;
	[tilespmem:$0x2980] =	vst v28  }
0x2e: {  	v32 =	vld [tilespmem:$0xC0];
	v31 =	vshrl.u32 v23, $0x10;
	[tilespmem:$0x2910] =	vst v30  }
0x2f: {  	v33 =	vand.u32 $0xFFFF, v26;
	[tilespmem:$0x2990] =	vst v31  }
0x30: {  	v35 =	vld [tilespmem:$0xD0];
	v34 =	vshrl.u32 v26, $0x10;
	[tilespmem:$0x2920] =	vst v33  }
0x31: {  	v36 =	vand.u32 $0xFFFF, v29;
	[tilespmem:$0x29A0] =	vst v34  }
0x32: {  	v38 =	vld [tilespmem:$0xE0];
	v37 =	vshrl.u32 v29, $0x10;
	[tilespmem:$0x2930] =	vst v36  }
0x33: {  	v39 =	vand.u32 $0xFFFF, v32;
	[tilespmem:$0x29B0] =	vst v37  }
0x34: {  	v41 =	vld [tilespmem:$0xF0];
	v40 =	vshrl.u32 v32, $0x10;
	[tilespmem:$0x2940] =	vst v39  }
0x35: {  	v42 =	vand.u32 $0xFFFF, v35;
	[tilespmem:$0x29C0] =	vst v40  }
0x36: {  	v43 =	vshrl.u32 v35, $0x10;
	[tilespmem:$0x2950] =	vst v42  }
0x37: {  	v44 =	vand.u32 $0xFFFF, v38;
	[tilespmem:$0x29D0] =	vst v43  }
0x38: {  	v45 =	vshrl.u32 v38, $0x10;
	[tilespmem:$0x2960] =	vst v44  }
0x39: {  	v46 =	vand.u32 $0xFFFF, v41;
	[tilespmem:$0x29E0] =	vst v45  }
0x3a: {  	v47 =	vshrl.u32 v41, $0x10;
	[tilespmem:$0x2970] =	vst v46  }
0x3b: {  	[tilespmem:$0x29F0] =	vst v47  }
0x3c: {  	_ =	swait.ge [sflag:s14], $0x2800  }
0x3d: {  	[sflag:s14] =	ssyncset.done $0x0  }
0x3e: {  	[sflag:s14] =	ssyncadd.s32 $0xFFFFD800  }
0x3f: {  	[bflag:$0x0] =	sbarrier.arrive $0xFFFF  }
0x40: {  	[tilespmem:s17], [sflag:$0x1] =	stream.indirect.gather [hbm4b:s4+s15], $0x80, s16, s15, $0xb8;
	[tilespmem:$0x1EA00] =	vst v63  }
0x41: {  	_ = 	snop  }
0x42: {  	[tilespmem:s19], [sflag:$0x2] =	stream.indirect.gather [hbm4b:s4+s15], $0x80, s18, s15, $0xb8;
	[tilespmem:$0x1EA00] =	vst v63  }
0x43: {  	_ =	swait.ge [sflag:s14], $0x4000  }
0x44: {  	[sflag:s14] =	ssyncset.done $0x0  }
0x45: {  	[sflag:s14] =	ssyncadd.s32 $0xFFFFC000  }
0x46: {  	[spmem:s2] =	stream.indirect.scatter.add.f32 [tilespmem:s17], [sflag:$0x3], $0x80, s20, s15, $0xb8;
	[tilespmem:$0x1EA00] =	vst v63  }
0x47: {  	_ =	swait.ge [sflag:s13], $0x4000  }
0x48: {  	[sflag:s13] =	ssyncset.done $0x0  }
0x49: {  	s25 =	simm.s32 $0x1F0;
	[sflag:s13] =	ssyncadd.s32 $0xFFFFC000  }
0x4a: {  	v48 =	vld [tilespmem:s25+$0xFFFFFF10];
	_ =	sdelay $0x4  }
0x4b: {  	v49 =	vand.u32 $0xFFFF, v48  }
0x4c: {  	v0 =	vshrl.u32 v48, $0x10;
	[tilespmem:$0x2800] =	vst v49  }
0x4d: {  	[tilespmem:$0x2880] =	vst v0  }
0x4e: {  	v0 =	vld [tilespmem:s25+$0xFFFFFF20];
	_ =	sdelay $0x4  }
0x4f: {  	v50 =	vand.u32 $0xFFFF, v0  }
0x50: {  	v0 =	vshrl.u32 v0, $0x10;
	[tilespmem:$0x2810] =	vst v50  }
0x51: {  	[tilespmem:$0x2890] =	vst v0  }
0x52: {  	v0 =	vld [tilespmem:s25+$0xFFFFFF30];
	_ =	sdelay $0x4  }
0x53: {  	v51 =	vand.u32 $0xFFFF, v0  }
0x54: {  	v0 =	vshrl.u32 v0, $0x10;
	[tilespmem:$0x2820] =	vst v51  }
0x55: {  	[tilespmem:$0x28A0] =	vst v0  }
0x56: {  	v0 =	vld [tilespmem:s25+$0xFFFFFF40];
	_ =	sdelay $0x4  }
0x57: {  	v52 =	vand.u32 $0xFFFF, v0  }
0x58: {  	v0 =	vshrl.u32 v0, $0x10;
	[tilespmem:$0x2830] =	vst v52  }
0x59: {  	[tilespmem:$0x28B0] =	vst v0  }
0x5a: {  	v0 =	vld [tilespmem:s25+$0xFFFFFF50];
	_ =	sdelay $0x4  }
0x5b: {  	v53 =	vand.u32 $0xFFFF, v0  }
0x5c: {  	v0 =	vshrl.u32 v0, $0x10;
	[tilespmem:$0x2840] =	vst v53  }
0x5d: {  	[tilespmem:$0x28C0] =	vst v0  }
0x5e: {  	v0 =	vld [tilespmem:s25+$0xFFFFFF60];
	_ =	sdelay $0x4  }
0x5f: {  	v54 =	vand.u32 $0xFFFF, v0  }
0x60: {  	v0 =	vshrl.u32 v0, $0x10;
	[tilespmem:$0x2850] =	vst v54  }
0x61: {  	[tilespmem:$0x28D0] =	vst v0  }
0x62: {  	v0 =	vld [tilespmem:s25+$0xFFFFFF70];
	_ =	sdelay $0x4  }
0x63: {  	v55 =	vand.u32 $0xFFFF, v0  }
0x64: {  	v0 =	vshrl.u32 v0, $0x10;
	[tilespmem:$0x2860] =	vst v55  }
0x65: {  	[tilespmem:$0x28E0] =	vst v0  }
0x66: {  	v0 =	vld [tilespmem:s25+$0xFFFFFF80];
	_ =	sdelay $0x4  }
0x67: {  	v56 =	vand.u32 $0xFFFF, v0  }
0x68: {  	v0 =	vshrl.u32 v0, $0x10;
	[tilespmem:$0x2870] =	vst v56  }
0x69: {  	[tilespmem:$0x28F0] =	vst v0  }
0x6a: {  	[tilespmem:s17], [sflag:$0x1] =	stream.indirect.gather [hbm4b:s4+s15], $0x80, s16, s15, $0xb8;
	[tilespmem:$0x1EA00] =	vst v63  }
0x6b: {  	_ =	swait.ge [sflag:s21], $0x4000  }
0x6c: {  	[sflag:s21] =	ssyncset.done $0x0  }
0x6d: {  	[sflag:s21] =	ssyncadd.s32 $0xFFFFC000  }
0x6e: {  	[spmem:s2] =	stream.indirect.scatter.add.f32 [tilespmem:s19], [sflag:$0x3], $0x80, s22, s15, $0xb8;
	[tilespmem:$0x1EA00] =	vst v63  }
0x6f: {  	_ =	swait.ge [sflag:s13], $0x4000  }
0x70: {  	[sflag:s13] =	ssyncset.done $0x0  }
0x71: {  	[sflag:s13] =	ssyncadd.s32 $0xFFFFC000  }
0x72: {  	v57 =	vld [tilespmem:s25+$0xFFFFFF90];
	_ =	sdelay $0x4  }
0x73: {  	v58 =	vand.u32 $0xFFFF, v57  }
0x74: {  	v0 =	vshrl.u32 v57, $0x10;
	[tilespmem:$0x2900] =	vst v58  }
0x75: {  	[tilespmem:$0x2980] =	vst v0  }
0x76: {  	v0 =	vld [tilespmem:s25+$0xFFFFFFA0];
	_ =	sdelay $0x4  }
0x77: {  	v59 =	vand.u32 $0xFFFF, v0  }
0x78: {  	v0 =	vshrl.u32 v0, $0x10;
	[tilespmem:$0x2910] =	vst v59  }
0x79: {  	[tilespmem:$0x2990] =	vst v0  }
0x7a: {  	v0 =	vld [tilespmem:s25+$0xFFFFFFB0];
	_ =	sdelay $0x4  }
0x7b: {  	v60 =	vand.u32 $0xFFFF, v0  }
0x7c: {  	v0 =	vshrl.u32 v0, $0x10;
	[tilespmem:$0x2920] =	vst v60  }
0x7d: {  	[tilespmem:$0x29A0] =	vst v0  }
0x7e: {  	v0 =	vld [tilespmem:s25+$0xFFFFFFC0];
	_ =	sdelay $0x4  }
0x7f: {  	v61 =	vand.u32 $0xFFFF, v0  }
0x80: {  	v0 =	vshrl.u32 v0, $0x10;
	[tilespmem:$0x2930] =	vst v61  }
0x81: {  	[tilespmem:$0x29B0] =	vst v0  }
0x82: {  	v0 =	vld [tilespmem:s25+$0xFFFFFFD0];
	_ =	sdelay $0x4  }
0x83: {  	v62 =	vand.u32 $0xFFFF, v0  }
0x84: {  	v0 =	vshrl.u32 v0, $0x10;
	[tilespmem:$0x2940] =	vst v62  }
0x85: {  	[tilespmem:$0x29C0] =	vst v0  }
0x86: {  	v0 =	vld [tilespmem:s25+$0xFFFFFFE0];
	_ =	sdelay $0x4  }
0x87: {  	v63 =	vand.u32 $0xFFFF, v0  }
0x88: {  	v0 =	vshrl.u32 v0, $0x10;
	[tilespmem:$0x2950] =	vst v63  }
0x89: {  	s26 =	simm.s32 $0xBC0;
	[tilespmem:$0x29D0] =	vst v0  }
.LBB2_2:
0x8a: {  	p0 =	sne.s32 s26, $0x9FC0;
	v0 =	vld [tilespmem:s25+$0xFFFFFFF0];
	s28 =	smov.u32 s26;
	s26 =	sadd.s32 $0x400, s26  }
0x8b: {  	_ =	sdelay $0x3  }
0x8c: {  	v1 =	vand.u32 $0xFFFF, v0;
	v0 =	vshrl.u32 v0, $0x10  }
0x8d: {  	[tilespmem:$0x2960] =	vst v1  }
0x8e: {  	[tilespmem:$0x29E0] =	vst v0  }
0x8f: {  	v0 =	vld [tilespmem:s25+$0x0];
	_ =	sdelay $0x4  }
0x90: {  	v1 =	vand.u32 $0xFFFF, v0;
	v0 =	vshrl.u32 v0, $0x10  }
0x91: {  	[tilespmem:$0x2970] =	vst v1  }
0x92: {  	[tilespmem:$0x29F0] =	vst v0  }
0x93: {  	[tilespmem:s19], [sflag:$0x2] =	stream.indirect.gather [hbm4b:s4+s15], $0x80, s18, s15, $0xb8;
	[tilespmem:$0x1EA00] =	vst v63  }
0x94: {  	_ =	swait.ge [sflag:s14], $0x4000  }
0x95: {  	[sflag:s14] =	ssyncset.done $0x0  }
0x96: {  	[sflag:s14] =	ssyncadd.s32 $0xFFFFC000  }
0x97: {  	[spmem:s2] =	stream.indirect.scatter.add.f32 [tilespmem:s17], [sflag:$0x3], $0x80, s20, s15, $0xb8;
	[tilespmem:$0x1EA00] =	vst v63  }
0x98: {  	_ =	swait.ge [sflag:s13], $0x4000  }
0x99: {  	[sflag:s13] =	ssyncset.done $0x0  }
0x9a: {  	s25 =	sshra.s32 s28, $0x2;
	[sflag:s13] =	ssyncadd.s32 $0xFFFFC000  }
0x9b: {  	v0 =	vld [tilespmem:s25+$0xFFFFFF10];
	_ =	sdelay $0x4  }
0x9c: {  	v1 =	vand.u32 $0xFFFF, v0;
	v0 =	vshrl.u32 v0, $0x10  }
0x9d: {  	[tilespmem:$0x2800] =	vst v1  }
0x9e: {  	[tilespmem:$0x2880] =	vst v0  }
0x9f: {  	v0 =	vld [tilespmem:s25+$0xFFFFFF20];
	_ =	sdelay $0x4  }
0xa0: {  	v1 =	vand.u32 $0xFFFF, v0;
	v0 =	vshrl.u32 v0, $0x10  }
0xa1: {  	[tilespmem:$0x2810] =	vst v1  }
0xa2: {  	[tilespmem:$0x2890] =	vst v0  }
0xa3: {  	v0 =	vld [tilespmem:s25+$0xFFFFFF30];
	_ =	sdelay $0x4  }
0xa4: {  	v1 =	vand.u32 $0xFFFF, v0;
	v0 =	vshrl.u32 v0, $0x10  }
0xa5: {  	[tilespmem:$0x2820] =	vst v1  }
0xa6: {  	[tilespmem:$0x28A0] =	vst v0  }
0xa7: {  	v0 =	vld [tilespmem:s25+$0xFFFFFF40];
	_ =	sdelay $0x4  }
0xa8: {  	v1 =	vand.u32 $0xFFFF, v0;
	v0 =	vshrl.u32 v0, $0x10  }
0xa9: {  	[tilespmem:$0x2830] =	vst v1  }
0xaa: {  	[tilespmem:$0x28B0] =	vst v0  }
0xab: {  	v0 =	vld [tilespmem:s25+$0xFFFFFF50];
	_ =	sdelay $0x4  }
0xac: {  	v1 =	vand.u32 $0xFFFF, v0;
	v0 =	vshrl.u32 v0, $0x10  }
0xad: {  	[tilespmem:$0x2840] =	vst v1  }
0xae: {  	[tilespmem:$0x28C0] =	vst v0  }
0xaf: {  	v0 =	vld [tilespmem:s25+$0xFFFFFF60];
	_ =	sdelay $0x4  }
0xb0: {  	v1 =	vand.u32 $0xFFFF, v0;
	v0 =	vshrl.u32 v0, $0x10  }
0xb1: {  	[tilespmem:$0x2850] =	vst v1  }
0xb2: {  	[tilespmem:$0x28D0] =	vst v0  }
0xb3: {  	v0 =	vld [tilespmem:s25+$0xFFFFFF70];
	_ =	sdelay $0x4  }
0xb4: {  	v1 =	vand.u32 $0xFFFF, v0;
	v0 =	vshrl.u32 v0, $0x10  }
0xb5: {  	[tilespmem:$0x2860] =	vst v1  }
0xb6: {  	[tilespmem:$0x28E0] =	vst v0  }
0xb7: {  	v0 =	vld [tilespmem:s25+$0xFFFFFF80];
	_ =	sdelay $0x4  }
0xb8: {  	v1 =	vand.u32 $0xFFFF, v0;
	v0 =	vshrl.u32 v0, $0x10  }
0xb9: {  	[tilespmem:$0x2870] =	vst v1  }
0xba: {  	[tilespmem:$0x28F0] =	vst v0  }
0xbb: {  	[tilespmem:s17], [sflag:$0x1] =	stream.indirect.gather [hbm4b:s4+s15], $0x80, s16, s15, $0xb8;
	[tilespmem:$0x1EA00] =	vst v63  }
0xbc: {  	_ =	swait.ge [sflag:s21], $0x4000  }
0xbd: {  	[sflag:s21] =	ssyncset.done $0x0  }
0xbe: {  	[sflag:s21] =	ssyncadd.s32 $0xFFFFC000  }
0xbf: {  	[spmem:s2] =	stream.indirect.scatter.add.f32 [tilespmem:s19], [sflag:$0x3], $0x80, s22, s15, $0xb8;
	[tilespmem:$0x1EA00] =	vst v63  }
0xc0: {  	_ =	swait.ge [sflag:s13], $0x4000  }
0xc1: {  	[sflag:s13] =	ssyncset.done $0x0  }
0xc2: {  	[sflag:s13] =	ssyncadd.s32 $0xFFFFC000  }
0xc3: {  	v0 =	vld [tilespmem:s25+$0xFFFFFF90];
	_ =	sdelay $0x4  }
0xc4: {  	v1 =	vand.u32 $0xFFFF, v0;
	v0 =	vshrl.u32 v0, $0x10  }
0xc5: {  	[tilespmem:$0x2900] =	vst v1  }
0xc6: {  	[tilespmem:$0x2980] =	vst v0  }
0xc7: {  	v0 =	vld [tilespmem:s25+$0xFFFFFFA0];
	_ =	sdelay $0x4  }
0xc8: {  	v1 =	vand.u32 $0xFFFF, v0;
	v0 =	vshrl.u32 v0, $0x10  }
0xc9: {  	[tilespmem:$0x2910] =	vst v1  }
0xca: {  	[tilespmem:$0x2990] =	vst v0  }
0xcb: {  	v0 =	vld [tilespmem:s25+$0xFFFFFFB0];
	_ =	sdelay $0x4  }
0xcc: {  	v1 =	vand.u32 $0xFFFF, v0;
	v0 =	vshrl.u32 v0, $0x10  }
0xcd: {  	[tilespmem:$0x2920] =	vst v1  }
0xce: {  	[tilespmem:$0x29A0] =	vst v0  }
0xcf: {  	v0 =	vld [tilespmem:s25+$0xFFFFFFC0];
	_ =	sdelay $0x4  }
0xd0: {  	v1 =	vand.u32 $0xFFFF, v0;
	v0 =	vshrl.u32 v0, $0x10  }
0xd1: {  	[tilespmem:$0x2930] =	vst v1  }
0xd2: {  	[tilespmem:$0x29B0] =	vst v0  }
0xd3: {  	v0 =	vld [tilespmem:s25+$0xFFFFFFD0];
	_ =	sdelay $0x4  }
0xd4: {  	v1 =	vand.u32 $0xFFFF, v0;
	v0 =	vshrl.u32 v0, $0x10  }
0xd5: {  	[tilespmem:$0x2940] =	vst v1  }
0xd6: {  	[tilespmem:$0x29C0] =	vst v0  }
0xd7: {  	v0 =	vld [tilespmem:s25+$0xFFFFFFE0];
	_ =	sdelay $0x2  }
.Ltmp0:
0xd8: {  	(pc) =	sbr.rel @p0 .LBB2_2-.Ltmp0, $4  }
0xd9: {  	_ = 	snop  }
0xda: {  	v1 =	vand.u32 $0xFFFF, v0;
	v0 =	vshrl.u32 v0, $0x10  }
0xdb: {  	[tilespmem:$0x2950] =	vst v1  }
0xdc: {  	[tilespmem:$0x29D0] =	vst v0  }
0xdd: {  	v0 =	vld [tilespmem:s25+$0xFFFFFFF0];
	_ =	sdelay $0x4  }
0xde: {  	v1 =	vand.u32 $0xFFFF, v0  }
0xdf: {  	v0 =	vshrl.u32 v0, $0x10;
	[tilespmem:$0x2960] =	vst v1  }
0xe0: {  	[tilespmem:$0x29E0] =	vst v0  }
0xe1: {  	v0 =	vld [tilespmem:s25+$0x0];
	_ =	sdelay $0x4  }
0xe2: {  	v63 =	vand.u32 $0xFFFF, v0  }
0xe3: {  	v0 =	vshrl.u32 v0, $0x10;
	[tilespmem:$0x2970] =	vst v63  }
0xe4: {  	[tilespmem:$0x29F0] =	vst v0  }
0xe5: {  	[tilespmem:s19], [sflag:$0x2] =	stream.indirect.gather [hbm4b:s4+s15], $0x80, s18, s15, $0xb8;
	[tilespmem:$0x1EA00] =	vst v63  }
0xe6: {  	_ =	swait.ge [sflag:s14], $0x4000  }
0xe7: {  	[sflag:s14] =	ssyncset.done $0x0  }
0xe8: {  	[sflag:s14] =	ssyncadd.s32 $0xFFFFC000  }
0xe9: {  	[spmem:s2] =	stream.indirect.scatter.add.f32 [tilespmem:s17], [sflag:$0x3], $0x80, s20, s15, $0xb8;
	[tilespmem:$0x1EA00] =	vst v63  }
0xea: {  	_ =	swait.ge [sflag:s13], $0x4000  }
0xeb: {  	[sflag:s13] =	ssyncset.done $0x0  }
0xec: {  	[sflag:s13] =	ssyncadd.s32 $0xFFFFC000  }
0xed: {  	_ =	swait.ge [sflag:s21], $0x4000  }
0xee: {  	[sflag:s21] =	ssyncset.done $0x0  }
0xef: {  	[sflag:s21] =	ssyncadd.s32 $0xFFFFC000  }
0xf0: {  	[spmem:s2] =	stream.indirect.scatter.add.f32 [tilespmem:s19], [sflag:$0x3], $0x80, s22, s15, $0xb8;
	[tilespmem:$0x1EA00] =	vst v63  }
0xf1: {  	_ =	swait.ge [sflag:s13], $0x4000  }
0xf2: {  	s24 =	sadd.s32 $0x1, s24;
	[sflag:s13] =	ssyncset.done $0x0  }
0xf3: {  	p0 =	sne.s32 s24, s9;
	[sflag:s13] =	ssyncadd.s32 $0xFFFFC000  }
.Ltmp1:
0xf4: {  	[bflag:$0x0] =	sbarrier.arrive $0xFFFF;
	(pc) =	sbr.rel @p0 .LBB2_1-.Ltmp1, $4  }
0xf5: {  	[hbm:s8], [sflag:s23] =	dma.local [spmem:s10], $0x2800  }
0xf6: {  	_ =	swait.ge [sflag:s13], $0x2800  }
0xf7: {  	[sflag:s13] =	ssyncset.done $0x0  }
0xf8: {  	[sflag:s13] =	ssyncadd.s32 $0xFFFFD800  }
0xf9: {  	_ =	sfence.sel $0x180000  }
0xfa: {  	[bflag:$0x0] =	sbarrier.arrive $0xFFFF  }
0xfb: {  	p0 =	sne.s32 s1, $0x0;
	_ =	strace $0x9000004A  }
0xfc: {  	s0 =	sadd.s32 @!p0 $0x100000, s0;
	[bflag:$0x2] =	sbarrier.arrive $0xFFFF  }
0xfd: {  	[sflag:s0] =	ssyncadd.tile.s32 @!p0 $0x1;
	_ =	shalt  }
.Lfunc_end2:
_tile_overlayer_lowered:
.L_overlay_start_2:
0xfe: {  	(tag) =	ssettag $0x2  }
0xff: {  	s0 =	rddreg [dreg:$0x0];
	s2 =	stileid.u32  }
0x100: {  	s1 =	rddreg [dreg:$0x1];
	p0 =	sne.s32 s2, $0x0  }
0x101: {  	s3 =	rddreg [dreg:$0x2];
	[bflag:$0x3] =	sbarrier.arrive $0xFFFF;
	s2 =	simm.s32 @!p0 $0x1C03  }
0x102: {  	[timem:s3], [sflag:s2] =	dma.local @!p0 [hbm:s0], s1  }
0x103: {  	s0 =	simm.s32 @!p0 $0x3  }
0x104: {  	_ =	swait.ge @!p0 [sflag:s0], s1  }
0x105: {  	s1 =	ssub.s32 @!p0 $0x0, s1;
	[sflag:s0] =	ssyncset.done @!p0 $0x0  }
0x106: {  	[sflag:s0] =	ssyncadd.s32 @!p0 s1  }
0x107: {  	[bflag:$0x3] =	sbarrier.arrive $0xFFFF  }
0x108: {  	_ =	shalt  }

// kernel: kernel.8.cloned.1.call-start
scs
__scs_entry_jumppad:
0x0: {  	(pc) =	sbr.rel $0x88, $3  }
0x1: {  	(tag) =	ssettag $0x0;
	lr =	simm.s32 $0x1  }
0x2: {  	[smem:$0x3F91] =	sst lr;
	_ =	strace $0xD0000000  }
0x3: {  	_ = 	snop  }
0x4: {  	_ = 	snop  }
0x5: {  	_ = 	snop  }
0x6: {  	_ = 	snop  }
0x7: {  	_ = 	snop  }
__scs_overlays_trampoline_lowered:
0x8: {  	[smem:$0x3FA0] =	sst s0  }
0x9: {  	[smem:$0x3FA1] =	sst s1  }
0xa: {  	[smem:$0x3FA2] =	sst s2  }
0xb: {  	[smem:$0x3FA3] =	sst s3  }
0xc: {  	[smem:$0x3FA4] =	sst s4  }
0xd: {  	[smem:$0x3FA5] =	sst s5  }
0xe: {  	[smem:$0x3FA6] =	sst s6  }
0xf: {  	[smem:$0x3FA7] =	sst s7  }
0x10: {  	[smem:$0x3FA8] =	sst s8  }
0x11: {  	[smem:$0x3FA9] =	sst s9;
	s0 =	simm.s32 @!p0 $0x0  }
0x12: {  	s1 =	sld [smem:$0x3F8F];
	s0 =	simm.s32 @p0 $0x1  }
0x13: {  	[smem:$0x3FAA] =	sst s0;
	s0 =	simm.s32 @!p1 $0x0  }
0x14: {  	s2 =	sld [smem:$0x3F8E];
	s0 =	simm.s32 @p1 $0x1  }
0x15: {  	[smem:$0x3FAB] =	sst s0;
	s0 =	simm.s32 @!p2 $0x0  }
0x16: {  	s3 =	sld [smem:$0x3FDB];
	s0 =	simm.s32 @p2 $0x1  }
0x17: {  	s4 =	simm.s32 $0x1BF5;
	[smem:$0x3FAD] =	sst s0  }
0x18: {  	s0 =	sld [smem:$0x3F90];
	_ =	swait.ge [sflag:s4], $0x0  }
0x19: {  	s7 =	sld [smem:$0x3F91]  }
0x1a: {  	s8 =	sadd.s32 $0xFFFFE003, lr  }
0x1b: {  	s9 =	sadd.s32 $0xFFFFFEF7, lr;
	s5 =	simm.s32 $0xFFFFFFFF;
	p2 =	slt.u32 s8, $0xFFFFF086  }
0x1c: {  	p1 =	slt.u32 s9, $0xF7A;
	s5 =	simm.s32 @!p2 $0x0  }
0x1d: {  	s5 =	simm.s32 @p1 $0x1;
	p0 =	seq.s32 s7, s2  }
0x1e: {  	s7 =	smul.u32 @!p0 $0xF7A, s2;
	p2 =	seq.s32 @!p0 s5, $0x0  }
0x1f: {  	s9 =	smul.u32 $0xF7A, s1;
	s8 =	simm.s32 @!p0 $0x1BF5;
	p2 =	por !p2, p0  }
0x20: {  	[sflag:s8] =	ssyncset.s32 @!p0 $0xFFFFF086;
	s6 =	sadd.s32 @!p0 s3, s7;
	s7 =	simm.s32 @!p0 $0x108  }
0x21: {  	s3 =	sadd.s32 s3, s9;
	s6 =	sadd.s32 @!p0 $0x88, s6;
	s7 =	simm.s32 @p2 $0x1082  }
0x22: {  	[simem:s7], [sflag:s8] =	dma.local @!p0 [hbm:s6], $0xF7A  }
0x23: {  	s9 =	sor.u32 $0xD0000000, s2;
	s6 =	simm.s32 $0x108;
	_ =	swait.ge @!p0 [sflag:s8], $0x0  }
0x24: {  	s3 =	sadd.s32 $0x88, s3;
	s6 =	simm.s32 @!p1 $0x1082;
	[sflag:s4] =	ssyncset.s32 $0xFFFFF086  }
0x25: {  	[simem:s6], [sflag:s4] =	dma.local [hbm:s3], $0xF7A  }
0x26: {  	[smem:$0x3F91] =	sst s1;
	(tag) =	ssettag s2;
	_ =	strace s9  }
0x27: {  	s1 =	sld [smem:$0x3FA1]  }
0x28: {  	s2 =	sld [smem:$0x3FA2]  }
0x29: {  	s4 =	sld [smem:$0x3FA4]  }
0x2a: {  	p0 =	seq.s32 s5, $0x0;
	s5 =	sld [smem:$0x3FA5]  }
0x2b: {  	s6 =	sld [smem:$0x3FA6]  }
0x2c: {  	s7 =	sld [smem:$0x3FA7]  }
0x2d: {  	s3 =	simm.s32 $0x108;
	s8 =	sld [smem:$0x3FA8]  }
0x2e: {  	s3 =	simm.s32 @!p0 $0x1082;
	s9 =	sld [smem:$0x3FA9]  }
0x2f: {  	lr =	sadd.s32 s0, s3;
	s0 =	sld [smem:$0x3FA0]  }
0x30: {  	s3 =	sld [smem:$0x3FA3]  }
0x31: {  	[smem:$0x3FAC] =	sst s10  }
0x32: {  	s10 =	sld [smem:$0x3FAA];
	_ =	sdelay $0x3  }
0x33: {  	p0 =	seq.s32 s10, $0x1;
	s10 =	sld [smem:$0x3FAC];
	_ =	sdelay $0x3  }
0x34: {  	[smem:$0x3FAC] =	sst s10  }
0x35: {  	s10 =	sld [smem:$0x3FAB];
	_ =	sdelay $0x3  }
0x36: {  	p1 =	seq.s32 s10, $0x1;
	s10 =	sld [smem:$0x3FAC];
	_ =	sdelay $0x3  }
0x37: {  	[smem:$0x3FAC] =	sst s10  }
0x38: {  	s10 =	sld [smem:$0x3FAD]  }
0x39: {  	_ = 	snop;
	(pc) =	sbr.ind lr, $3  }
0x3a: {  	_ = 	snop  }
0x3b: {  	_ = 	snop  }
0x3c: {  	p2 =	seq.s32 s10, $0x1;
	s10 =	sld [smem:$0x3FAC]  }
0x3d: {  	_ =	shalt  }
0x3e: {  	_ =	shalt  }
0x3f: {  	_ =	shalt  }
0x40: {  	_ =	shalt  }
0x41: {  	_ =	shalt  }
0x42: {  	_ =	shalt  }
0x43: {  	_ =	shalt  }
0x44: {  	_ =	shalt  }
0x45: {  	_ =	shalt  }
0x46: {  	_ =	shalt  }
0x47: {  	_ =	shalt  }
0x48: {  	_ =	shalt  }
0x49: {  	_ =	shalt  }
0x4a: {  	_ =	shalt  }
0x4b: {  	_ =	shalt  }
0x4c: {  	_ =	shalt  }
0x4d: {  	_ =	shalt  }
0x4e: {  	_ =	shalt  }
0x4f: {  	_ =	shalt  }
0x50: {  	_ =	shalt  }
0x51: {  	_ =	shalt  }
0x52: {  	_ =	shalt  }
0x53: {  	_ =	shalt  }
0x54: {  	_ =	shalt  }
0x55: {  	_ =	shalt  }
0x56: {  	_ =	shalt  }
0x57: {  	_ =	shalt  }
0x58: {  	_ =	shalt  }
0x59: {  	_ =	shalt  }
0x5a: {  	_ =	shalt  }
0x5b: {  	_ =	shalt  }
0x5c: {  	_ =	shalt  }
0x5d: {  	_ =	shalt  }
0x5e: {  	_ =	shalt  }
0x5f: {  	_ =	shalt  }
0x60: {  	_ =	shalt  }
0x61: {  	_ =	shalt  }
0x62: {  	_ =	shalt  }
0x63: {  	_ =	shalt  }
0x64: {  	_ =	shalt  }
0x65: {  	_ =	shalt  }
0x66: {  	_ =	shalt  }
0x67: {  	_ =	shalt  }
0x68: {  	_ =	shalt  }
0x69: {  	_ =	shalt  }
0x6a: {  	_ =	shalt  }
0x6b: {  	_ =	shalt  }
0x6c: {  	_ =	shalt  }
0x6d: {  	_ =	shalt  }
0x6e: {  	_ =	shalt  }
0x6f: {  	_ =	shalt  }
0x70: {  	_ =	shalt  }
0x71: {  	_ =	shalt  }
0x72: {  	_ =	shalt  }
0x73: {  	_ =	shalt  }
0x74: {  	_ =	shalt  }
0x75: {  	_ =	shalt  }
0x76: {  	_ =	shalt  }
0x77: {  	_ =	shalt  }
0x78: {  	_ =	shalt  }
0x79: {  	_ =	shalt  }
0x7a: {  	_ =	shalt  }
0x7b: {  	_ =	shalt  }
0x7c: {  	_ =	shalt  }
0x7d: {  	_ =	shalt  }
0x7e: {  	_ =	shalt  }
0x7f: {  	_ =	shalt  }
0x80: {  	_ =	shalt  }
0x81: {  	_ =	shalt  }
0x82: {  	_ =	shalt  }
0x83: {  	_ =	shalt  }
0x84: {  	_ =	shalt  }
0x85: {  	_ =	shalt  }
0x86: {  	_ =	shalt  }
0x87: {  	_ =	shalt  }
.Lfunc_end0:
.L_simem_size_0:
called_computation_lowered:
.L_overlay_start_0:
0x88: {  	s2 =	sld [smem:$0x3FD9]  }
0x89: {  	s3 =	sld [smem:$0x3FFE];
	_ =	sdelay $0x1  }
0x8a: {  	s1 =	srdreg.scid  }
0x8b: {  	s0 =	sand.u32 $0x1, s1  }
0x8c: {  	s17 =	sshll.u32 s0, $0xA;
	s2 =	sadd.s32 s3, s2  }
0x8d: {  	s2 =	sadd.s32 s2, s17  }
0x8e: {  	[smem:$0x3FB8] =	sst s2  }
0x8f: {  	_ = 	snop  }
0x90: {  	s2 =	sld [smem:$0x3FC9];
	(tm) =	ssettm $0x1  }
0x91: {  	s18 =	sld [smem:$0x3FFB];
	_ =	sdelay $0x3  }
0x92: {  	_ =	strace s18  }
0x93: {  	s3 =	sld [smem:$0x3FFC];
	_ =	sdelay $0x3  }
0x94: {  	_ =	strace s3  }
0x95: {  	s3 =	sld [smem:$0x3FFD];
	_ =	sdelay $0x3  }
0x96: {  	_ =	strace s3  }
0x97: {  	_ =	strace $0x8FFFFFFF  }
0x98: {  	s19 =	sld [smem:$0x3FDB];
	_ =	sdelay $0x1  }
0x99: {  	s4 =	simm.s32 $_scs_section_size  }
0x9a: {  	s5 =	simm.s32 $_size__tile_overlayer_lowered;
	s6 =	simm.s32 $_tile_overlayer_lowered  }
0x9b: {  	s22 =	simm.s32 $0x1BFF;
	s21 =	sshll.u32 s6, $0x1;
	s3 =	sadd.s32 s4, s19  }
0x9c: {  	s7 =	simm.s32 $0x0;
	s20 =	sshll.u32 s5, $0x1;
	s5 =	sadd.s32 s21, s3  }
0x9d: {  	[timem:s7], [sflag:s22] =	dma.local [hbm:s5], s20  }
0x9e: {  	_ =	swait.ge [sflag:s22], s20  }
0x9f: {  	s4 =	ssub.s32 $0x0, s20;
	[sflag:s22] =	ssyncset.done $0x0  }
0xa0: {  	[sflag:s22] =	ssyncadd.s32 s4;
	_ =	sdelay $0x1  }
0xa1: {  	s23 =	simm.s32 $0x1B8B  }
0xa2: {  	_ =	swait.ge [sflag:s23], $0x1  }
0xa3: {  	[sflag:s23] =	ssyncset.done $0x0  }
0xa4: {  	s25 =	simm.s32 $0x1B8E;
	s24 =	sld [smem:$0x3FFE];
	[sflag:s23] =	ssyncadd.s32 $0xFFFFFFFF  }
0xa5: {  	s26 =	simm.s32 $execute0_lowered;
	[smem:$0x3FD2] =	sst s25  }
0xa6: {  	s5 =	sshll.u32 s26, $0x1;
	_ =	strace $0x80000046;
	[dreg:$0x1] =	wrdreg $0xFFFFFFFF  }
0xa7: {  	s28 =	simm.s32 $_size_execute0_lowered;
	s3 =	sadd.s32 s3, s5;
	[dreg:$0x0] =	wrdreg $0x0  }
0xa8: {  	s5 =	sshll.u32 s28, $0x1;
	[dreg:$0x2] =	wrdreg s3  }
0xa9: {  	[dreg:$0x3] =	wrdreg s5  }
0xaa: {  	[dreg:$0x4] =	wrdreg $0xC0  }
0xab: {  	_ =	task [dreg:s7], $0x5FFFF  }
0xac: {  	[dreg:$0x1] =	wrdreg $0xFFFFFFFF  }
0xad: {  	[dreg:$0x0] =	wrdreg $0x60  }
0xae: {  	[dreg:$0x2] =	wrdreg s2  }
0xaf: {  	[dreg:$0x3] =	wrdreg s24  }
0xb0: {  	[dreg:$0x4] =	wrdreg $0xAA000  }
0xb1: {  	[dreg:$0x5] =	wrdreg $0x9  }
0xb2: {  	_ =	task.clear_ibuf [dreg:s7], $0x6FFFF;
	_ =	strace $0x90000046  }
0xb3: {  	s29 =	simm.s32 $0x9;
	_ =	strace $0x80000048  }
0xb4: {  	_ =	swait.ge [sflag:s29], $0x1  }
0xb5: {  	[sflag:s29] =	ssyncadd.s32 $0xFFFFFFFF  }
0xb6: {  	_ =	strace $0x90000048  }
0xb7: {  	_ =	sfence  }
0xb8: {  	s30 =	sld [smem:$0x0];
	_ =	sdelay $0x2  }
0xb9: {  	s31 =	sshll.u32 s1, $0xD;
	s1 =	sshrl.u32 s1, $0x2  }
0xba: {  	s3 =	sand.u32 $0x4000, s31;
	s1 =	sadd.s32 s1, s30  }
0xbb: {  	s0 =	sor.u32 s3, s0;
	s1 =	sshll.u32 s1, $0x11  }
0xbc: {  	s0 =	sor.u32 s1, s0  }
0xbd: {  	s0 =	sadd.s32 $0x8F2B, s0  }
0xbe: {  	[sflag:s0] =	ssyncadd.remote.s32 $0x1  }
0xbf: {  	_ =	sfence.sel $0xFFFF  }
0xc0: {  	[dreg:$0x0] =	wrdreg $0xFFFFFFFF;
	(pc) =	sbr.abs _section_cstart, $3  }
0xc1: {  	[dreg:$0x1] =	wrdreg $0xFFFFFFFF  }
0xc2: {  	_ =	task.clear_ibuf [dreg:s7], $0x2FFFF;
	_ =	strace $0x9FFFFFFF  }
0xc3: {  	(tm) =	ssettm $0x7FFFFFFF  }
tec
execute0_lowered:
.L_overlay_start_1:
0x0: {  	(tag) =	ssettag $0x1  }
0x1: {  	s2 =	rddreg [dreg:$0x0]  }
0x2: {  	s5 =	rddreg [dreg:$0x1]  }
0x3: {  	s3 =	rddreg [dreg:$0x2]  }
0x4: {  	s0 =	rddreg [dreg:$0x3]  }
0x5: {  	s1 =	stileid.u32;
	s6 =	srdreg.scid  }
0x6: {  	s4 =	simm.s32 $0x0;
	s14 =	simm.s32 $0x1;
	s15 =	simm.s32 $0x80  }
0x7: {  	s16 =	simm.s32 $0x2800;
	s17 =	simm.s32 $0x2A00;
	s18 =	simm.s32 $0x2900  }
0x8: {  	s19 =	simm.s32 $0x6A00;
	s20 =	simm.s32 $0x2880;
	s21 =	simm.s32 $0x2  }
0x9: {  	s22 =	simm.s32 $0x2980;
	s24 =	simm.s32 $0x0;
	s7 =	smul.u32 $0x14000, s1  }
0xa: {  	s6 =	sand.u32 $0x1, s6;
	[smem:$0x7FF] =	sst s4;
	s11 =	smul.u32 $0x50000, s1  }
0xb: {  	s8 =	sshll.u32 s1, $0x7;
	s23 =	sshll.u32 s1, $0x6;
	s9 =	smul.u32 $0x140000, s6  }
0xc: {  	_ =	strace $0x80000047;
	s8 =	sadd.s32 s8, s5;
	s29 =	ssub.s32 $0x2, s6  }
0xd: {  	s31 =	sshll.u32 s6, $0xB;
	s6 =	sor.u32 $0x1C01, s23;
	s23 =	sor.u32 $0x1C03, s23  }
0xe: {  	s10 =	sshrl.u32 s7, $0x3;
	s12 =	sshrl.u32 s29, $0x1;
	s30 =	sshrl.u32 s11, $0x2  }
0xf: {  	s7 =	sadd.s32 s7, s9;
	s10 =	sadd.s32 s10, s5;
	s9 =	ssub.s32 s29, s12  }
0x10: {  	s11 =	sadd.s32 s30, s3;
	s12 =	simm.s32 $0x8000;
	s7 =	sshrl.u32 s7, $0x3  }
0x11: {  	s9 =	smax.u32 s9, $0x1;
	s13 =	sadd.s32 s7, s5;
	s5 =	sadd.s32 $0xD000, s10  }
0x12: {  	s7 =	sadd.s32 s31, s8;
	s10 =	sshrl.u32 s11, $0x3;
	s11 =	simm.s32 $0x400  }
0x13: {  	s7 =	sadd.s32 $0x3000, s7;
	s8 =	sadd.s32 $0x35000, s13;
	s13 =	simm.s32 $0x3  }
.LBB2_1:
0x14: {  	[spmem:s10], [sflag:s6] =	dma.local [hbm:s5], $0x2800  }
0x15: {  	[tilespmem:s4], [sflag:$0x3] =	stream.strided.gather [hbm4b:s7+s11], $0x2800, s12, s11, $0x38;
	[tilespmem:$0x1EA00] =	vst v63  }
0x16: {  	_ =	swait.ge [sflag:s13], $0x2800  }
0x17: {  	[sflag:s13] =	ssyncset.done $0x0  }
0x18: {  	[sflag:s13] =	ssyncadd.s32 $0xFFFFD800  }
0x19: {  	v0 =	vld [tilespmem:$0x0];
	_ =	sdelay $0x1  }
0x1a: {  	v1 =	vld [tilespmem:$0x10];
	_ =	sdelay $0x1  }
0x1b: {  	v2 =	vld [tilespmem:$0x20]  }
0x1c: {  	v3 =	vand.u32 $0xFFFF, v0  }
0x1d: {  	v63 =	vld [tilespmem:$0x30];
	v0 =	vshrl.u32 v0, $0x10;
	[tilespmem:$0x2800] =	vst v3  }
0x1e: {  	v6 =	vand.u32 $0xFFFF, v1;
	[tilespmem:$0x2880] =	vst v0  }
0x1f: {  	v8 =	vld [tilespmem:$0x40];
	v7 =	vshrl.u32 v1, $0x10;
	[tilespmem:$0x2810] =	vst v6  }
0x20: {  	v9 =	vand.u32 $0xFFFF, v2;
	[tilespmem:$0x2890] =	vst v7  }
0x21: {  	v11 =	vld [tilespmem:$0x50];
	v10 =	vshrl.u32 v2, $0x10;
	[tilespmem:$0x2820] =	vst v9  }
0x22: {  	v12 =	vand.u32 $0xFFFF, v63;
	[tilespmem:$0x28A0] =	vst v10  }
0x23: {  	v14 =	vld [tilespmem:$0x60];
	v13 =	vshrl.u32 v63, $0x10;
	[tilespmem:$0x2830] =	vst v12  }
0x24: {  	v15 =	vand.u32 $0xFFFF, v8;
	[tilespmem:$0x28B0] =	vst v13  }
0x25: {  	v17 =	vld [tilespmem:$0x70];
	v16 =	vshrl.u32 v8, $0x10;
	[tilespmem:$0x2840] =	vst v15  }
0x26: {  	v18 =	vand.u32 $0xFFFF, v11;
	[tilespmem:$0x28C0] =	vst v16  }
0x27: {  	v20 =	vld [tilespmem:$0x80];
	v19 =	vshrl.u32 v11, $0x10;
	[tilespmem:$0x2850] =	vst v18  }
0x28: {  	v21 =	vand.u32 $0xFFFF, v14;
	[tilespmem:$0x28D0] =	vst v19  }
0x29: {  	v23 =	vld [tilespmem:$0x90];
	v22 =	vshrl.u32 v14, $0x10;
	[tilespmem:$0x2860] =	vst v21  }
0x2a: {  	v24 =	vand.u32 $0xFFFF, v17;
	[tilespmem:$0x28E0] =	vst v22  }
0x2b: {  	v26 =	vld [tilespmem:$0xA0];
	v25 =	vshrl.u32 v17, $0x10;
	[tilespmem:$0x2870] =	vst v24  }
0x2c: {  	v27 =	vand.u32 $0xFFFF, v20;
	[tilespmem:$0x28F0] =	vst v25  }
0x2d: {  	v29 =	vld [tilespmem:$0xB0];
	v28 =	vshrl.u32 v20, $0x10;
	[tilespmem:$0x2900] =	vst v27  }
0x2e: {  	v30 =	vand.u32 $0xFFFF, v23;
	[tilespmem:$0x2980] =	vst v28  }
0x2f: {  	v32 =	vld [tilespmem:$0xC0];
	v31 =	vshrl.u32 v23, $0x10;
	[tilespmem:$0x2910] =	vst v30  }
0x30: {  	v33 =	vand.u32 $0xFFFF, v26;
	[tilespmem:$0x2990] =	vst v31  }
0x31: {  	v35 =	vld [tilespmem:$0xD0];
	v34 =	vshrl.u32 v26, $0x10;
	[tilespmem:$0x2920] =	vst v33  }
0x32: {  	v36 =	vand.u32 $0xFFFF, v29;
	[tilespmem:$0x29A0] =	vst v34  }
0x33: {  	v38 =	vld [tilespmem:$0xE0];
	v37 =	vshrl.u32 v29, $0x10;
	[tilespmem:$0x2930] =	vst v36  }
0x34: {  	v39 =	vand.u32 $0xFFFF, v32;
	[tilespmem:$0x29B0] =	vst v37  }
0x35: {  	v41 =	vld [tilespmem:$0xF0];
	v40 =	vshrl.u32 v32, $0x10;
	[tilespmem:$0x2940] =	vst v39  }
0x36: {  	v42 =	vand.u32 $0xFFFF, v35;
	[tilespmem:$0x29C0] =	vst v40  }
0x37: {  	v43 =	vshrl.u32 v35, $0x10;
	[tilespmem:$0x2950] =	vst v42  }
0x38: {  	v44 =	vand.u32 $0xFFFF, v38;
	[tilespmem:$0x29D0] =	vst v43  }
0x39: {  	v45 =	vshrl.u32 v38, $0x10;
	[tilespmem:$0x2960] =	vst v44  }
0x3a: {  	v46 =	vand.u32 $0xFFFF, v41;
	[tilespmem:$0x29E0] =	vst v45  }
0x3b: {  	v47 =	vshrl.u32 v41, $0x10;
	[tilespmem:$0x2970] =	vst v46  }
0x3c: {  	[tilespmem:$0x29F0] =	vst v47  }
0x3d: {  	_ =	swait.ge [sflag:s14], $0x2800  }
0x3e: {  	[sflag:s14] =	ssyncset.done $0x0  }
0x3f: {  	[sflag:s14] =	ssyncadd.s32 $0xFFFFD800  }
0x40: {  	[bflag:$0x0] =	sbarrier.arrive $0xFFFF  }
0x41: {  	[tilespmem:s17], [sflag:$0x1] =	stream.indirect.gather [hbm4b:s2+s15], $0x80, s16, s15, $0xb8;
	[tilespmem:$0x1EA00] =	vst v63  }
0x42: {  	_ = 	snop  }
0x43: {  	[tilespmem:s19], [sflag:$0x2] =	stream.indirect.gather [hbm4b:s2+s15], $0x80, s18, s15, $0xb8;
	[tilespmem:$0x1EA00] =	vst v63  }
0x44: {  	_ =	swait.ge [sflag:s14], $0x4000  }
0x45: {  	[sflag:s14] =	ssyncset.done $0x0  }
0x46: {  	[sflag:s14] =	ssyncadd.s32 $0xFFFFC000  }
0x47: {  	[spmem:s3] =	stream.indirect.scatter.add.f32 [tilespmem:s17], [sflag:$0x3], $0x80, s20, s15, $0xb8;
	[tilespmem:$0x1EA00] =	vst v63  }
0x48: {  	_ =	swait.ge [sflag:s13], $0x4000  }
0x49: {  	[sflag:s13] =	ssyncset.done $0x0  }
0x4a: {  	s25 =	simm.s32 $0x1F0;
	[sflag:s13] =	ssyncadd.s32 $0xFFFFC000  }
0x4b: {  	v48 =	vld [tilespmem:s25+$0xFFFFFF10];
	_ =	sdelay $0x4  }
0x4c: {  	v49 =	vand.u32 $0xFFFF, v48  }
0x4d: {  	v0 =	vshrl.u32 v48, $0x10;
	[tilespmem:$0x2800] =	vst v49  }
0x4e: {  	[tilespmem:$0x2880] =	vst v0  }
0x4f: {  	v0 =	vld [tilespmem:s25+$0xFFFFFF20];
	_ =	sdelay $0x4  }
0x50: {  	v50 =	vand.u32 $0xFFFF, v0  }
0x51: {  	v0 =	vshrl.u32 v0, $0x10;
	[tilespmem:$0x2810] =	vst v50  }
0x52: {  	[tilespmem:$0x2890] =	vst v0  }
0x53: {  	v0 =	vld [tilespmem:s25+$0xFFFFFF30];
	_ =	sdelay $0x4  }
0x54: {  	v51 =	vand.u32 $0xFFFF, v0  }
0x55: {  	v0 =	vshrl.u32 v0, $0x10;
	[tilespmem:$0x2820] =	vst v51  }
0x56: {  	[tilespmem:$0x28A0] =	vst v0  }
0x57: {  	v0 =	vld [tilespmem:s25+$0xFFFFFF40];
	_ =	sdelay $0x4  }
0x58: {  	v52 =	vand.u32 $0xFFFF, v0  }
0x59: {  	v0 =	vshrl.u32 v0, $0x10;
	[tilespmem:$0x2830] =	vst v52  }
0x5a: {  	[tilespmem:$0x28B0] =	vst v0  }
0x5b: {  	v0 =	vld [tilespmem:s25+$0xFFFFFF50];
	_ =	sdelay $0x4  }
0x5c: {  	v53 =	vand.u32 $0xFFFF, v0  }
0x5d: {  	v0 =	vshrl.u32 v0, $0x10;
	[tilespmem:$0x2840] =	vst v53  }
0x5e: {  	[tilespmem:$0x28C0] =	vst v0  }
0x5f: {  	v0 =	vld [tilespmem:s25+$0xFFFFFF60];
	_ =	sdelay $0x4  }
0x60: {  	v54 =	vand.u32 $0xFFFF, v0  }
0x61: {  	v0 =	vshrl.u32 v0, $0x10;
	[tilespmem:$0x2850] =	vst v54  }
0x62: {  	[tilespmem:$0x28D0] =	vst v0  }
0x63: {  	v0 =	vld [tilespmem:s25+$0xFFFFFF70];
	_ =	sdelay $0x4  }
0x64: {  	v55 =	vand.u32 $0xFFFF, v0  }
0x65: {  	v0 =	vshrl.u32 v0, $0x10;
	[tilespmem:$0x2860] =	vst v55  }
0x66: {  	[tilespmem:$0x28E0] =	vst v0  }
0x67: {  	v0 =	vld [tilespmem:s25+$0xFFFFFF80];
	_ =	sdelay $0x4  }
0x68: {  	v56 =	vand.u32 $0xFFFF, v0  }
0x69: {  	v0 =	vshrl.u32 v0, $0x10;
	[tilespmem:$0x2870] =	vst v56  }
0x6a: {  	[tilespmem:$0x28F0] =	vst v0  }
0x6b: {  	[tilespmem:s17], [sflag:$0x1] =	stream.indirect.gather [hbm4b:s2+s15], $0x80, s16, s15, $0xb8;
	[tilespmem:$0x1EA00] =	vst v63  }
0x6c: {  	_ =	swait.ge [sflag:s21], $0x4000  }
0x6d: {  	[sflag:s21] =	ssyncset.done $0x0  }
0x6e: {  	[sflag:s21] =	ssyncadd.s32 $0xFFFFC000  }
0x6f: {  	[spmem:s3] =	stream.indirect.scatter.add.f32 [tilespmem:s19], [sflag:$0x3], $0x80, s22, s15, $0xb8;
	[tilespmem:$0x1EA00] =	vst v63  }
0x70: {  	_ =	swait.ge [sflag:s13], $0x4000  }
0x71: {  	[sflag:s13] =	ssyncset.done $0x0  }
0x72: {  	[sflag:s13] =	ssyncadd.s32 $0xFFFFC000  }
0x73: {  	v57 =	vld [tilespmem:s25+$0xFFFFFF90];
	_ =	sdelay $0x4  }
0x74: {  	v58 =	vand.u32 $0xFFFF, v57  }
0x75: {  	v0 =	vshrl.u32 v57, $0x10;
	[tilespmem:$0x2900] =	vst v58  }
0x76: {  	[tilespmem:$0x2980] =	vst v0  }
0x77: {  	v0 =	vld [tilespmem:s25+$0xFFFFFFA0];
	_ =	sdelay $0x4  }
0x78: {  	v59 =	vand.u32 $0xFFFF, v0  }
0x79: {  	v0 =	vshrl.u32 v0, $0x10;
	[tilespmem:$0x2910] =	vst v59  }
0x7a: {  	[tilespmem:$0x2990] =	vst v0  }
0x7b: {  	v0 =	vld [tilespmem:s25+$0xFFFFFFB0];
	_ =	sdelay $0x4  }
0x7c: {  	v60 =	vand.u32 $0xFFFF, v0  }
0x7d: {  	v0 =	vshrl.u32 v0, $0x10;
	[tilespmem:$0x2920] =	vst v60  }
0x7e: {  	[tilespmem:$0x29A0] =	vst v0  }
0x7f: {  	v0 =	vld [tilespmem:s25+$0xFFFFFFC0];
	_ =	sdelay $0x4  }
0x80: {  	v61 =	vand.u32 $0xFFFF, v0  }
0x81: {  	v0 =	vshrl.u32 v0, $0x10;
	[tilespmem:$0x2930] =	vst v61  }
0x82: {  	[tilespmem:$0x29B0] =	vst v0  }
0x83: {  	v0 =	vld [tilespmem:s25+$0xFFFFFFD0];
	_ =	sdelay $0x4  }
0x84: {  	v62 =	vand.u32 $0xFFFF, v0  }
0x85: {  	v0 =	vshrl.u32 v0, $0x10;
	[tilespmem:$0x2940] =	vst v62  }
0x86: {  	[tilespmem:$0x29C0] =	vst v0  }
0x87: {  	v0 =	vld [tilespmem:s25+$0xFFFFFFE0];
	_ =	sdelay $0x4  }
0x88: {  	v63 =	vand.u32 $0xFFFF, v0  }
0x89: {  	v0 =	vshrl.u32 v0, $0x10;
	[tilespmem:$0x2950] =	vst v63  }
0x8a: {  	s26 =	simm.s32 $0xBC0;
	[tilespmem:$0x29D0] =	vst v0  }
.LBB2_2:
0x8b: {  	p0 =	sne.s32 s26, $0x9FC0;
	v0 =	vld [tilespmem:s25+$0xFFFFFFF0];
	s28 =	smov.u32 s26;
	s26 =	sadd.s32 $0x400, s26  }
0x8c: {  	_ =	sdelay $0x3  }
0x8d: {  	v1 =	vand.u32 $0xFFFF, v0;
	v0 =	vshrl.u32 v0, $0x10  }
0x8e: {  	[tilespmem:$0x2960] =	vst v1  }
0x8f: {  	[tilespmem:$0x29E0] =	vst v0  }
0x90: {  	v0 =	vld [tilespmem:s25+$0x0];
	_ =	sdelay $0x4  }
0x91: {  	v1 =	vand.u32 $0xFFFF, v0;
	v0 =	vshrl.u32 v0, $0x10  }
0x92: {  	[tilespmem:$0x2970] =	vst v1  }
0x93: {  	[tilespmem:$0x29F0] =	vst v0  }
0x94: {  	[tilespmem:s19], [sflag:$0x2] =	stream.indirect.gather [hbm4b:s2+s15], $0x80, s18, s15, $0xb8;
	[tilespmem:$0x1EA00] =	vst v63  }
0x95: {  	_ =	swait.ge [sflag:s14], $0x4000  }
0x96: {  	[sflag:s14] =	ssyncset.done $0x0  }
0x97: {  	[sflag:s14] =	ssyncadd.s32 $0xFFFFC000  }
0x98: {  	[spmem:s3] =	stream.indirect.scatter.add.f32 [tilespmem:s17], [sflag:$0x3], $0x80, s20, s15, $0xb8;
	[tilespmem:$0x1EA00] =	vst v63  }
0x99: {  	_ =	swait.ge [sflag:s13], $0x4000  }
0x9a: {  	[sflag:s13] =	ssyncset.done $0x0  }
0x9b: {  	s25 =	sshra.s32 s28, $0x2;
	[sflag:s13] =	ssyncadd.s32 $0xFFFFC000  }
0x9c: {  	v0 =	vld [tilespmem:s25+$0xFFFFFF10];
	_ =	sdelay $0x4  }
0x9d: {  	v1 =	vand.u32 $0xFFFF, v0;
	v0 =	vshrl.u32 v0, $0x10  }
0x9e: {  	[tilespmem:$0x2800] =	vst v1  }
0x9f: {  	[tilespmem:$0x2880] =	vst v0  }
0xa0: {  	v0 =	vld [tilespmem:s25+$0xFFFFFF20];
	_ =	sdelay $0x4  }
0xa1: {  	v1 =	vand.u32 $0xFFFF, v0;
	v0 =	vshrl.u32 v0, $0x10  }
0xa2: {  	[tilespmem:$0x2810] =	vst v1  }
0xa3: {  	[tilespmem:$0x2890] =	vst v0  }
0xa4: {  	v0 =	vld [tilespmem:s25+$0xFFFFFF30];
	_ =	sdelay $0x4  }
0xa5: {  	v1 =	vand.u32 $0xFFFF, v0;
	v0 =	vshrl.u32 v0, $0x10  }
0xa6: {  	[tilespmem:$0x2820] =	vst v1  }
0xa7: {  	[tilespmem:$0x28A0] =	vst v0  }
0xa8: {  	v0 =	vld [tilespmem:s25+$0xFFFFFF40];
	_ =	sdelay $0x4  }
0xa9: {  	v1 =	vand.u32 $0xFFFF, v0;
	v0 =	vshrl.u32 v0, $0x10  }
0xaa: {  	[tilespmem:$0x2830] =	vst v1  }
0xab: {  	[tilespmem:$0x28B0] =	vst v0  }
0xac: {  	v0 =	vld [tilespmem:s25+$0xFFFFFF50];
	_ =	sdelay $0x4  }
0xad: {  	v1 =	vand.u32 $0xFFFF, v0;
	v0 =	vshrl.u32 v0, $0x10  }
0xae: {  	[tilespmem:$0x2840] =	vst v1  }
0xaf: {  	[tilespmem:$0x28C0] =	vst v0  }
0xb0: {  	v0 =	vld [tilespmem:s25+$0xFFFFFF60];
	_ =	sdelay $0x4  }
0xb1: {  	v1 =	vand.u32 $0xFFFF, v0;
	v0 =	vshrl.u32 v0, $0x10  }
0xb2: {  	[tilespmem:$0x2850] =	vst v1  }
0xb3: {  	[tilespmem:$0x28D0] =	vst v0  }
0xb4: {  	v0 =	vld [tilespmem:s25+$0xFFFFFF70];
	_ =	sdelay $0x4  }
0xb5: {  	v1 =	vand.u32 $0xFFFF, v0;
	v0 =	vshrl.u32 v0, $0x10  }
0xb6: {  	[tilespmem:$0x2860] =	vst v1  }
0xb7: {  	[tilespmem:$0x28E0] =	vst v0  }
0xb8: {  	v0 =	vld [tilespmem:s25+$0xFFFFFF80];
	_ =	sdelay $0x4  }
0xb9: {  	v1 =	vand.u32 $0xFFFF, v0;
	v0 =	vshrl.u32 v0, $0x10  }
0xba: {  	[tilespmem:$0x2870] =	vst v1  }
0xbb: {  	[tilespmem:$0x28F0] =	vst v0  }
0xbc: {  	[tilespmem:s17], [sflag:$0x1] =	stream.indirect.gather [hbm4b:s2+s15], $0x80, s16, s15, $0xb8;
	[tilespmem:$0x1EA00] =	vst v63  }
0xbd: {  	_ =	swait.ge [sflag:s21], $0x4000  }
0xbe: {  	[sflag:s21] =	ssyncset.done $0x0  }
0xbf: {  	[sflag:s21] =	ssyncadd.s32 $0xFFFFC000  }
0xc0: {  	[spmem:s3] =	stream.indirect.scatter.add.f32 [tilespmem:s19], [sflag:$0x3], $0x80, s22, s15, $0xb8;
	[tilespmem:$0x1EA00] =	vst v63  }
0xc1: {  	_ =	swait.ge [sflag:s13], $0x4000  }
0xc2: {  	[sflag:s13] =	ssyncset.done $0x0  }
0xc3: {  	[sflag:s13] =	ssyncadd.s32 $0xFFFFC000  }
0xc4: {  	v0 =	vld [tilespmem:s25+$0xFFFFFF90];
	_ =	sdelay $0x4  }
0xc5: {  	v1 =	vand.u32 $0xFFFF, v0;
	v0 =	vshrl.u32 v0, $0x10  }
0xc6: {  	[tilespmem:$0x2900] =	vst v1  }
0xc7: {  	[tilespmem:$0x2980] =	vst v0  }
0xc8: {  	v0 =	vld [tilespmem:s25+$0xFFFFFFA0];
	_ =	sdelay $0x4  }
0xc9: {  	v1 =	vand.u32 $0xFFFF, v0;
	v0 =	vshrl.u32 v0, $0x10  }
0xca: {  	[tilespmem:$0x2910] =	vst v1  }
0xcb: {  	[tilespmem:$0x2990] =	vst v0  }
0xcc: {  	v0 =	vld [tilespmem:s25+$0xFFFFFFB0];
	_ =	sdelay $0x4  }
0xcd: {  	v1 =	vand.u32 $0xFFFF, v0;
	v0 =	vshrl.u32 v0, $0x10  }
0xce: {  	[tilespmem:$0x2920] =	vst v1  }
0xcf: {  	[tilespmem:$0x29A0] =	vst v0  }
0xd0: {  	v0 =	vld [tilespmem:s25+$0xFFFFFFC0];
	_ =	sdelay $0x4  }
0xd1: {  	v1 =	vand.u32 $0xFFFF, v0;
	v0 =	vshrl.u32 v0, $0x10  }
0xd2: {  	[tilespmem:$0x2930] =	vst v1  }
0xd3: {  	[tilespmem:$0x29B0] =	vst v0  }
0xd4: {  	v0 =	vld [tilespmem:s25+$0xFFFFFFD0];
	_ =	sdelay $0x4  }
0xd5: {  	v1 =	vand.u32 $0xFFFF, v0;
	v0 =	vshrl.u32 v0, $0x10  }
0xd6: {  	[tilespmem:$0x2940] =	vst v1  }
0xd7: {  	[tilespmem:$0x29C0] =	vst v0  }
0xd8: {  	v0 =	vld [tilespmem:s25+$0xFFFFFFE0];
	_ =	sdelay $0x2  }
.Ltmp0:
0xd9: {  	(pc) =	sbr.rel @p0 .LBB2_2-.Ltmp0, $4  }
0xda: {  	_ = 	snop  }
0xdb: {  	v1 =	vand.u32 $0xFFFF, v0;
	v0 =	vshrl.u32 v0, $0x10  }
0xdc: {  	[tilespmem:$0x2950] =	vst v1  }
0xdd: {  	[tilespmem:$0x29D0] =	vst v0  }
0xde: {  	v0 =	vld [tilespmem:s25+$0xFFFFFFF0];
	_ =	sdelay $0x4  }
0xdf: {  	v1 =	vand.u32 $0xFFFF, v0  }
0xe0: {  	v0 =	vshrl.u32 v0, $0x10;
	[tilespmem:$0x2960] =	vst v1  }
0xe1: {  	[tilespmem:$0x29E0] =	vst v0  }
0xe2: {  	v0 =	vld [tilespmem:s25+$0x0];
	_ =	sdelay $0x4  }
0xe3: {  	v63 =	vand.u32 $0xFFFF, v0  }
0xe4: {  	v0 =	vshrl.u32 v0, $0x10;
	[tilespmem:$0x2970] =	vst v63  }
0xe5: {  	[tilespmem:$0x29F0] =	vst v0  }
0xe6: {  	[tilespmem:s19], [sflag:$0x2] =	stream.indirect.gather [hbm4b:s2+s15], $0x80, s18, s15, $0xb8;
	[tilespmem:$0x1EA00] =	vst v63  }
0xe7: {  	_ =	swait.ge [sflag:s14], $0x4000  }
0xe8: {  	[sflag:s14] =	ssyncset.done $0x0  }
0xe9: {  	[sflag:s14] =	ssyncadd.s32 $0xFFFFC000  }
0xea: {  	[spmem:s3] =	stream.indirect.scatter.add.f32 [tilespmem:s17], [sflag:$0x3], $0x80, s20, s15, $0xb8;
	[tilespmem:$0x1EA00] =	vst v63  }
0xeb: {  	_ =	swait.ge [sflag:s13], $0x4000  }
0xec: {  	[sflag:s13] =	ssyncset.done $0x0  }
0xed: {  	[sflag:s13] =	ssyncadd.s32 $0xFFFFC000  }
0xee: {  	_ =	swait.ge [sflag:s21], $0x4000  }
0xef: {  	[sflag:s21] =	ssyncset.done $0x0  }
0xf0: {  	[sflag:s21] =	ssyncadd.s32 $0xFFFFC000  }
0xf1: {  	[spmem:s3] =	stream.indirect.scatter.add.f32 [tilespmem:s19], [sflag:$0x3], $0x80, s22, s15, $0xb8;
	[tilespmem:$0x1EA00] =	vst v63  }
0xf2: {  	_ =	swait.ge [sflag:s13], $0x4000  }
0xf3: {  	s24 =	sadd.s32 $0x1, s24;
	[sflag:s13] =	ssyncset.done $0x0  }
0xf4: {  	p0 =	sne.s32 s24, s9;
	[sflag:s13] =	ssyncadd.s32 $0xFFFFC000  }
.Ltmp1:
0xf5: {  	[bflag:$0x0] =	sbarrier.arrive $0xFFFF;
	(pc) =	sbr.rel @p0 .LBB2_1-.Ltmp1, $4  }
0xf6: {  	[hbm:s8], [sflag:s23] =	dma.local [spmem:s10], $0x2800  }
0xf7: {  	_ =	swait.ge [sflag:s13], $0x2800  }
0xf8: {  	[sflag:s13] =	ssyncset.done $0x0  }
0xf9: {  	[sflag:s13] =	ssyncadd.s32 $0xFFFFD800  }
0xfa: {  	_ =	sfence.sel $0x180000  }
0xfb: {  	[bflag:$0x0] =	sbarrier.arrive $0xFFFF  }
0xfc: {  	p0 =	sne.s32 s1, $0x0;
	_ =	strace $0x90000047  }
0xfd: {  	s0 =	sadd.s32 @!p0 $0x100000, s0;
	[bflag:$0x2] =	sbarrier.arrive $0xFFFF  }
0xfe: {  	[sflag:s0] =	ssyncadd.tile.s32 @!p0 $0x1;
	_ =	shalt  }
.Lfunc_end2:
_tile_overlayer_lowered:
.L_overlay_start_2:
0xff: {  	(tag) =	ssettag $0x2  }
0x100: {  	s0 =	rddreg [dreg:$0x0];
	s2 =	stileid.u32  }
0x101: {  	s1 =	rddreg [dreg:$0x1];
	p0 =	sne.s32 s2, $0x0  }
0x102: {  	s3 =	rddreg [dreg:$0x2];
	[bflag:$0x3] =	sbarrier.arrive $0xFFFF;
	s2 =	simm.s32 @!p0 $0x1C03  }
0x103: {  	[timem:s3], [sflag:s2] =	dma.local @!p0 [hbm:s0], s1  }
0x104: {  	s0 =	simm.s32 @!p0 $0x3  }
0x105: {  	_ =	swait.ge @!p0 [sflag:s0], s1  }
0x106: {  	s1 =	ssub.s32 @!p0 $0x0, s1;
	[sflag:s0] =	ssyncset.done @!p0 $0x0  }
0x107: {  	[sflag:s0] =	ssyncadd.s32 @!p0 s1  }
0x108: {  	[bflag:$0x3] =	sbarrier.arrive $0xFFFF  }
0x109: {  	_ =	shalt  }

</sc_bundles>
